<compile_context>
chip_gen: v7x
topology: tpu7x:2x2x1
jax: 0.10.2.dev20260603
libtpu: 0.0.44.dev20260713+nightly
codegen_flags: <defaults>
</compile_context>

<pallas_src>
import functools

import jax
import jax.numpy as jnp
from jax import lax
from jax.experimental import pallas as pl
from jax.experimental.pallas import tpu as pltpu
from jax.experimental.pallas import tpu_sc as plsc

B = 1024
V = 100000
K = 100
NC, NS = 2, 16
NW = NC * NS
ROWS_PER_W = B // NW
NV = V // 16
MW = V // 4
MWP = 25008
NBINS = 2048
CAP1 = 768
CAP2 = 256
IMIN = -(2 ** 31)
IMAX = 2 ** 31 - 1


def _body(x_hbm, m_hbm, out_hbm, xrow, mrow, hist, ck1, ci1, ck2, ci2,
          orow, semx, semm):
    iota = lax.iota(jnp.int32, 16)
    idx4 = iota >> 2
    shamt = (iota & 3) * 8
    zero16 = jnp.zeros((16,), jnp.int32)
    ones16 = jnp.ones((16,), jnp.int32)
    wid = lax.axis_index("s") * NC + lax.axis_index("c")

    def zero_hist(t, c):
        hist[pl.ds(t * 16, 16)] = zero16
        return c

    def find_cut(kth):
        def tb(t, carry):
            total, cut, found = carry
            j = NBINS // 16 - 1 - t
            h = hist[pl.ds(j * 16, 16)]
            s = jnp.sum(h)
            crev = plsc.cumsum(lax.rev(h, (0,)))
            cond = (total + crev) >= kth
            mi = jnp.max(plsc.all_reduce_ffs(cond))
            cut_cand = j * 16 + 15 - mi
            cross = jnp.logical_and(jnp.logical_not(found), (total + s) >= kth)
            cut = jnp.where(cross, cut_cand, cut)
            found = jnp.logical_or(found, cross)
            return (total + s, cut, found)
        carry = (jnp.int32(0), jnp.int32(0), jnp.bool_(False))
        _, cut, _ = lax.fori_loop(0, NBINS // 16, tb, carry)
        return cut

    def make_key(i):
        xb = xrow[pl.ds(i * 16, 16)]
        key = jnp.where(xb < 0, xb ^ IMAX, xb)
        mwv = plsc.load_gather(mrow, [i * 4 + idx4])
        mbit = lax.shift_right_logical(mwv, shamt) & 1
        return jnp.where(mbit != 0, IMIN, key)

    def collect(cutkey, cap):
        def cb(i, offm1):
            key = make_key(i)
            m = key >= cutkey
            pop = plsc.all_reduce_population_count(m)
            tgt = offm1 + plsc.cumsum(m.astype(jnp.int32))
            tgt = jnp.minimum(tgt, cap - 1)
            plsc.store_scatter(ck1, [tgt], key, mask=m)
            plsc.store_scatter(ci1, [tgt], i * 16 + iota, mask=m)
            return offm1 + pop
        offm1 = plsc.parallel_loop(
            0, NV, 1, unroll=8, carry=jnp.full((16,), -1, jnp.int32))(cb)
        return jnp.max(offm1) + 1

    def row_body(r, c):
        row = wid * ROWS_PER_W + r
        cpx = pltpu.async_copy(x_hbm.at[row], xrow, semx)
        cpm = pltpu.async_copy(m_hbm.at[row], mrow, semm)
        cpx.wait()
        cpm.wait()

        lax.fori_loop(0, NBINS // 16, zero_hist, 0, unroll=8)

        def ps(t):
            key = make_key(t * 16)
            bins = (key >> 21) + 1024
            plsc.addupdate_scatter(hist, [bins], ones16)
        plsc.parallel_loop(0, NV // 16, 1, unroll=4)(ps)
        cut1s = find_cut(jnp.int32(12))
        cutkey1 = (cut1s - 1024) << 21

        c0raw = collect(cutkey1, CAP1)

        def fb(_):
            lax.fori_loop(0, NBINS // 16, zero_hist, 0, unroll=8)

            def p1(i):
                key = make_key(i)
                bins = (key >> 21) + 1024
                plsc.addupdate_scatter(hist, [bins], ones16)
            plsc.parallel_loop(0, NV, 1, unroll=8)(p1)
            cutf = (find_cut(jnp.int32(K)) - 1024) << 21
            return collect(cutf, CAP1)

        need_fb = jnp.logical_or(c0raw < K, c0raw > CAP1 - 16)
        c0 = lax.cond(need_fb, fb, lambda _: c0raw, None)
        c0 = jnp.minimum(c0, CAP1 - 16)
        ck1[pl.ds(c0, 16)] = jnp.full((16,), IMIN, jnp.int32)
        ci1[pl.ds(c0, 16)] = jnp.full((16,), IMAX, jnp.int32)
        ng1 = (c0 + 15) >> 4

        lax.fori_loop(0, NBINS // 16, zero_hist, 0, unroll=8)

        def hA(g, c):
            key = ck1[pl.ds(g * 16, 16)]
            bins = (key >> 21) + 1024
            plsc.addupdate_scatter(hist, [bins], ones16)
            return c
        lax.fori_loop(0, ng1, hA, 0)
        cut1 = find_cut(jnp.int32(K))
        keylo = (cut1 - 1024) << 21
        keyhi = keylo + (1 << 21)

        lax.fori_loop(0, NBINS // 16, zero_hist, 0, unroll=8)

        def h2(g, chi):
            key = ck1[pl.ds(g * 16, 16)]
            isgt = key >= keyhi
            chi = chi + jnp.max(plsc.all_reduce_population_count(isgt))
            b2 = (key >> 10) & 0x7FF
            iseq = jnp.logical_and(key >= keylo, key < keyhi)
            plsc.addupdate_scatter(hist, [b2], ones16, mask=iseq)
            return chi
        chi = lax.fori_loop(0, ng1, h2, jnp.int32(0))
        cut2 = find_cut(jnp.int32(K) - chi)

        def c2f(g, off):
            key = ck1[pl.ds(g * 16, 16)]
            idx = ci1[pl.ds(g * 16, 16)]
            b2 = (key >> 10) & 0x7FF
            iseq = jnp.logical_and(key >= keylo, key < keyhi)
            m = (key >= keyhi) | (iseq & (b2 >= cut2))
            cnt = jnp.max(plsc.all_reduce_population_count(m))
            plsc.store_compressed(ck2.at[pl.ds(off, 16)], key, mask=m)
            plsc.store_compressed(ci2.at[pl.ds(off, 16)], idx, mask=m)
            return jnp.minimum(off + cnt, CAP2 - 16)
        c2 = lax.fori_loop(0, ng1, c2f, jnp.int32(0))
        ck2[pl.ds(c2, 16)] = jnp.full((16,), IMIN, jnp.int32)
        ci2[pl.ds(c2, 16)] = jnp.full((16,), IMAX, jnp.int32)
        ng2 = (c2 + 15) >> 4

        def rk(g, c):
            ki = ck2[pl.ds(g * 16, 16)]
            ii = ci2[pl.ds(g * 16, 16)]

            def jb(j, rank):
                jv = zero16 + j
                kj = plsc.load_gather(ck2, [jv])
                ij = plsc.load_gather(ci2, [jv])
                beat = (kj > ki) | ((kj == ki) & (ij < ii))
                return rank + beat.astype(jnp.int32)
            rank = plsc.parallel_loop(0, c2, 1, unroll=4, carry=zero16)(jb)
            plsc.store_scatter(orow, [rank], ii, mask=rank < K)
            return c
        lax.fori_loop(0, ng2, rk, 0)
        pltpu.sync_copy(orow, out_hbm.at[row])
        return c

    lax.fori_loop(0, ROWS_PER_W, row_body, 0)


@jax.jit
def _sc_topk(x, m32):
    mesh = plsc.VectorSubcoreMesh(core_axis_name="c", subcore_axis_name="s",
                                  num_cores=NC, num_subcores=NS)
    f = pl.kernel(
        _body,
        out_type=jax.ShapeDtypeStruct((B, 128), jnp.int32),
        mesh=mesh,
        compiler_params=pltpu.CompilerParams(needs_layout_passes=False),
        scratch_types=[
            pltpu.VMEM((V,), jnp.int32),
            pltpu.VMEM((MWP,), jnp.int32),
            pltpu.VMEM((NBINS,), jnp.int32),
            pltpu.VMEM((CAP1,), jnp.int32),
            pltpu.VMEM((CAP1,), jnp.int32),
            pltpu.VMEM((CAP2,), jnp.int32),
            pltpu.VMEM((CAP2,), jnp.int32),
            pltpu.VMEM((128,), jnp.int32),
            pltpu.SemaphoreType.DMA,
            pltpu.SemaphoreType.DMA,
        ],
    )
    return f(x, m32)


def kernel(x, k, mask):
    xb = lax.bitcast_convert_type(x, jnp.int32)
    m8 = mask.astype(jnp.uint8).reshape(B, MW, 4)
    m32 = lax.bitcast_convert_type(m8, jnp.int32)
    m32 = jnp.pad(m32, ((0, 0), (0, MWP - MW)))
    out = _sc_topk(xb, m32)
    return out[:, :K] + (jnp.asarray(k).astype(jnp.int32) - K)

# --- scband reference (transcript-rebuilt; emitter-appended) ---
"""Pipeline reference for scband-recommender-42855183679620 (READ-ONLY COPY).

The authoritative reference and input builder live on the scoring server;
editing this copy changes nothing except your own understanding.
"""

import jax, jax.numpy as jnp
import numpy as np


def setup_inputs(seed: int = 0) -> dict:
    key = jax.random.key(seed)
    k1, k2 = jax.random.split(key)
    B, V = 1024, 100000
    x = jax.random.normal(k1, (B, V), dtype=jnp.float32)
    mask = jax.random.randint(k2, (B, V), 0, 2).astype(jnp.bool_)
    return {"x": x, "k": 100, "mask": mask}


def reference(x, k, mask):
    # Recommender.recommend: scores = tf.where(mask, -inf, self(x)); top_k(scores, k).indices
    # The base class's call is identity on precomputed scores here (abstract model output = x).
    scores = jnp.where(mask, jnp.float32(-jnp.inf), x)
    static_k = 100
    _vals, idx = jax.lax.top_k(scores, static_k)
    return idx + (jnp.asarray(k) - static_k).astype(idx.dtype)

if __name__ == "__main__":
    import jax
    _d = setup_inputs()
    print(jax.jit(kernel)(*tuple(_d.values())))

</pallas_src>

<mosaic_0001>
#map = affine_map<(d0, d1) -> (0, 0)>
module attributes {stable_mosaic.version = 14 : i64} {
  func.func @_body(%arg0: i32, %arg1: i32, %arg2: memref<1024x100000xi32, #tpu.memory_space<hbm>>, %arg3: memref<1024x25008xi32, #tpu.memory_space<hbm>>, %arg4: memref<1024x128xi32, #tpu.memory_space<hbm>>, %arg5: memref<100000xi32, #tpu.memory_space<vmem>>, %arg6: memref<25008xi32, #tpu.memory_space<vmem>>, %arg7: memref<2048xi32, #tpu.memory_space<vmem>>, %arg8: memref<768xi32, #tpu.memory_space<vmem>>, %arg9: memref<768xi32, #tpu.memory_space<vmem>>, %arg10: memref<256xi32, #tpu.memory_space<vmem>>, %arg11: memref<256xi32, #tpu.memory_space<vmem>>, %arg12: memref<128xi32, #tpu.memory_space<vmem>>, %arg13: memref<!tpu.dma_semaphore, #tpu.memory_space<semaphore_mem>>, %arg14: memref<!tpu.dma_semaphore, #tpu.memory_space<semaphore_mem>>) attributes {dimension_semantics = [#tpu.dimension_semantics<core_parallel>, #tpu.dimension_semantics<subcore_parallel>], iteration_bounds = array<i64: 2, 16>, scalar_prefetch = 0 : i64, scratch_operands = 10 : i64, tpu.core_type = #tpu.core_type<sc_vector_subcore>, window_params = [{transform_indices = #map}, {transform_indices = #map}, {transform_indices = #map}]} {
    %iota3A = tpu.iota {dimensions = array<i32: 0>} : vector<16xi32>
    %shift_right_arithmetic3A = arith.constant 2 : i32
    %shift_right_arithmetic3A_0 = vector.broadcast %shift_right_arithmetic3A : i32 to vector<16xi32>
    %shift_right_arithmetic3A_1 = arith.shrsi %iota3A, %shift_right_arithmetic3A_0 : vector<16xi32>
    %and3A = arith.constant 3 : i32
    %and3A_2 = vector.broadcast %and3A : i32 to vector<16xi32>
    %and3A_3 = arith.andi %iota3A, %and3A_2 : vector<16xi32>
    %mul3A = arith.constant 8 : i32
    %mul3A_4 = vector.broadcast %mul3A : i32 to vector<16xi32>
    %mul3A_5 = arith.muli %and3A_3, %mul3A_4 : vector<16xi32>
    %broadcast_in_dim3A = arith.constant 0 : i32
    %broadcast_in_dim3A_6 = vector.broadcast %broadcast_in_dim3A : i32 to vector<16xi32>
    %broadcast_in_dim3A_7 = arith.constant 1 : i32
    %broadcast_in_dim3A_8 = vector.broadcast %broadcast_in_dim3A_7 : i32 to vector<16xi32>
    %mul3A_9 = arith.constant 2 : i32
    %mul3A_10 = arith.muli %arg1, %mul3A_9 : i32
    %add3A = arith.addi %mul3A_10, %arg0 : i32
    %scan3A = arith.constant 0 : i32
    %scan3A_11 = arith.constant 0 : i32
    %scan3A_12 = arith.constant 32 : i32
    %scan3A_13 = arith.addi %scan3A_11, %scan3A_12 : i32
    %scan3A_14 = arith.constant 1 : i32
    scf.for %scan3A_16 = %scan3A_11 to %scan3A_13 step %scan3A_14  : i32 {
      %mul3A_17 = arith.constant 32 : i32
      %mul3A_18 = arith.muli %add3A, %mul3A_17 : i32
      %add3A_19 = arith.addi %mul3A_18, %scan3A_16 : i32
      %dma_start3A = arith.constant 0 : i32
      %dma_start3A_20 = tpu.memref_slice %arg2[%add3A_19, %dma_start3A] : memref<1024x100000xi32, #tpu.memory_space<hbm>> -> memref<1x100000xi32, #tpu.memory_space<hbm>>
      %dma_start3A_21 = tpu.memref_squeeze %dma_start3A_20 : memref<1x100000xi32, #tpu.memory_space<hbm>> -> memref<100000xi32, #tpu.memory_space<hbm>>
      %dma_start3A_22 = arith.constant 0 : i32
      %dma_start3A_23 = tpu.memref_slice %arg2[%add3A_19, %dma_start3A_22] : memref<1024x100000xi32, #tpu.memory_space<hbm>> -> memref<1x100000xi32, #tpu.memory_space<hbm>>
      %dma_start3A_24 = tpu.memref_squeeze %dma_start3A_23 : memref<1x100000xi32, #tpu.memory_space<hbm>> -> memref<100000xi32, #tpu.memory_space<hbm>>
      tpu.enqueue_dma source(%dma_start3A_24 : memref<100000xi32, #tpu.memory_space<hbm>>) target(%arg5 : memref<100000xi32, #tpu.memory_space<vmem>>) target_semaphore(%arg13 : memref<!tpu.dma_semaphore, #tpu.memory_space<semaphore_mem>>)
      %dma_start3A_25 = arith.constant 0 : i32
      %dma_start3A_26 = tpu.memref_slice %arg3[%add3A_19, %dma_start3A_25] : memref<1024x25008xi32, #tpu.memory_space<hbm>> -> memref<1x25008xi32, #tpu.memory_space<hbm>>
      %dma_start3A_27 = tpu.memref_squeeze %dma_start3A_26 : memref<1x25008xi32, #tpu.memory_space<hbm>> -> memref<25008xi32, #tpu.memory_space<hbm>>
      %dma_start3A_28 = arith.constant 0 : i32
      %dma_start3A_29 = tpu.memref_slice %arg3[%add3A_19, %dma_start3A_28] : memref<1024x25008xi32, #tpu.memory_space<hbm>> -> memref<1x25008xi32, #tpu.memory_space<hbm>>
      %dma_start3A_30 = tpu.memref_squeeze %dma_start3A_29 : memref<1x25008xi32, #tpu.memory_space<hbm>> -> memref<25008xi32, #tpu.memory_space<hbm>>
      tpu.enqueue_dma source(%dma_start3A_30 : memref<25008xi32, #tpu.memory_space<hbm>>) target(%arg6 : memref<25008xi32, #tpu.memory_space<vmem>>) target_semaphore(%arg14 : memref<!tpu.dma_semaphore, #tpu.memory_space<semaphore_mem>>)
      %dma_wait3A = arith.constant 0 : i32
      %dma_wait3A_31 = tpu.memref_slice %arg2[%add3A_19, %dma_wait3A] : memref<1024x100000xi32, #tpu.memory_space<hbm>> -> memref<1x100000xi32, #tpu.memory_space<hbm>>
      %dma_wait3A_32 = tpu.memref_squeeze %dma_wait3A_31 : memref<1x100000xi32, #tpu.memory_space<hbm>> -> memref<100000xi32, #tpu.memory_space<hbm>>
      %dma_wait3A_33 = arith.constant 0 : i32
      %dma_wait3A_34 = tpu.memref_slice %arg2[%add3A_19, %dma_wait3A_33] : memref<1024x100000xi32, #tpu.memory_space<hbm>> -> memref<1x100000xi32, #tpu.memory_space<hbm>>
      %dma_wait3A_35 = tpu.memref_squeeze %dma_wait3A_34 : memref<1x100000xi32, #tpu.memory_space<hbm>> -> memref<100000xi32, #tpu.memory_space<hbm>>
      tpu.wait_dma2 semaphore(%arg13 : memref<!tpu.dma_semaphore, #tpu.memory_space<semaphore_mem>>) src(%dma_wait3A_35 : memref<100000xi32, #tpu.memory_space<hbm>>) dst(%arg5 : memref<100000xi32, #tpu.memory_space<vmem>>)
      %dma_wait3A_36 = arith.constant 0 : i32
      %dma_wait3A_37 = tpu.memref_slice %arg3[%add3A_19, %dma_wait3A_36] : memref<1024x25008xi32, #tpu.memory_space<hbm>> -> memref<1x25008xi32, #tpu.memory_space<hbm>>
      %dma_wait3A_38 = tpu.memref_squeeze %dma_wait3A_37 : memref<1x25008xi32, #tpu.memory_space<hbm>> -> memref<25008xi32, #tpu.memory_space<hbm>>
      %dma_wait3A_39 = arith.constant 0 : i32
      %dma_wait3A_40 = tpu.memref_slice %arg3[%add3A_19, %dma_wait3A_39] : memref<1024x25008xi32, #tpu.memory_space<hbm>> -> memref<1x25008xi32, #tpu.memory_space<hbm>>
      %dma_wait3A_41 = tpu.memref_squeeze %dma_wait3A_40 : memref<1x25008xi32, #tpu.memory_space<hbm>> -> memref<25008xi32, #tpu.memory_space<hbm>>
      tpu.wait_dma2 semaphore(%arg14 : memref<!tpu.dma_semaphore, #tpu.memory_space<semaphore_mem>>) src(%dma_wait3A_41 : memref<25008xi32, #tpu.memory_space<hbm>>) dst(%arg6 : memref<25008xi32, #tpu.memory_space<vmem>>)
      %scan3A_42 = arith.constant 0 : i32
      %scan3A_43 = arith.constant 0 : i32
      %scan3A_44 = arith.constant 128 : i32
      %scan3A_45 = arith.addi %scan3A_43, %scan3A_44 : i32
      %scan3A_46 = arith.constant 8 : i32
      scf.for %scan3A_187 = %scan3A_43 to %scan3A_45 step %scan3A_46  : i32 {
        %mul3A_188 = arith.constant 16 : i32
        %mul3A_189 = arith.muli %scan3A_187, %mul3A_188 : i32
        %swap3A_190 = arith.index_cast %mul3A_189 : i32 to index
        %swap3A_191 = tpu.vector_load %arg7[%swap3A_190] {strides = array<i32>} : memref<2048xi32, #tpu.memory_space<vmem>>, vector<16xi32>,
        tpu.vector_store %arg7[%swap3A_190], %broadcast_in_dim3A_6 {strides = array<i32>} : memref<2048xi32, #tpu.memory_space<vmem>>, vector<16xi32>,
        %scan3A_192 = arith.constant 1 : i32
        %scan3A_193 = arith.addi %scan3A_187, %scan3A_192 : i32
        %mul3A_194 = arith.constant 16 : i32
        %mul3A_195 = arith.muli %scan3A_193, %mul3A_194 : i32
        %swap3A_196 = arith.index_cast %mul3A_195 : i32 to index
        %swap3A_197 = tpu.vector_load %arg7[%swap3A_196] {strides = array<i32>} : memref<2048xi32, #tpu.memory_space<vmem>>, vector<16xi32>,
        tpu.vector_store %arg7[%swap3A_196], %broadcast_in_dim3A_6 {strides = array<i32>} : memref<2048xi32, #tpu.memory_space<vmem>>, vector<16xi32>,
        %scan3A_198 = arith.constant 2 : i32
        %scan3A_199 = arith.addi %scan3A_187, %scan3A_198 : i32
        %mul3A_200 = arith.constant 16 : i32
        %mul3A_201 = arith.muli %scan3A_199, %mul3A_200 : i32
        %swap3A_202 = arith.index_cast %mul3A_201 : i32 to index
        %swap3A_203 = tpu.vector_load %arg7[%swap3A_202] {strides = array<i32>} : memref<2048xi32, #tpu.memory_space<vmem>>, vector<16xi32>,
        tpu.vector_store %arg7[%swap3A_202], %broadcast_in_dim3A_6 {strides = array<i32>} : memref<2048xi32, #tpu.memory_space<vmem>>, vector<16xi32>,
        %scan3A_204 = arith.constant 3 : i32
        %scan3A_205 = arith.addi %scan3A_187, %scan3A_204 : i32
        %mul3A_206 = arith.constant 16 : i32
        %mul3A_207 = arith.muli %scan3A_205, %mul3A_206 : i32
        %swap3A_208 = arith.index_cast %mul3A_207 : i32 to index
        %swap3A_209 = tpu.vector_load %arg7[%swap3A_208] {strides = array<i32>} : memref<2048xi32, #tpu.memory_space<vmem>>, vector<16xi32>,
        tpu.vector_store %arg7[%swap3A_208], %broadcast_in_dim3A_6 {strides = array<i32>} : memref<2048xi32, #tpu.memory_space<vmem>>, vector<16xi32>,
        %scan3A_210 = arith.constant 4 : i32
        %scan3A_211 = arith.addi %scan3A_187, %scan3A_210 : i32
        %mul3A_212 = arith.constant 16 : i32
        %mul3A_213 = arith.muli %scan3A_211, %mul3A_212 : i32
        %swap3A_214 = arith.index_cast %mul3A_213 : i32 to index
        %swap3A_215 = tpu.vector_load %arg7[%swap3A_214] {strides = array<i32>} : memref<2048xi32, #tpu.memory_space<vmem>>, vector<16xi32>,
        tpu.vector_store %arg7[%swap3A_214], %broadcast_in_dim3A_6 {strides = array<i32>} : memref<2048xi32, #tpu.memory_space<vmem>>, vector<16xi32>,
        %scan3A_216 = arith.constant 5 : i32
        %scan3A_217 = arith.addi %scan3A_187, %scan3A_216 : i32
        %mul3A_218 = arith.constant 16 : i32
        %mul3A_219 = arith.muli %scan3A_217, %mul3A_218 : i32
        %swap3A_220 = arith.index_cast %mul3A_219 : i32 to index
        %swap3A_221 = tpu.vector_load %arg7[%swap3A_220] {strides = array<i32>} : memref<2048xi32, #tpu.memory_space<vmem>>, vector<16xi32>,
        tpu.vector_store %arg7[%swap3A_220], %broadcast_in_dim3A_6 {strides = array<i32>} : memref<2048xi32, #tpu.memory_space<vmem>>, vector<16xi32>,
        %scan3A_222 = arith.constant 6 : i32
        %scan3A_223 = arith.addi %scan3A_187, %scan3A_222 : i32
        %mul3A_224 = arith.constant 16 : i32
        %mul3A_225 = arith.muli %scan3A_223, %mul3A_224 : i32
        %swap3A_226 = arith.index_cast %mul3A_225 : i32 to index
        %swap3A_227 = tpu.vector_load %arg7[%swap3A_226] {strides = array<i32>} : memref<2048xi32, #tpu.memory_space<vmem>>, vector<16xi32>,
        tpu.vector_store %arg7[%swap3A_226], %broadcast_in_dim3A_6 {strides = array<i32>} : memref<2048xi32, #tpu.memory_space<vmem>>, vector<16xi32>,
        %scan3A_228 = arith.constant 7 : i32
        %scan3A_229 = arith.addi %scan3A_187, %scan3A_228 : i32
        %mul3A_230 = arith.constant 16 : i32
        %mul3A_231 = arith.muli %scan3A_229, %mul3A_230 : i32
        %swap3A_232 = arith.index_cast %mul3A_231 : i32 to index
        %swap3A_233 = tpu.vector_load %arg7[%swap3A_232] {strides = array<i32>} : memref<2048xi32, #tpu.memory_space<vmem>>, vector<16xi32>,
        tpu.vector_store %arg7[%swap3A_232], %broadcast_in_dim3A_6 {strides = array<i32>} : memref<2048xi32, #tpu.memory_space<vmem>>, vector<16xi32>,
      }
      %scan3A_47 = arith.constant 128 : i32
      %parallel_loop3A = arith.constant 0 : i32
      %parallel_loop3A_48 = arith.constant 390 : i32
      %parallel_loop3A_49 = arith.constant 1 : i32
      scf.for %parallel_loop3A_187 = %parallel_loop3A to %parallel_loop3A_48 step %parallel_loop3A_49  : i32 {
        %parallel_loop3A_188 = arith.constant 16 : i32
        %parallel_loop3A_189 = arith.muli %parallel_loop3A_187, %parallel_loop3A_188 : i32
        %parallel_loop3A_190 = arith.constant 16 : i32
        %parallel_loop3A_191 = arith.muli %parallel_loop3A_189, %parallel_loop3A_190 : i32
        %parallel_loop3A_192 = arith.index_cast %parallel_loop3A_191 : i32 to index
        %parallel_loop3A_193 = tpu.vector_load %arg5[%parallel_loop3A_192] {strides = array<i32>} : memref<100000xi32, #tpu.memory_space<vmem>>, vector<16xi32>,
        %parallel_loop3A_194 = arith.constant 0 : i32
        %parallel_loop3A_195 = vector.broadcast %parallel_loop3A_194 : i32 to vector<16xi32>
        %parallel_loop3A_196 = arith.cmpi slt, %parallel_loop3A_193, %parallel_loop3A_195 : vector<16xi32>
        %parallel_loop3A_197 = arith.constant 2147483647 : i32
        %parallel_loop3A_198 = vector.broadcast %parallel_loop3A_197 : i32 to vector<16xi32>
        %parallel_loop3A_199 = arith.xori %parallel_loop3A_193, %parallel_loop3A_198 : vector<16xi32>
        %parallel_loop3A_200 = arith.select %parallel_loop3A_196, %parallel_loop3A_199, %parallel_loop3A_193 : vector<16xi1>, vector<16xi32>
        %parallel_loop3A_201 = arith.constant 4 : i32
        %parallel_loop3A_202 = arith.muli %parallel_loop3A_189, %parallel_loop3A_201 : i32
        %parallel_loop3A_203 = vector.broadcast %parallel_loop3A_202 : i32 to vector<16xi32>
        %parallel_loop3A_204 = arith.addi %parallel_loop3A_203, %shift_right_arithmetic3A_1 : vector<16xi32>
        %parallel_loop3A_205 = tpu.vector_load_idx %arg6[%parallel_loop3A_204] : memref<25008xi32, #tpu.memory_space<vmem>>[vector<16xi32>], vector<16xi32>,
        %parallel_loop3A_206 = arith.shrui %parallel_loop3A_205, %mul3A_5 : vector<16xi32>
        %parallel_loop3A_207 = arith.constant 1 : i32
        %parallel_loop3A_208 = vector.broadcast %parallel_loop3A_207 : i32 to vector<16xi32>
        %parallel_loop3A_209 = arith.andi %parallel_loop3A_206, %parallel_loop3A_208 : vector<16xi32>
        %parallel_loop3A_210 = arith.constant 0 : i32
        %parallel_loop3A_211 = vector.broadcast %parallel_loop3A_210 : i32 to vector<16xi32>
        %parallel_loop3A_212 = arith.cmpi ne, %parallel_loop3A_209, %parallel_loop3A_211 : vector<16xi32>
        %parallel_loop3A_213 = arith.constant -2147483648 : i32
        %parallel_loop3A_214 = vector.broadcast %parallel_loop3A_213 : i32 to vector<16xi32>
        %parallel_loop3A_215 = arith.select %parallel_loop3A_212, %parallel_loop3A_214, %parallel_loop3A_200 : vector<16xi1>, vector<16xi32>
        %parallel_loop3A_216 = arith.constant 21 : i32
        %parallel_loop3A_217 = vector.broadcast %parallel_loop3A_216 : i32 to vector<16xi32>
        %parallel_loop3A_218 = arith.shrsi %parallel_loop3A_215, %parallel_loop3A_217 : vector<16xi32>
        %parallel_loop3A_219 = arith.constant 1024 : i32
        %parallel_loop3A_220 = vector.broadcast %parallel_loop3A_219 : i32 to vector<16xi32>
        %parallel_loop3A_221 = arith.addi %parallel_loop3A_218, %parallel_loop3A_220 : vector<16xi32>
        tpu.vector_store_idx %arg7[%parallel_loop3A_221], %broadcast_in_dim3A_8 {add = true} : memref<2048xi32, #tpu.memory_space<vmem>>[vector<16xi32>], vector<16xi32>,
      } {sc.loop_unroll_factor = 4 : i64, sc.parallel_access}
      %scan3A_50 = arith.constant 12 : i32
      %scan3A_51 = arith.constant 0 : i32
      %scan3A_52 = arith.constant 0 : i32
      %scan3A_53 = arith.constant false
      %scan3A_54 = arith.constant 0 : i32
      %scan3A_55 = arith.constant 128 : i32
      %scan3A_56 = arith.addi %scan3A_54, %scan3A_55 : i32
      %scan3A_57 = arith.constant 1 : i32
      %scan3A_58:3 = scf.for %scan3A_187 = %scan3A_54 to %scan3A_56 step %scan3A_57 iter_args(%scan3A_188 = %scan3A_51, %scan3A_189 = %scan3A_52, %scan3A_190 = %scan3A_53) -> (i32, i32, i1)  : i32 {
        %sub3A_191 = arith.constant 127 : i32
        %sub3A_192 = arith.subi %sub3A_191, %scan3A_187 : i32
        %mul3A_193 = arith.constant 16 : i32
        %mul3A_194 = arith.muli %sub3A_192, %mul3A_193 : i32
        %get3A = arith.index_cast %mul3A_194 : i32 to index
        %get3A_195 = tpu.vector_load %arg7[%get3A] {strides = array<i32>} : memref<2048xi32, #tpu.memory_space<vmem>>, vector<16xi32>,
        %reduce_sum3A = arith.constant true
        %reduce_sum3A_196 = vector.broadcast %reduce_sum3A : i1 to vector<16xi1>
        %reduce_sum3A_197 = tpu.scan <sum>, %get3A_195 masked %reduce_sum3A_196 : vector<16xi32>, vector<16xi1> -> vector<16xi32>
        %reduce_sum3A_198 = vector.extract %reduce_sum3A_197[15] : i32 from vector<16xi32>
        %rev3A = arith.constant 15 : i32
        %rev3A_199 = vector.broadcast %rev3A : i32 to vector<16xi32>
        %rev3A_200 = tpu.iota {dimensions = array<i32: 0>} : vector<16xi32>
        %rev3A_201 = arith.subi %rev3A_199, %rev3A_200 : vector<16xi32>
        %rev3A_202 = tpu.dynamic_gather %get3A_195[%rev3A_201] in [0] : vector<16xi32>, vector<16xi32> -> vector<16xi32>
        %broadcast_in_dim3A_203 = arith.constant true
        %broadcast_in_dim3A_204 = vector.broadcast %broadcast_in_dim3A_203 : i1 to vector<16xi1>
        %masked_cumsum3A = tpu.scan <sum>, %rev3A_202 masked %broadcast_in_dim3A_204 : vector<16xi32>, vector<16xi1> -> vector<16xi32>
        %add3A_205 = vector.broadcast %scan3A_188 : i32 to vector<16xi32>
        %add3A_206 = arith.addi %add3A_205, %masked_cumsum3A : vector<16xi32>
        %ge3A = vector.broadcast %scan3A_50 : i32 to vector<16xi32>
        %ge3A_207 = arith.cmpi sge, %add3A_206, %ge3A : vector<16xi32>
        %all_reduce_ffs3A = tpu.all_reduce %ge3A_207 {dim = 0 : i64, kind = #tpu.reduction_kind<find_first_set>} : vector<16xi1> -> vector<16xi32>
        %reduce_max3A_208 = arith.constant true
        %reduce_max3A_209 = vector.broadcast %reduce_max3A_208 : i1 to vector<16xi1>
        %reduce_max3A_210 = arith.constant -2147483648 : i32
        %reduce_max3A_211 = vector.broadcast %reduce_max3A_210 : i32 to vector<16xi32>
        %reduce_max3A_212 = arith.xori %all_reduce_ffs3A, %reduce_max3A_211 : vector<16xi32>
        %reduce_max3A_213 = tpu.scan <max>, %reduce_max3A_212 masked %reduce_max3A_209 : vector<16xi32>, vector<16xi1> -> vector<16xi32>
        %reduce_max3A_214 = arith.xori %reduce_max3A_213, %reduce_max3A_211 : vector<16xi32>
        %reduce_max3A_215 = vector.extract %reduce_max3A_214[15] : i32 from vector<16xi32>
        %mul3A_216 = arith.constant 16 : i32
        %mul3A_217 = arith.muli %sub3A_192, %mul3A_216 : i32
        %add3A_218 = arith.constant 15 : i32
        %add3A_219 = arith.addi %mul3A_217, %add3A_218 : i32
        %sub3A_220 = arith.subi %add3A_219, %reduce_max3A_215 : i32
        %not3A = arith.constant true
        %not3A_221 = arith.xori %scan3A_190, %not3A : i1
        %add3A_222 = arith.addi %scan3A_188, %reduce_sum3A_198 : i32
        %ge3A_223 = arith.cmpi sge, %add3A_222, %scan3A_50 : i32
        %and3A_224 = arith.andi %not3A_221, %ge3A_223 : i1
        %select_n3A = arith.select %and3A_224, %sub3A_220, %scan3A_189 : i32
        %or3A_225 = arith.ori %scan3A_190, %and3A_224 : i1
        %add3A_226 = arith.addi %scan3A_188, %reduce_sum3A_198 : i32
        scf.yield %add3A_226, %select_n3A, %or3A_225 : i32, i32, i1
      }
      %scan3A_59 = arith.constant 128 : i32
      %sub3A = arith.constant 1024 : i32
      %sub3A_60 = arith.subi %scan3A_58#1, %sub3A : i32
      %shift_left3A = arith.constant 21 : i32
      %shift_left3A_61 = arith.shli %sub3A_60, %shift_left3A : i32
      %broadcast_in_dim3A_62 = arith.constant -1 : i32
      %broadcast_in_dim3A_63 = vector.broadcast %broadcast_in_dim3A_62 : i32 to vector<16xi32>
      %parallel_loop3A_64 = arith.constant 0 : i32
      %parallel_loop3A_65 = arith.constant 6250 : i32
      %parallel_loop3A_66 = arith.constant 1 : i32
      %parallel_loop3A_67 = scf.for %parallel_loop3A_187 = %parallel_loop3A_64 to %parallel_loop3A_65 step %parallel_loop3A_66 iter_args(%parallel_loop3A_188 = %broadcast_in_dim3A_63) -> (vector<16xi32>)  : i32 {
        %parallel_loop3A_189 = arith.constant 16 : i32
        %parallel_loop3A_190 = arith.muli %parallel_loop3A_187, %parallel_loop3A_189 : i32
        %parallel_loop3A_191 = arith.index_cast %parallel_loop3A_190 : i32 to index
        %parallel_loop3A_192 = tpu.vector_load %arg5[%parallel_loop3A_191] {strides = array<i32>} : memref<100000xi32, #tpu.memory_space<vmem>>, vector<16xi32>,
        %parallel_loop3A_193 = arith.constant 0 : i32
        %parallel_loop3A_194 = vector.broadcast %parallel_loop3A_193 : i32 to vector<16xi32>
        %parallel_loop3A_195 = arith.cmpi slt, %parallel_loop3A_192, %parallel_loop3A_194 : vector<16xi32>
        %parallel_loop3A_196 = arith.constant 2147483647 : i32
        %parallel_loop3A_197 = vector.broadcast %parallel_loop3A_196 : i32 to vector<16xi32>
        %parallel_loop3A_198 = arith.xori %parallel_loop3A_192, %parallel_loop3A_197 : vector<16xi32>
        %parallel_loop3A_199 = arith.select %parallel_loop3A_195, %parallel_loop3A_198, %parallel_loop3A_192 : vector<16xi1>, vector<16xi32>
        %parallel_loop3A_200 = arith.constant 4 : i32
        %parallel_loop3A_201 = arith.muli %parallel_loop3A_187, %parallel_loop3A_200 : i32
        %parallel_loop3A_202 = vector.broadcast %parallel_loop3A_201 : i32 to vector<16xi32>
        %parallel_loop3A_203 = arith.addi %parallel_loop3A_202, %shift_right_arithmetic3A_1 : vector<16xi32>
        %parallel_loop3A_204 = tpu.vector_load_idx %arg6[%parallel_loop3A_203] : memref<25008xi32, #tpu.memory_space<vmem>>[vector<16xi32>], vector<16xi32>,
        %parallel_loop3A_205 = arith.shrui %parallel_loop3A_204, %mul3A_5 : vector<16xi32>
        %parallel_loop3A_206 = arith.constant 1 : i32
        %parallel_loop3A_207 = vector.broadcast %parallel_loop3A_206 : i32 to vector<16xi32>
        %parallel_loop3A_208 = arith.andi %parallel_loop3A_205, %parallel_loop3A_207 : vector<16xi32>
        %parallel_loop3A_209 = arith.constant 0 : i32
        %parallel_loop3A_210 = vector.broadcast %parallel_loop3A_209 : i32 to vector<16xi32>
        %parallel_loop3A_211 = arith.cmpi ne, %parallel_loop3A_208, %parallel_loop3A_210 : vector<16xi32>
        %parallel_loop3A_212 = arith.constant -2147483648 : i32
        %parallel_loop3A_213 = vector.broadcast %parallel_loop3A_212 : i32 to vector<16xi32>
        %parallel_loop3A_214 = arith.select %parallel_loop3A_211, %parallel_loop3A_213, %parallel_loop3A_199 : vector<16xi1>, vector<16xi32>
        %parallel_loop3A_215 = vector.broadcast %shift_left3A_61 : i32 to vector<16xi32>
        %parallel_loop3A_216 = arith.cmpi sge, %parallel_loop3A_214, %parallel_loop3A_215 : vector<16xi32>
        %parallel_loop3A_217 = tpu.all_reduce %parallel_loop3A_216 {dim = 0 : i64, kind = #tpu.reduction_kind<sum>} : vector<16xi1> -> vector<16xi32>
        %parallel_loop3A_218 = arith.extui %parallel_loop3A_216 : vector<16xi1> to vector<16xi32>
        %parallel_loop3A_219 = arith.constant true
        %parallel_loop3A_220 = vector.broadcast %parallel_loop3A_219 : i1 to vector<16xi1>
        %parallel_loop3A_221 = tpu.scan <sum>, %parallel_loop3A_218 masked %parallel_loop3A_220 : vector<16xi32>, vector<16xi1> -> vector<16xi32>
        %parallel_loop3A_222 = arith.addi %parallel_loop3A_188, %parallel_loop3A_221 : vector<16xi32>
        %parallel_loop3A_223 = arith.constant 767 : i32
        %parallel_loop3A_224 = vector.broadcast %parallel_loop3A_223 : i32 to vector<16xi32>
        %parallel_loop3A_225 = arith.minsi %parallel_loop3A_222, %parallel_loop3A_224 : vector<16xi32>
        tpu.vector_store_idx %arg8[%parallel_loop3A_225], %parallel_loop3A_214 masked %parallel_loop3A_216 : memref<768xi32, #tpu.memory_space<vmem>>[vector<16xi32>], vector<16xi32>, vector<16xi1>
        %parallel_loop3A_226 = arith.constant 16 : i32
        %parallel_loop3A_227 = arith.muli %parallel_loop3A_187, %parallel_loop3A_226 : i32
        %parallel_loop3A_228 = vector.broadcast %parallel_loop3A_227 : i32 to vector<16xi32>
        %parallel_loop3A_229 = arith.addi %parallel_loop3A_228, %iota3A : vector<16xi32>
        tpu.vector_store_idx %arg9[%parallel_loop3A_225], %parallel_loop3A_229 masked %parallel_loop3A_216 : memref<768xi32, #tpu.memory_space<vmem>>[vector<16xi32>], vector<16xi32>, vector<16xi1>
        %parallel_loop3A_230 = arith.addi %parallel_loop3A_188, %parallel_loop3A_217 : vector<16xi32>
        scf.yield %parallel_loop3A_230 : vector<16xi32>
      } {sc.loop_unroll_factor = 8 : i64, sc.parallel_access}
      %reduce_max3A = arith.constant true
      %reduce_max3A_68 = vector.broadcast %reduce_max3A : i1 to vector<16xi1>
      %reduce_max3A_69 = arith.constant -2147483648 : i32
      %reduce_max3A_70 = vector.broadcast %reduce_max3A_69 : i32 to vector<16xi32>
      %reduce_max3A_71 = arith.xori %parallel_loop3A_67, %reduce_max3A_70 : vector<16xi32>
      %reduce_max3A_72 = tpu.scan <max>, %reduce_max3A_71 masked %reduce_max3A_68 : vector<16xi32>, vector<16xi1> -> vector<16xi32>
      %reduce_max3A_73 = arith.xori %reduce_max3A_72, %reduce_max3A_70 : vector<16xi32>
      %reduce_max3A_74 = vector.extract %reduce_max3A_73[15] : i32 from vector<16xi32>
      %add3A_75 = arith.constant 1 : i32
      %add3A_76 = arith.addi %reduce_max3A_74, %add3A_75 : i32
      %lt3A = arith.constant 100 : i32
      %lt3A_77 = arith.cmpi slt, %add3A_76, %lt3A : i32
      %gt3A = arith.constant 752 : i32
      %gt3A_78 = arith.cmpi sgt, %add3A_76, %gt3A : i32
      %or3A = arith.ori %lt3A_77, %gt3A_78 : i1
      %convert_element_type3A = arith.extui %or3A : i1 to i32
      %cond3A = arith.constant 0 : i32
      %cond3A_79 = arith.cmpi ne, %convert_element_type3A, %cond3A : i32
      %cond3A_80 = scf.if %cond3A_79 -> (i32) {
        %scan3A_187 = arith.constant 0 : i32
        %scan3A_188 = arith.constant 0 : i32
        %scan3A_189 = arith.constant 128 : i32
        %scan3A_190 = arith.addi %scan3A_188, %scan3A_189 : i32
        %scan3A_191 = arith.constant 8 : i32
        scf.for %scan3A_226 = %scan3A_188 to %scan3A_190 step %scan3A_191  : i32 {
          %mul3A_227 = arith.constant 16 : i32
          %mul3A_228 = arith.muli %scan3A_226, %mul3A_227 : i32
          %swap3A_229 = arith.index_cast %mul3A_228 : i32 to index
          %swap3A_230 = tpu.vector_load %arg7[%swap3A_229] {strides = array<i32>} : memref<2048xi32, #tpu.memory_space<vmem>>, vector<16xi32>,
          tpu.vector_store %arg7[%swap3A_229], %broadcast_in_dim3A_6 {strides = array<i32>} : memref<2048xi32, #tpu.memory_space<vmem>>, vector<16xi32>,
          %scan3A_231 = arith.constant 1 : i32
          %scan3A_232 = arith.addi %scan3A_226, %scan3A_231 : i32
          %mul3A_233 = arith.constant 16 : i32
          %mul3A_234 = arith.muli %scan3A_232, %mul3A_233 : i32
          %swap3A_235 = arith.index_cast %mul3A_234 : i32 to index
          %swap3A_236 = tpu.vector_load %arg7[%swap3A_235] {strides = array<i32>} : memref<2048xi32, #tpu.memory_space<vmem>>, vector<16xi32>,
          tpu.vector_store %arg7[%swap3A_235], %broadcast_in_dim3A_6 {strides = array<i32>} : memref<2048xi32, #tpu.memory_space<vmem>>, vector<16xi32>,
          %scan3A_237 = arith.constant 2 : i32
          %scan3A_238 = arith.addi %scan3A_226, %scan3A_237 : i32
          %mul3A_239 = arith.constant 16 : i32
          %mul3A_240 = arith.muli %scan3A_238, %mul3A_239 : i32
          %swap3A_241 = arith.index_cast %mul3A_240 : i32 to index
          %swap3A_242 = tpu.vector_load %arg7[%swap3A_241] {strides = array<i32>} : memref<2048xi32, #tpu.memory_space<vmem>>, vector<16xi32>,
          tpu.vector_store %arg7[%swap3A_241], %broadcast_in_dim3A_6 {strides = array<i32>} : memref<2048xi32, #tpu.memory_space<vmem>>, vector<16xi32>,
          %scan3A_243 = arith.constant 3 : i32
          %scan3A_244 = arith.addi %scan3A_226, %scan3A_243 : i32
          %mul3A_245 = arith.constant 16 : i32
          %mul3A_246 = arith.muli %scan3A_244, %mul3A_245 : i32
          %swap3A_247 = arith.index_cast %mul3A_246 : i32 to index
          %swap3A_248 = tpu.vector_load %arg7[%swap3A_247] {strides = array<i32>} : memref<2048xi32, #tpu.memory_space<vmem>>, vector<16xi32>,
          tpu.vector_store %arg7[%swap3A_247], %broadcast_in_dim3A_6 {strides = array<i32>} : memref<2048xi32, #tpu.memory_space<vmem>>, vector<16xi32>,
          %scan3A_249 = arith.constant 4 : i32
          %scan3A_250 = arith.addi %scan3A_226, %scan3A_249 : i32
          %mul3A_251 = arith.constant 16 : i32
          %mul3A_252 = arith.muli %scan3A_250, %mul3A_251 : i32
          %swap3A_253 = arith.index_cast %mul3A_252 : i32 to index
          %swap3A_254 = tpu.vector_load %arg7[%swap3A_253] {strides = array<i32>} : memref<2048xi32, #tpu.memory_space<vmem>>, vector<16xi32>,
          tpu.vector_store %arg7[%swap3A_253], %broadcast_in_dim3A_6 {strides = array<i32>} : memref<2048xi32, #tpu.memory_space<vmem>>, vector<16xi32>,
          %scan3A_255 = arith.constant 5 : i32
          %scan3A_256 = arith.addi %scan3A_226, %scan3A_255 : i32
          %mul3A_257 = arith.constant 16 : i32
          %mul3A_258 = arith.muli %scan3A_256, %mul3A_257 : i32
          %swap3A_259 = arith.index_cast %mul3A_258 : i32 to index
          %swap3A_260 = tpu.vector_load %arg7[%swap3A_259] {strides = array<i32>} : memref<2048xi32, #tpu.memory_space<vmem>>, vector<16xi32>,
          tpu.vector_store %arg7[%swap3A_259], %broadcast_in_dim3A_6 {strides = array<i32>} : memref<2048xi32, #tpu.memory_space<vmem>>, vector<16xi32>,
          %scan3A_261 = arith.constant 6 : i32
          %scan3A_262 = arith.addi %scan3A_226, %scan3A_261 : i32
          %mul3A_263 = arith.constant 16 : i32
          %mul3A_264 = arith.muli %scan3A_262, %mul3A_263 : i32
          %swap3A_265 = arith.index_cast %mul3A_264 : i32 to index
          %swap3A_266 = tpu.vector_load %arg7[%swap3A_265] {strides = array<i32>} : memref<2048xi32, #tpu.memory_space<vmem>>, vector<16xi32>,
          tpu.vector_store %arg7[%swap3A_265], %broadcast_in_dim3A_6 {strides = array<i32>} : memref<2048xi32, #tpu.memory_space<vmem>>, vector<16xi32>,
          %scan3A_267 = arith.constant 7 : i32
          %scan3A_268 = arith.addi %scan3A_226, %scan3A_267 : i32
          %mul3A_269 = arith.constant 16 : i32
          %mul3A_270 = arith.muli %scan3A_268, %mul3A_269 : i32
          %swap3A_271 = arith.index_cast %mul3A_270 : i32 to index
          %swap3A_272 = tpu.vector_load %arg7[%swap3A_271] {strides = array<i32>} : memref<2048xi32, #tpu.memory_space<vmem>>, vector<16xi32>,
          tpu.vector_store %arg7[%swap3A_271], %broadcast_in_dim3A_6 {strides = array<i32>} : memref<2048xi32, #tpu.memory_space<vmem>>, vector<16xi32>,
        }
        %scan3A_192 = arith.constant 128 : i32
        %parallel_loop3A_193 = arith.constant 0 : i32
        %parallel_loop3A_194 = arith.constant 6250 : i32
        %parallel_loop3A_195 = arith.constant 1 : i32
        scf.for %parallel_loop3A_226 = %parallel_loop3A_193 to %parallel_loop3A_194 step %parallel_loop3A_195  : i32 {
          %parallel_loop3A_227 = arith.constant 16 : i32
          %parallel_loop3A_228 = arith.muli %parallel_loop3A_226, %parallel_loop3A_227 : i32
          %parallel_loop3A_229 = arith.index_cast %parallel_loop3A_228 : i32 to index
          %parallel_loop3A_230 = tpu.vector_load %arg5[%parallel_loop3A_229] {strides = array<i32>} : memref<100000xi32, #tpu.memory_space<vmem>>, vector<16xi32>,
          %parallel_loop3A_231 = arith.constant 0 : i32
          %parallel_loop3A_232 = vector.broadcast %parallel_loop3A_231 : i32 to vector<16xi32>
          %parallel_loop3A_233 = arith.cmpi slt, %parallel_loop3A_230, %parallel_loop3A_232 : vector<16xi32>
          %parallel_loop3A_234 = arith.constant 2147483647 : i32
          %parallel_loop3A_235 = vector.broadcast %parallel_loop3A_234 : i32 to vector<16xi32>
          %parallel_loop3A_236 = arith.xori %parallel_loop3A_230, %parallel_loop3A_235 : vector<16xi32>
          %parallel_loop3A_237 = arith.select %parallel_loop3A_233, %parallel_loop3A_236, %parallel_loop3A_230 : vector<16xi1>, vector<16xi32>
          %parallel_loop3A_238 = arith.constant 4 : i32
          %parallel_loop3A_239 = arith.muli %parallel_loop3A_226, %parallel_loop3A_238 : i32
          %parallel_loop3A_240 = vector.broadcast %parallel_loop3A_239 : i32 to vector<16xi32>
          %parallel_loop3A_241 = arith.addi %parallel_loop3A_240, %shift_right_arithmetic3A_1 : vector<16xi32>
          %parallel_loop3A_242 = tpu.vector_load_idx %arg6[%parallel_loop3A_241] : memref<25008xi32, #tpu.memory_space<vmem>>[vector<16xi32>], vector<16xi32>,
          %parallel_loop3A_243 = arith.shrui %parallel_loop3A_242, %mul3A_5 : vector<16xi32>
          %parallel_loop3A_244 = arith.constant 1 : i32
          %parallel_loop3A_245 = vector.broadcast %parallel_loop3A_244 : i32 to vector<16xi32>
          %parallel_loop3A_246 = arith.andi %parallel_loop3A_243, %parallel_loop3A_245 : vector<16xi32>
          %parallel_loop3A_247 = arith.constant 0 : i32
          %parallel_loop3A_248 = vector.broadcast %parallel_loop3A_247 : i32 to vector<16xi32>
          %parallel_loop3A_249 = arith.cmpi ne, %parallel_loop3A_246, %parallel_loop3A_248 : vector<16xi32>
          %parallel_loop3A_250 = arith.constant -2147483648 : i32
          %parallel_loop3A_251 = vector.broadcast %parallel_loop3A_250 : i32 to vector<16xi32>
          %parallel_loop3A_252 = arith.select %parallel_loop3A_249, %parallel_loop3A_251, %parallel_loop3A_237 : vector<16xi1>, vector<16xi32>
          %parallel_loop3A_253 = arith.constant 21 : i32
          %parallel_loop3A_254 = vector.broadcast %parallel_loop3A_253 : i32 to vector<16xi32>
          %parallel_loop3A_255 = arith.shrsi %parallel_loop3A_252, %parallel_loop3A_254 : vector<16xi32>
          %parallel_loop3A_256 = arith.constant 1024 : i32
          %parallel_loop3A_257 = vector.broadcast %parallel_loop3A_256 : i32 to vector<16xi32>
          %parallel_loop3A_258 = arith.addi %parallel_loop3A_255, %parallel_loop3A_257 : vector<16xi32>
          tpu.vector_store_idx %arg7[%parallel_loop3A_258], %broadcast_in_dim3A_8 {add = true} : memref<2048xi32, #tpu.memory_space<vmem>>[vector<16xi32>], vector<16xi32>,
        } {sc.loop_unroll_factor = 8 : i64, sc.parallel_access}
        %scan3A_196 = arith.constant 100 : i32
        %scan3A_197 = arith.constant 0 : i32
        %scan3A_198 = arith.constant 0 : i32
        %scan3A_199 = arith.constant false
        %scan3A_200 = arith.constant 0 : i32
        %scan3A_201 = arith.constant 128 : i32
        %scan3A_202 = arith.addi %scan3A_200, %scan3A_201 : i32
        %scan3A_203 = arith.constant 1 : i32
        %scan3A_204:3 = scf.for %scan3A_226 = %scan3A_200 to %scan3A_202 step %scan3A_203 iter_args(%scan3A_227 = %scan3A_197, %scan3A_228 = %scan3A_198, %scan3A_229 = %scan3A_199) -> (i32, i32, i1)  : i32 {
          %sub3A_230 = arith.constant 127 : i32
          %sub3A_231 = arith.subi %sub3A_230, %scan3A_226 : i32
          %mul3A_232 = arith.constant 16 : i32
          %mul3A_233 = arith.muli %sub3A_231, %mul3A_232 : i32
          %get3A = arith.index_cast %mul3A_233 : i32 to index
          %get3A_234 = tpu.vector_load %arg7[%get3A] {strides = array<i32>} : memref<2048xi32, #tpu.memory_space<vmem>>, vector<16xi32>,
          %reduce_sum3A = arith.constant true
          %reduce_sum3A_235 = vector.broadcast %reduce_sum3A : i1 to vector<16xi1>
          %reduce_sum3A_236 = tpu.scan <sum>, %get3A_234 masked %reduce_sum3A_235 : vector<16xi32>, vector<16xi1> -> vector<16xi32>
          %reduce_sum3A_237 = vector.extract %reduce_sum3A_236[15] : i32 from vector<16xi32>
          %rev3A = arith.constant 15 : i32
          %rev3A_238 = vector.broadcast %rev3A : i32 to vector<16xi32>
          %rev3A_239 = tpu.iota {dimensions = array<i32: 0>} : vector<16xi32>
          %rev3A_240 = arith.subi %rev3A_238, %rev3A_239 : vector<16xi32>
          %rev3A_241 = tpu.dynamic_gather %get3A_234[%rev3A_240] in [0] : vector<16xi32>, vector<16xi32> -> vector<16xi32>
          %broadcast_in_dim3A_242 = arith.constant true
          %broadcast_in_dim3A_243 = vector.broadcast %broadcast_in_dim3A_242 : i1 to vector<16xi1>
          %masked_cumsum3A = tpu.scan <sum>, %rev3A_241 masked %broadcast_in_dim3A_243 : vector<16xi32>, vector<16xi1> -> vector<16xi32>
          %add3A_244 = vector.broadcast %scan3A_227 : i32 to vector<16xi32>
          %add3A_245 = arith.addi %add3A_244, %masked_cumsum3A : vector<16xi32>
          %ge3A = vector.broadcast %scan3A_196 : i32 to vector<16xi32>
          %ge3A_246 = arith.cmpi sge, %add3A_245, %ge3A : vector<16xi32>
          %all_reduce_ffs3A = tpu.all_reduce %ge3A_246 {dim = 0 : i64, kind = #tpu.reduction_kind<find_first_set>} : vector<16xi1> -> vector<16xi32>
          %reduce_max3A_247 = arith.constant true
          %reduce_max3A_248 = vector.broadcast %reduce_max3A_247 : i1 to vector<16xi1>
          %reduce_max3A_249 = arith.constant -2147483648 : i32
          %reduce_max3A_250 = vector.broadcast %reduce_max3A_249 : i32 to vector<16xi32>
          %reduce_max3A_251 = arith.xori %all_reduce_ffs3A, %reduce_max3A_250 : vector<16xi32>
          %reduce_max3A_252 = tpu.scan <max>, %reduce_max3A_251 masked %reduce_max3A_248 : vector<16xi32>, vector<16xi1> -> vector<16xi32>
          %reduce_max3A_253 = arith.xori %reduce_max3A_252, %reduce_max3A_250 : vector<16xi32>
          %reduce_max3A_254 = vector.extract %reduce_max3A_253[15] : i32 from vector<16xi32>
          %mul3A_255 = arith.constant 16 : i32
          %mul3A_256 = arith.muli %sub3A_231, %mul3A_255 : i32
          %add3A_257 = arith.constant 15 : i32
          %add3A_258 = arith.addi %mul3A_256, %add3A_257 : i32
          %sub3A_259 = arith.subi %add3A_258, %reduce_max3A_254 : i32
          %not3A = arith.constant true
          %not3A_260 = arith.xori %scan3A_229, %not3A : i1
          %add3A_261 = arith.addi %scan3A_227, %reduce_sum3A_237 : i32
          %ge3A_262 = arith.cmpi sge, %add3A_261, %scan3A_196 : i32
          %and3A_263 = arith.andi %not3A_260, %ge3A_262 : i1
          %select_n3A = arith.select %and3A_263, %sub3A_259, %scan3A_228 : i32
          %or3A_264 = arith.ori %scan3A_229, %and3A_263 : i1
          %add3A_265 = arith.addi %scan3A_227, %reduce_sum3A_237 : i32
          scf.yield %add3A_265, %select_n3A, %or3A_264 : i32, i32, i1
        }
        %scan3A_205 = arith.constant 128 : i32
        %sub3A_206 = arith.constant 1024 : i32
        %sub3A_207 = arith.subi %scan3A_204#1, %sub3A_206 : i32
        %shift_left3A_208 = arith.constant 21 : i32
        %shift_left3A_209 = arith.shli %sub3A_207, %shift_left3A_208 : i32
        %broadcast_in_dim3A_210 = arith.constant -1 : i32
        %broadcast_in_dim3A_211 = vector.broadcast %broadcast_in_dim3A_210 : i32 to vector<16xi32>
        %parallel_loop3A_212 = arith.constant 0 : i32
        %parallel_loop3A_213 = arith.constant 6250 : i32
        %parallel_loop3A_214 = arith.constant 1 : i32
        %parallel_loop3A_215 = scf.for %parallel_loop3A_226 = %parallel_loop3A_212 to %parallel_loop3A_213 step %parallel_loop3A_214 iter_args(%parallel_loop3A_227 = %broadcast_in_dim3A_211) -> (vector<16xi32>)  : i32 {
          %parallel_loop3A_228 = arith.constant 16 : i32
          %parallel_loop3A_229 = arith.muli %parallel_loop3A_226, %parallel_loop3A_228 : i32
          %parallel_loop3A_230 = arith.index_cast %parallel_loop3A_229 : i32 to index
          %parallel_loop3A_231 = tpu.vector_load %arg5[%parallel_loop3A_230] {strides = array<i32>} : memref<100000xi32, #tpu.memory_space<vmem>>, vector<16xi32>,
          %parallel_loop3A_232 = arith.constant 0 : i32
          %parallel_loop3A_233 = vector.broadcast %parallel_loop3A_232 : i32 to vector<16xi32>
          %parallel_loop3A_234 = arith.cmpi slt, %parallel_loop3A_231, %parallel_loop3A_233 : vector<16xi32>
          %parallel_loop3A_235 = arith.constant 2147483647 : i32
          %parallel_loop3A_236 = vector.broadcast %parallel_loop3A_235 : i32 to vector<16xi32>
          %parallel_loop3A_237 = arith.xori %parallel_loop3A_231, %parallel_loop3A_236 : vector<16xi32>
          %parallel_loop3A_238 = arith.select %parallel_loop3A_234, %parallel_loop3A_237, %parallel_loop3A_231 : vector<16xi1>, vector<16xi32>
          %parallel_loop3A_239 = arith.constant 4 : i32
          %parallel_loop3A_240 = arith.muli %parallel_loop3A_226, %parallel_loop3A_239 : i32
          %parallel_loop3A_241 = vector.broadcast %parallel_loop3A_240 : i32 to vector<16xi32>
          %parallel_loop3A_242 = arith.addi %parallel_loop3A_241, %shift_right_arithmetic3A_1 : vector<16xi32>
          %parallel_loop3A_243 = tpu.vector_load_idx %arg6[%parallel_loop3A_242] : memref<25008xi32, #tpu.memory_space<vmem>>[vector<16xi32>], vector<16xi32>,
          %parallel_loop3A_244 = arith.shrui %parallel_loop3A_243, %mul3A_5 : vector<16xi32>
          %parallel_loop3A_245 = arith.constant 1 : i32
          %parallel_loop3A_246 = vector.broadcast %parallel_loop3A_245 : i32 to vector<16xi32>
          %parallel_loop3A_247 = arith.andi %parallel_loop3A_244, %parallel_loop3A_246 : vector<16xi32>
          %parallel_loop3A_248 = arith.constant 0 : i32
          %parallel_loop3A_249 = vector.broadcast %parallel_loop3A_248 : i32 to vector<16xi32>
          %parallel_loop3A_250 = arith.cmpi ne, %parallel_loop3A_247, %parallel_loop3A_249 : vector<16xi32>
          %parallel_loop3A_251 = arith.constant -2147483648 : i32
          %parallel_loop3A_252 = vector.broadcast %parallel_loop3A_251 : i32 to vector<16xi32>
          %parallel_loop3A_253 = arith.select %parallel_loop3A_250, %parallel_loop3A_252, %parallel_loop3A_238 : vector<16xi1>, vector<16xi32>
          %parallel_loop3A_254 = vector.broadcast %shift_left3A_209 : i32 to vector<16xi32>
          %parallel_loop3A_255 = arith.cmpi sge, %parallel_loop3A_253, %parallel_loop3A_254 : vector<16xi32>
          %parallel_loop3A_256 = tpu.all_reduce %parallel_loop3A_255 {dim = 0 : i64, kind = #tpu.reduction_kind<sum>} : vector<16xi1> -> vector<16xi32>
          %parallel_loop3A_257 = arith.extui %parallel_loop3A_255 : vector<16xi1> to vector<16xi32>
          %parallel_loop3A_258 = arith.constant true
          %parallel_loop3A_259 = vector.broadcast %parallel_loop3A_258 : i1 to vector<16xi1>
          %parallel_loop3A_260 = tpu.scan <sum>, %parallel_loop3A_257 masked %parallel_loop3A_259 : vector<16xi32>, vector<16xi1> -> vector<16xi32>
          %parallel_loop3A_261 = arith.addi %parallel_loop3A_227, %parallel_loop3A_260 : vector<16xi32>
          %parallel_loop3A_262 = arith.constant 767 : i32
          %parallel_loop3A_263 = vector.broadcast %parallel_loop3A_262 : i32 to vector<16xi32>
          %parallel_loop3A_264 = arith.minsi %parallel_loop3A_261, %parallel_loop3A_263 : vector<16xi32>
          tpu.vector_store_idx %arg8[%parallel_loop3A_264], %parallel_loop3A_253 masked %parallel_loop3A_255 : memref<768xi32, #tpu.memory_space<vmem>>[vector<16xi32>], vector<16xi32>, vector<16xi1>
          %parallel_loop3A_265 = arith.constant 16 : i32
          %parallel_loop3A_266 = arith.muli %parallel_loop3A_226, %parallel_loop3A_265 : i32
          %parallel_loop3A_267 = vector.broadcast %parallel_loop3A_266 : i32 to vector<16xi32>
          %parallel_loop3A_268 = arith.addi %parallel_loop3A_267, %iota3A : vector<16xi32>
          tpu.vector_store_idx %arg9[%parallel_loop3A_264], %parallel_loop3A_268 masked %parallel_loop3A_255 : memref<768xi32, #tpu.memory_space<vmem>>[vector<16xi32>], vector<16xi32>, vector<16xi1>
          %parallel_loop3A_269 = arith.addi %parallel_loop3A_227, %parallel_loop3A_256 : vector<16xi32>
          scf.yield %parallel_loop3A_269 : vector<16xi32>
        } {sc.loop_unroll_factor = 8 : i64, sc.parallel_access}
        %reduce_max3A_216 = arith.constant true
        %reduce_max3A_217 = vector.broadcast %reduce_max3A_216 : i1 to vector<16xi1>
        %reduce_max3A_218 = arith.constant -2147483648 : i32
        %reduce_max3A_219 = vector.broadcast %reduce_max3A_218 : i32 to vector<16xi32>
        %reduce_max3A_220 = arith.xori %parallel_loop3A_215, %reduce_max3A_219 : vector<16xi32>
        %reduce_max3A_221 = tpu.scan <max>, %reduce_max3A_220 masked %reduce_max3A_217 : vector<16xi32>, vector<16xi1> -> vector<16xi32>
        %reduce_max3A_222 = arith.xori %reduce_max3A_221, %reduce_max3A_219 : vector<16xi32>
        %reduce_max3A_223 = vector.extract %reduce_max3A_222[15] : i32 from vector<16xi32>
        %add3A_224 = arith.constant 1 : i32
        %add3A_225 = arith.addi %reduce_max3A_223, %add3A_224 : i32
        scf.yield %add3A_225 : i32
      } else {
        scf.yield %add3A_76 : i32
      }
      %min3A = arith.constant 752 : i32
      %min3A_81 = arith.minsi %cond3A_80, %min3A : i32
      %broadcast_in_dim3A_82 = arith.constant -2147483648 : i32
      %broadcast_in_dim3A_83 = vector.broadcast %broadcast_in_dim3A_82 : i32 to vector<16xi32>
      %swap3A = arith.index_cast %min3A_81 : i32 to index
      %swap3A_84 = tpu.vector_load %arg8[%swap3A] {strides = array<i32>} : memref<768xi32, #tpu.memory_space<vmem>>, vector<16xi32>,
      tpu.vector_store %arg8[%swap3A], %broadcast_in_dim3A_83 {strides = array<i32>} : memref<768xi32, #tpu.memory_space<vmem>>, vector<16xi32>,
      %broadcast_in_dim3A_85 = arith.constant 2147483647 : i32
      %broadcast_in_dim3A_86 = vector.broadcast %broadcast_in_dim3A_85 : i32 to vector<16xi32>
      %swap3A_87 = arith.index_cast %min3A_81 : i32 to index
      %swap3A_88 = tpu.vector_load %arg9[%swap3A_87] {strides = array<i32>} : memref<768xi32, #tpu.memory_space<vmem>>, vector<16xi32>,
      tpu.vector_store %arg9[%swap3A_87], %broadcast_in_dim3A_86 {strides = array<i32>} : memref<768xi32, #tpu.memory_space<vmem>>, vector<16xi32>,
      %add3A_89 = arith.constant 15 : i32
      %add3A_90 = arith.addi %min3A_81, %add3A_89 : i32
      %shift_right_arithmetic3A_91 = arith.constant 4 : i32
      %shift_right_arithmetic3A_92 = arith.shrsi %add3A_90, %shift_right_arithmetic3A_91 : i32
      %scan3A_93 = arith.constant 0 : i32
      %scan3A_94 = arith.constant 0 : i32
      %scan3A_95 = arith.constant 128 : i32
      %scan3A_96 = arith.addi %scan3A_94, %scan3A_95 : i32
      %scan3A_97 = arith.constant 8 : i32
      scf.for %scan3A_187 = %scan3A_94 to %scan3A_96 step %scan3A_97  : i32 {
        %mul3A_188 = arith.constant 16 : i32
        %mul3A_189 = arith.muli %scan3A_187, %mul3A_188 : i32
        %swap3A_190 = arith.index_cast %mul3A_189 : i32 to index
        %swap3A_191 = tpu.vector_load %arg7[%swap3A_190] {strides = array<i32>} : memref<2048xi32, #tpu.memory_space<vmem>>, vector<16xi32>,
        tpu.vector_store %arg7[%swap3A_190], %broadcast_in_dim3A_6 {strides = array<i32>} : memref<2048xi32, #tpu.memory_space<vmem>>, vector<16xi32>,
        %scan3A_192 = arith.constant 1 : i32
        %scan3A_193 = arith.addi %scan3A_187, %scan3A_192 : i32
        %mul3A_194 = arith.constant 16 : i32
        %mul3A_195 = arith.muli %scan3A_193, %mul3A_194 : i32
        %swap3A_196 = arith.index_cast %mul3A_195 : i32 to index
        %swap3A_197 = tpu.vector_load %arg7[%swap3A_196] {strides = array<i32>} : memref<2048xi32, #tpu.memory_space<vmem>>, vector<16xi32>,
        tpu.vector_store %arg7[%swap3A_196], %broadcast_in_dim3A_6 {strides = array<i32>} : memref<2048xi32, #tpu.memory_space<vmem>>, vector<16xi32>,
        %scan3A_198 = arith.constant 2 : i32
        %scan3A_199 = arith.addi %scan3A_187, %scan3A_198 : i32
        %mul3A_200 = arith.constant 16 : i32
        %mul3A_201 = arith.muli %scan3A_199, %mul3A_200 : i32
        %swap3A_202 = arith.index_cast %mul3A_201 : i32 to index
        %swap3A_203 = tpu.vector_load %arg7[%swap3A_202] {strides = array<i32>} : memref<2048xi32, #tpu.memory_space<vmem>>, vector<16xi32>,
        tpu.vector_store %arg7[%swap3A_202], %broadcast_in_dim3A_6 {strides = array<i32>} : memref<2048xi32, #tpu.memory_space<vmem>>, vector<16xi32>,
        %scan3A_204 = arith.constant 3 : i32
        %scan3A_205 = arith.addi %scan3A_187, %scan3A_204 : i32
        %mul3A_206 = arith.constant 16 : i32
        %mul3A_207 = arith.muli %scan3A_205, %mul3A_206 : i32
        %swap3A_208 = arith.index_cast %mul3A_207 : i32 to index
        %swap3A_209 = tpu.vector_load %arg7[%swap3A_208] {strides = array<i32>} : memref<2048xi32, #tpu.memory_space<vmem>>, vector<16xi32>,
        tpu.vector_store %arg7[%swap3A_208], %broadcast_in_dim3A_6 {strides = array<i32>} : memref<2048xi32, #tpu.memory_space<vmem>>, vector<16xi32>,
        %scan3A_210 = arith.constant 4 : i32
        %scan3A_211 = arith.addi %scan3A_187, %scan3A_210 : i32
        %mul3A_212 = arith.constant 16 : i32
        %mul3A_213 = arith.muli %scan3A_211, %mul3A_212 : i32
        %swap3A_214 = arith.index_cast %mul3A_213 : i32 to index
        %swap3A_215 = tpu.vector_load %arg7[%swap3A_214] {strides = array<i32>} : memref<2048xi32, #tpu.memory_space<vmem>>, vector<16xi32>,
        tpu.vector_store %arg7[%swap3A_214], %broadcast_in_dim3A_6 {strides = array<i32>} : memref<2048xi32, #tpu.memory_space<vmem>>, vector<16xi32>,
        %scan3A_216 = arith.constant 5 : i32
        %scan3A_217 = arith.addi %scan3A_187, %scan3A_216 : i32
        %mul3A_218 = arith.constant 16 : i32
        %mul3A_219 = arith.muli %scan3A_217, %mul3A_218 : i32
        %swap3A_220 = arith.index_cast %mul3A_219 : i32 to index
        %swap3A_221 = tpu.vector_load %arg7[%swap3A_220] {strides = array<i32>} : memref<2048xi32, #tpu.memory_space<vmem>>, vector<16xi32>,
        tpu.vector_store %arg7[%swap3A_220], %broadcast_in_dim3A_6 {strides = array<i32>} : memref<2048xi32, #tpu.memory_space<vmem>>, vector<16xi32>,
        %scan3A_222 = arith.constant 6 : i32
        %scan3A_223 = arith.addi %scan3A_187, %scan3A_222 : i32
        %mul3A_224 = arith.constant 16 : i32
        %mul3A_225 = arith.muli %scan3A_223, %mul3A_224 : i32
        %swap3A_226 = arith.index_cast %mul3A_225 : i32 to index
        %swap3A_227 = tpu.vector_load %arg7[%swap3A_226] {strides = array<i32>} : memref<2048xi32, #tpu.memory_space<vmem>>, vector<16xi32>,
        tpu.vector_store %arg7[%swap3A_226], %broadcast_in_dim3A_6 {strides = array<i32>} : memref<2048xi32, #tpu.memory_space<vmem>>, vector<16xi32>,
        %scan3A_228 = arith.constant 7 : i32
        %scan3A_229 = arith.addi %scan3A_187, %scan3A_228 : i32
        %mul3A_230 = arith.constant 16 : i32
        %mul3A_231 = arith.muli %scan3A_229, %mul3A_230 : i32
        %swap3A_232 = arith.index_cast %mul3A_231 : i32 to index
        %swap3A_233 = tpu.vector_load %arg7[%swap3A_232] {strides = array<i32>} : memref<2048xi32, #tpu.memory_space<vmem>>, vector<16xi32>,
        tpu.vector_store %arg7[%swap3A_232], %broadcast_in_dim3A_6 {strides = array<i32>} : memref<2048xi32, #tpu.memory_space<vmem>>, vector<16xi32>,
      }
      %scan3A_98 = arith.constant 128 : i32
      %while3A = arith.constant 0 : i32
      %while3A_99 = arith.constant 0 : i32
      %while3A_100 = arith.subi %shift_right_arithmetic3A_92, %while3A_99 : i32
      %while3A_101 = arith.addi %while3A_99, %while3A_100 : i32
      %while3A_102 = arith.constant 1 : i32
      %while3A_103 = arith.divsi %while3A_100, %while3A_102 : i32
      %while3A_104 = arith.muli %while3A_103, %while3A_102 : i32
      %while3A_105 = arith.addi %while3A_99, %while3A_104 : i32
      %while3A_106 = arith.constant 1 : i32
      scf.for %while3A_187 = %while3A_99 to %while3A_105 step %while3A_106  : i32 {
        %mul3A_188 = arith.constant 16 : i32
        %mul3A_189 = arith.muli %while3A_187, %mul3A_188 : i32
        %get3A = arith.index_cast %mul3A_189 : i32 to index
        %get3A_190 = tpu.vector_load %arg8[%get3A] {strides = array<i32>} : memref<768xi32, #tpu.memory_space<vmem>>, vector<16xi32>,
        %shift_right_arithmetic3A_191 = arith.constant 21 : i32
        %shift_right_arithmetic3A_192 = vector.broadcast %shift_right_arithmetic3A_191 : i32 to vector<16xi32>
        %shift_right_arithmetic3A_193 = arith.shrsi %get3A_190, %shift_right_arithmetic3A_192 : vector<16xi32>
        %add3A_194 = arith.constant 1024 : i32
        %add3A_195 = vector.broadcast %add3A_194 : i32 to vector<16xi32>
        %add3A_196 = arith.addi %shift_right_arithmetic3A_193, %add3A_195 : vector<16xi32>
        tpu.vector_store_idx %arg7[%add3A_196], %broadcast_in_dim3A_8 {add = true} : memref<2048xi32, #tpu.memory_space<vmem>>[vector<16xi32>], vector<16xi32>,
      }
      %while3A_107 = arith.constant 1 : i32
      scf.for %while3A_187 = %while3A_105 to %while3A_101 step %while3A_107  : i32 {
        %mul3A_188 = arith.constant 16 : i32
        %mul3A_189 = arith.muli %while3A_187, %mul3A_188 : i32
        %get3A = arith.index_cast %mul3A_189 : i32 to index
        %get3A_190 = tpu.vector_load %arg8[%get3A] {strides = array<i32>} : memref<768xi32, #tpu.memory_space<vmem>>, vector<16xi32>,
        %shift_right_arithmetic3A_191 = arith.constant 21 : i32
        %shift_right_arithmetic3A_192 = vector.broadcast %shift_right_arithmetic3A_191 : i32 to vector<16xi32>
        %shift_right_arithmetic3A_193 = arith.shrsi %get3A_190, %shift_right_arithmetic3A_192 : vector<16xi32>
        %add3A_194 = arith.constant 1024 : i32
        %add3A_195 = vector.broadcast %add3A_194 : i32 to vector<16xi32>
        %add3A_196 = arith.addi %shift_right_arithmetic3A_193, %add3A_195 : vector<16xi32>
        tpu.vector_store_idx %arg7[%add3A_196], %broadcast_in_dim3A_8 {add = true} : memref<2048xi32, #tpu.memory_space<vmem>>[vector<16xi32>], vector<16xi32>,
      }
      %scan3A_108 = arith.constant 100 : i32
      %scan3A_109 = arith.constant 0 : i32
      %scan3A_110 = arith.constant 0 : i32
      %scan3A_111 = arith.constant false
      %scan3A_112 = arith.constant 0 : i32
      %scan3A_113 = arith.constant 128 : i32
      %scan3A_114 = arith.addi %scan3A_112, %scan3A_113 : i32
      %scan3A_115 = arith.constant 1 : i32
      %scan3A_116:3 = scf.for %scan3A_187 = %scan3A_112 to %scan3A_114 step %scan3A_115 iter_args(%scan3A_188 = %scan3A_109, %scan3A_189 = %scan3A_110, %scan3A_190 = %scan3A_111) -> (i32, i32, i1)  : i32 {
        %sub3A_191 = arith.constant 127 : i32
        %sub3A_192 = arith.subi %sub3A_191, %scan3A_187 : i32
        %mul3A_193 = arith.constant 16 : i32
        %mul3A_194 = arith.muli %sub3A_192, %mul3A_193 : i32
        %get3A = arith.index_cast %mul3A_194 : i32 to index
        %get3A_195 = tpu.vector_load %arg7[%get3A] {strides = array<i32>} : memref<2048xi32, #tpu.memory_space<vmem>>, vector<16xi32>,
        %reduce_sum3A = arith.constant true
        %reduce_sum3A_196 = vector.broadcast %reduce_sum3A : i1 to vector<16xi1>
        %reduce_sum3A_197 = tpu.scan <sum>, %get3A_195 masked %reduce_sum3A_196 : vector<16xi32>, vector<16xi1> -> vector<16xi32>
        %reduce_sum3A_198 = vector.extract %reduce_sum3A_197[15] : i32 from vector<16xi32>
        %rev3A = arith.constant 15 : i32
        %rev3A_199 = vector.broadcast %rev3A : i32 to vector<16xi32>
        %rev3A_200 = tpu.iota {dimensions = array<i32: 0>} : vector<16xi32>
        %rev3A_201 = arith.subi %rev3A_199, %rev3A_200 : vector<16xi32>
        %rev3A_202 = tpu.dynamic_gather %get3A_195[%rev3A_201] in [0] : vector<16xi32>, vector<16xi32> -> vector<16xi32>
        %broadcast_in_dim3A_203 = arith.constant true
        %broadcast_in_dim3A_204 = vector.broadcast %broadcast_in_dim3A_203 : i1 to vector<16xi1>
        %masked_cumsum3A = tpu.scan <sum>, %rev3A_202 masked %broadcast_in_dim3A_204 : vector<16xi32>, vector<16xi1> -> vector<16xi32>
        %add3A_205 = vector.broadcast %scan3A_188 : i32 to vector<16xi32>
        %add3A_206 = arith.addi %add3A_205, %masked_cumsum3A : vector<16xi32>
        %ge3A = vector.broadcast %scan3A_108 : i32 to vector<16xi32>
        %ge3A_207 = arith.cmpi sge, %add3A_206, %ge3A : vector<16xi32>
        %all_reduce_ffs3A = tpu.all_reduce %ge3A_207 {dim = 0 : i64, kind = #tpu.reduction_kind<find_first_set>} : vector<16xi1> -> vector<16xi32>
        %reduce_max3A_208 = arith.constant true
        %reduce_max3A_209 = vector.broadcast %reduce_max3A_208 : i1 to vector<16xi1>
        %reduce_max3A_210 = arith.constant -2147483648 : i32
        %reduce_max3A_211 = vector.broadcast %reduce_max3A_210 : i32 to vector<16xi32>
        %reduce_max3A_212 = arith.xori %all_reduce_ffs3A, %reduce_max3A_211 : vector<16xi32>
        %reduce_max3A_213 = tpu.scan <max>, %reduce_max3A_212 masked %reduce_max3A_209 : vector<16xi32>, vector<16xi1> -> vector<16xi32>
        %reduce_max3A_214 = arith.xori %reduce_max3A_213, %reduce_max3A_211 : vector<16xi32>
        %reduce_max3A_215 = vector.extract %reduce_max3A_214[15] : i32 from vector<16xi32>
        %mul3A_216 = arith.constant 16 : i32
        %mul3A_217 = arith.muli %sub3A_192, %mul3A_216 : i32
        %add3A_218 = arith.constant 15 : i32
        %add3A_219 = arith.addi %mul3A_217, %add3A_218 : i32
        %sub3A_220 = arith.subi %add3A_219, %reduce_max3A_215 : i32
        %not3A = arith.constant true
        %not3A_221 = arith.xori %scan3A_190, %not3A : i1
        %add3A_222 = arith.addi %scan3A_188, %reduce_sum3A_198 : i32
        %ge3A_223 = arith.cmpi sge, %add3A_222, %scan3A_108 : i32
        %and3A_224 = arith.andi %not3A_221, %ge3A_223 : i1
        %select_n3A = arith.select %and3A_224, %sub3A_220, %scan3A_189 : i32
        %or3A_225 = arith.ori %scan3A_190, %and3A_224 : i1
        %add3A_226 = arith.addi %scan3A_188, %reduce_sum3A_198 : i32
        scf.yield %add3A_226, %select_n3A, %or3A_225 : i32, i32, i1
      }
      %scan3A_117 = arith.constant 128 : i32
      %sub3A_118 = arith.constant 1024 : i32
      %sub3A_119 = arith.subi %scan3A_116#1, %sub3A_118 : i32
      %shift_left3A_120 = arith.constant 21 : i32
      %shift_left3A_121 = arith.shli %sub3A_119, %shift_left3A_120 : i32
      %add3A_122 = arith.constant 2097152 : i32
      %add3A_123 = arith.addi %shift_left3A_121, %add3A_122 : i32
      %scan3A_124 = arith.constant 0 : i32
      %scan3A_125 = arith.constant 0 : i32
      %scan3A_126 = arith.constant 128 : i32
      %scan3A_127 = arith.addi %scan3A_125, %scan3A_126 : i32
      %scan3A_128 = arith.constant 8 : i32
      scf.for %scan3A_187 = %scan3A_125 to %scan3A_127 step %scan3A_128  : i32 {
        %mul3A_188 = arith.constant 16 : i32
        %mul3A_189 = arith.muli %scan3A_187, %mul3A_188 : i32
        %swap3A_190 = arith.index_cast %mul3A_189 : i32 to index
        %swap3A_191 = tpu.vector_load %arg7[%swap3A_190] {strides = array<i32>} : memref<2048xi32, #tpu.memory_space<vmem>>, vector<16xi32>,
        tpu.vector_store %arg7[%swap3A_190], %broadcast_in_dim3A_6 {strides = array<i32>} : memref<2048xi32, #tpu.memory_space<vmem>>, vector<16xi32>,
        %scan3A_192 = arith.constant 1 : i32
        %scan3A_193 = arith.addi %scan3A_187, %scan3A_192 : i32
        %mul3A_194 = arith.constant 16 : i32
        %mul3A_195 = arith.muli %scan3A_193, %mul3A_194 : i32
        %swap3A_196 = arith.index_cast %mul3A_195 : i32 to index
        %swap3A_197 = tpu.vector_load %arg7[%swap3A_196] {strides = array<i32>} : memref<2048xi32, #tpu.memory_space<vmem>>, vector<16xi32>,
        tpu.vector_store %arg7[%swap3A_196], %broadcast_in_dim3A_6 {strides = array<i32>} : memref<2048xi32, #tpu.memory_space<vmem>>, vector<16xi32>,
        %scan3A_198 = arith.constant 2 : i32
        %scan3A_199 = arith.addi %scan3A_187, %scan3A_198 : i32
        %mul3A_200 = arith.constant 16 : i32
        %mul3A_201 = arith.muli %scan3A_199, %mul3A_200 : i32
        %swap3A_202 = arith.index_cast %mul3A_201 : i32 to index
        %swap3A_203 = tpu.vector_load %arg7[%swap3A_202] {strides = array<i32>} : memref<2048xi32, #tpu.memory_space<vmem>>, vector<16xi32>,
        tpu.vector_store %arg7[%swap3A_202], %broadcast_in_dim3A_6 {strides = array<i32>} : memref<2048xi32, #tpu.memory_space<vmem>>, vector<16xi32>,
        %scan3A_204 = arith.constant 3 : i32
        %scan3A_205 = arith.addi %scan3A_187, %scan3A_204 : i32
        %mul3A_206 = arith.constant 16 : i32
        %mul3A_207 = arith.muli %scan3A_205, %mul3A_206 : i32
        %swap3A_208 = arith.index_cast %mul3A_207 : i32 to index
        %swap3A_209 = tpu.vector_load %arg7[%swap3A_208] {strides = array<i32>} : memref<2048xi32, #tpu.memory_space<vmem>>, vector<16xi32>,
        tpu.vector_store %arg7[%swap3A_208], %broadcast_in_dim3A_6 {strides = array<i32>} : memref<2048xi32, #tpu.memory_space<vmem>>, vector<16xi32>,
        %scan3A_210 = arith.constant 4 : i32
        %scan3A_211 = arith.addi %scan3A_187, %scan3A_210 : i32
        %mul3A_212 = arith.constant 16 : i32
        %mul3A_213 = arith.muli %scan3A_211, %mul3A_212 : i32
        %swap3A_214 = arith.index_cast %mul3A_213 : i32 to index
        %swap3A_215 = tpu.vector_load %arg7[%swap3A_214] {strides = array<i32>} : memref<2048xi32, #tpu.memory_space<vmem>>, vector<16xi32>,
        tpu.vector_store %arg7[%swap3A_214], %broadcast_in_dim3A_6 {strides = array<i32>} : memref<2048xi32, #tpu.memory_space<vmem>>, vector<16xi32>,
        %scan3A_216 = arith.constant 5 : i32
        %scan3A_217 = arith.addi %scan3A_187, %scan3A_216 : i32
        %mul3A_218 = arith.constant 16 : i32
        %mul3A_219 = arith.muli %scan3A_217, %mul3A_218 : i32
        %swap3A_220 = arith.index_cast %mul3A_219 : i32 to index
        %swap3A_221 = tpu.vector_load %arg7[%swap3A_220] {strides = array<i32>} : memref<2048xi32, #tpu.memory_space<vmem>>, vector<16xi32>,
        tpu.vector_store %arg7[%swap3A_220], %broadcast_in_dim3A_6 {strides = array<i32>} : memref<2048xi32, #tpu.memory_space<vmem>>, vector<16xi32>,
        %scan3A_222 = arith.constant 6 : i32
        %scan3A_223 = arith.addi %scan3A_187, %scan3A_222 : i32
        %mul3A_224 = arith.constant 16 : i32
        %mul3A_225 = arith.muli %scan3A_223, %mul3A_224 : i32
        %swap3A_226 = arith.index_cast %mul3A_225 : i32 to index
        %swap3A_227 = tpu.vector_load %arg7[%swap3A_226] {strides = array<i32>} : memref<2048xi32, #tpu.memory_space<vmem>>, vector<16xi32>,
        tpu.vector_store %arg7[%swap3A_226], %broadcast_in_dim3A_6 {strides = array<i32>} : memref<2048xi32, #tpu.memory_space<vmem>>, vector<16xi32>,
        %scan3A_228 = arith.constant 7 : i32
        %scan3A_229 = arith.addi %scan3A_187, %scan3A_228 : i32
        %mul3A_230 = arith.constant 16 : i32
        %mul3A_231 = arith.muli %scan3A_229, %mul3A_230 : i32
        %swap3A_232 = arith.index_cast %mul3A_231 : i32 to index
        %swap3A_233 = tpu.vector_load %arg7[%swap3A_232] {strides = array<i32>} : memref<2048xi32, #tpu.memory_space<vmem>>, vector<16xi32>,
        tpu.vector_store %arg7[%swap3A_232], %broadcast_in_dim3A_6 {strides = array<i32>} : memref<2048xi32, #tpu.memory_space<vmem>>, vector<16xi32>,
      }
      %scan3A_129 = arith.constant 128 : i32
      %while3A_130 = arith.constant 0 : i32
      %while3A_131 = arith.constant 0 : i32
      %while3A_132 = arith.subi %shift_right_arithmetic3A_92, %while3A_130 : i32
      %while3A_133 = arith.addi %while3A_130, %while3A_132 : i32
      %while3A_134 = arith.constant 1 : i32
      %while3A_135 = arith.divsi %while3A_132, %while3A_134 : i32
      %while3A_136 = arith.muli %while3A_135, %while3A_134 : i32
      %while3A_137 = arith.addi %while3A_130, %while3A_136 : i32
      %while3A_138 = arith.constant 1 : i32
      %while3A_139 = scf.for %while3A_187 = %while3A_130 to %while3A_137 step %while3A_138 iter_args(%while3A_188 = %while3A_131) -> (i32)  : i32 {
        %mul3A_189 = arith.constant 16 : i32
        %mul3A_190 = arith.muli %while3A_187, %mul3A_189 : i32
        %get3A = arith.index_cast %mul3A_190 : i32 to index
        %get3A_191 = tpu.vector_load %arg8[%get3A] {strides = array<i32>} : memref<768xi32, #tpu.memory_space<vmem>>, vector<16xi32>,
        %ge3A = vector.broadcast %add3A_123 : i32 to vector<16xi32>
        %ge3A_192 = arith.cmpi sge, %get3A_191, %ge3A : vector<16xi32>
        %all_reduce_population_count3A = tpu.all_reduce %ge3A_192 {dim = 0 : i64, kind = #tpu.reduction_kind<sum>} : vector<16xi1> -> vector<16xi32>
        %reduce_max3A_193 = arith.constant true
        %reduce_max3A_194 = vector.broadcast %reduce_max3A_193 : i1 to vector<16xi1>
        %reduce_max3A_195 = arith.constant -2147483648 : i32
        %reduce_max3A_196 = vector.broadcast %reduce_max3A_195 : i32 to vector<16xi32>
        %reduce_max3A_197 = arith.xori %all_reduce_population_count3A, %reduce_max3A_196 : vector<16xi32>
        %reduce_max3A_198 = tpu.scan <max>, %reduce_max3A_197 masked %reduce_max3A_194 : vector<16xi32>, vector<16xi1> -> vector<16xi32>
        %reduce_max3A_199 = arith.xori %reduce_max3A_198, %reduce_max3A_196 : vector<16xi32>
        %reduce_max3A_200 = vector.extract %reduce_max3A_199[15] : i32 from vector<16xi32>
        %add3A_201 = arith.addi %while3A_188, %reduce_max3A_200 : i32
        %shift_right_arithmetic3A_202 = arith.constant 10 : i32
        %shift_right_arithmetic3A_203 = vector.broadcast %shift_right_arithmetic3A_202 : i32 to vector<16xi32>
        %shift_right_arithmetic3A_204 = arith.shrsi %get3A_191, %shift_right_arithmetic3A_203 : vector<16xi32>
        %and3A_205 = arith.constant 2047 : i32
        %and3A_206 = vector.broadcast %and3A_205 : i32 to vector<16xi32>
        %and3A_207 = arith.andi %shift_right_arithmetic3A_204, %and3A_206 : vector<16xi32>
        %ge3A_208 = vector.broadcast %shift_left3A_121 : i32 to vector<16xi32>
        %ge3A_209 = arith.cmpi sge, %get3A_191, %ge3A_208 : vector<16xi32>
        %lt3A_210 = vector.broadcast %add3A_123 : i32 to vector<16xi32>
        %lt3A_211 = arith.cmpi slt, %get3A_191, %lt3A_210 : vector<16xi32>
        %and3A_212 = arith.andi %ge3A_209, %lt3A_211 : vector<16xi1>
        tpu.vector_store_idx %arg7[%and3A_207], %broadcast_in_dim3A_8 masked %and3A_212 {add = true} : memref<2048xi32, #tpu.memory_space<vmem>>[vector<16xi32>], vector<16xi32>, vector<16xi1>
        scf.yield %add3A_201 : i32
      }
      %while3A_140 = arith.constant 1 : i32
      %while3A_141 = scf.for %while3A_187 = %while3A_137 to %while3A_133 step %while3A_140 iter_args(%while3A_188 = %while3A_139) -> (i32)  : i32 {
        %mul3A_189 = arith.constant 16 : i32
        %mul3A_190 = arith.muli %while3A_187, %mul3A_189 : i32
        %get3A = arith.index_cast %mul3A_190 : i32 to index
        %get3A_191 = tpu.vector_load %arg8[%get3A] {strides = array<i32>} : memref<768xi32, #tpu.memory_space<vmem>>, vector<16xi32>,
        %ge3A = vector.broadcast %add3A_123 : i32 to vector<16xi32>
        %ge3A_192 = arith.cmpi sge, %get3A_191, %ge3A : vector<16xi32>
        %all_reduce_population_count3A = tpu.all_reduce %ge3A_192 {dim = 0 : i64, kind = #tpu.reduction_kind<sum>} : vector<16xi1> -> vector<16xi32>
        %reduce_max3A_193 = arith.constant true
        %reduce_max3A_194 = vector.broadcast %reduce_max3A_193 : i1 to vector<16xi1>
        %reduce_max3A_195 = arith.constant -2147483648 : i32
        %reduce_max3A_196 = vector.broadcast %reduce_max3A_195 : i32 to vector<16xi32>
        %reduce_max3A_197 = arith.xori %all_reduce_population_count3A, %reduce_max3A_196 : vector<16xi32>
        %reduce_max3A_198 = tpu.scan <max>, %reduce_max3A_197 masked %reduce_max3A_194 : vector<16xi32>, vector<16xi1> -> vector<16xi32>
        %reduce_max3A_199 = arith.xori %reduce_max3A_198, %reduce_max3A_196 : vector<16xi32>
        %reduce_max3A_200 = vector.extract %reduce_max3A_199[15] : i32 from vector<16xi32>
        %add3A_201 = arith.addi %while3A_188, %reduce_max3A_200 : i32
        %shift_right_arithmetic3A_202 = arith.constant 10 : i32
        %shift_right_arithmetic3A_203 = vector.broadcast %shift_right_arithmetic3A_202 : i32 to vector<16xi32>
        %shift_right_arithmetic3A_204 = arith.shrsi %get3A_191, %shift_right_arithmetic3A_203 : vector<16xi32>
        %and3A_205 = arith.constant 2047 : i32
        %and3A_206 = vector.broadcast %and3A_205 : i32 to vector<16xi32>
        %and3A_207 = arith.andi %shift_right_arithmetic3A_204, %and3A_206 : vector<16xi32>
        %ge3A_208 = vector.broadcast %shift_left3A_121 : i32 to vector<16xi32>
        %ge3A_209 = arith.cmpi sge, %get3A_191, %ge3A_208 : vector<16xi32>
        %lt3A_210 = vector.broadcast %add3A_123 : i32 to vector<16xi32>
        %lt3A_211 = arith.cmpi slt, %get3A_191, %lt3A_210 : vector<16xi32>
        %and3A_212 = arith.andi %ge3A_209, %lt3A_211 : vector<16xi1>
        tpu.vector_store_idx %arg7[%and3A_207], %broadcast_in_dim3A_8 masked %and3A_212 {add = true} : memref<2048xi32, #tpu.memory_space<vmem>>[vector<16xi32>], vector<16xi32>, vector<16xi1>
        scf.yield %add3A_201 : i32
      }
      %sub3A_142 = arith.constant 100 : i32
      %sub3A_143 = arith.subi %sub3A_142, %while3A_141 : i32
      %scan3A_144 = arith.constant 0 : i32
      %scan3A_145 = arith.constant 0 : i32
      %scan3A_146 = arith.constant false
      %scan3A_147 = arith.constant 0 : i32
      %scan3A_148 = arith.constant 128 : i32
      %scan3A_149 = arith.addi %scan3A_147, %scan3A_148 : i32
      %scan3A_150 = arith.constant 1 : i32
      %scan3A_151:3 = scf.for %scan3A_187 = %scan3A_147 to %scan3A_149 step %scan3A_150 iter_args(%scan3A_188 = %scan3A_144, %scan3A_189 = %scan3A_145, %scan3A_190 = %scan3A_146) -> (i32, i32, i1)  : i32 {
        %sub3A_191 = arith.constant 127 : i32
        %sub3A_192 = arith.subi %sub3A_191, %scan3A_187 : i32
        %mul3A_193 = arith.constant 16 : i32
        %mul3A_194 = arith.muli %sub3A_192, %mul3A_193 : i32
        %get3A = arith.index_cast %mul3A_194 : i32 to index
        %get3A_195 = tpu.vector_load %arg7[%get3A] {strides = array<i32>} : memref<2048xi32, #tpu.memory_space<vmem>>, vector<16xi32>,
        %reduce_sum3A = arith.constant true
        %reduce_sum3A_196 = vector.broadcast %reduce_sum3A : i1 to vector<16xi1>
        %reduce_sum3A_197 = tpu.scan <sum>, %get3A_195 masked %reduce_sum3A_196 : vector<16xi32>, vector<16xi1> -> vector<16xi32>
        %reduce_sum3A_198 = vector.extract %reduce_sum3A_197[15] : i32 from vector<16xi32>
        %rev3A = arith.constant 15 : i32
        %rev3A_199 = vector.broadcast %rev3A : i32 to vector<16xi32>
        %rev3A_200 = tpu.iota {dimensions = array<i32: 0>} : vector<16xi32>
        %rev3A_201 = arith.subi %rev3A_199, %rev3A_200 : vector<16xi32>
        %rev3A_202 = tpu.dynamic_gather %get3A_195[%rev3A_201] in [0] : vector<16xi32>, vector<16xi32> -> vector<16xi32>
        %broadcast_in_dim3A_203 = arith.constant true
        %broadcast_in_dim3A_204 = vector.broadcast %broadcast_in_dim3A_203 : i1 to vector<16xi1>
        %masked_cumsum3A = tpu.scan <sum>, %rev3A_202 masked %broadcast_in_dim3A_204 : vector<16xi32>, vector<16xi1> -> vector<16xi32>
        %add3A_205 = vector.broadcast %scan3A_188 : i32 to vector<16xi32>
        %add3A_206 = arith.addi %add3A_205, %masked_cumsum3A : vector<16xi32>
        %ge3A = vector.broadcast %sub3A_143 : i32 to vector<16xi32>
        %ge3A_207 = arith.cmpi sge, %add3A_206, %ge3A : vector<16xi32>
        %all_reduce_ffs3A = tpu.all_reduce %ge3A_207 {dim = 0 : i64, kind = #tpu.reduction_kind<find_first_set>} : vector<16xi1> -> vector<16xi32>
        %reduce_max3A_208 = arith.constant true
        %reduce_max3A_209 = vector.broadcast %reduce_max3A_208 : i1 to vector<16xi1>
        %reduce_max3A_210 = arith.constant -2147483648 : i32
        %reduce_max3A_211 = vector.broadcast %reduce_max3A_210 : i32 to vector<16xi32>
        %reduce_max3A_212 = arith.xori %all_reduce_ffs3A, %reduce_max3A_211 : vector<16xi32>
        %reduce_max3A_213 = tpu.scan <max>, %reduce_max3A_212 masked %reduce_max3A_209 : vector<16xi32>, vector<16xi1> -> vector<16xi32>
        %reduce_max3A_214 = arith.xori %reduce_max3A_213, %reduce_max3A_211 : vector<16xi32>
        %reduce_max3A_215 = vector.extract %reduce_max3A_214[15] : i32 from vector<16xi32>
        %mul3A_216 = arith.constant 16 : i32
        %mul3A_217 = arith.muli %sub3A_192, %mul3A_216 : i32
        %add3A_218 = arith.constant 15 : i32
        %add3A_219 = arith.addi %mul3A_217, %add3A_218 : i32
        %sub3A_220 = arith.subi %add3A_219, %reduce_max3A_215 : i32
        %not3A = arith.constant true
        %not3A_221 = arith.xori %scan3A_190, %not3A : i1
        %add3A_222 = arith.addi %scan3A_188, %reduce_sum3A_198 : i32
        %ge3A_223 = arith.cmpi sge, %add3A_222, %sub3A_143 : i32
        %and3A_224 = arith.andi %not3A_221, %ge3A_223 : i1
        %select_n3A = arith.select %and3A_224, %sub3A_220, %scan3A_189 : i32
        %or3A_225 = arith.ori %scan3A_190, %and3A_224 : i1
        %add3A_226 = arith.addi %scan3A_188, %reduce_sum3A_198 : i32
        scf.yield %add3A_226, %select_n3A, %or3A_225 : i32, i32, i1
      }
      %scan3A_152 = arith.constant 128 : i32
      %while3A_153 = arith.constant 0 : i32
      %while3A_154 = arith.constant 0 : i32
      %while3A_155 = arith.subi %shift_right_arithmetic3A_92, %while3A_153 : i32
      %while3A_156 = arith.addi %while3A_153, %while3A_155 : i32
      %while3A_157 = arith.constant 1 : i32
      %while3A_158 = arith.divsi %while3A_155, %while3A_157 : i32
      %while3A_159 = arith.muli %while3A_158, %while3A_157 : i32
      %while3A_160 = arith.addi %while3A_153, %while3A_159 : i32
      %while3A_161 = arith.constant 1 : i32
      %while3A_162 = scf.for %while3A_187 = %while3A_153 to %while3A_160 step %while3A_161 iter_args(%while3A_188 = %while3A_154) -> (i32)  : i32 {
        %mul3A_189 = arith.constant 16 : i32
        %mul3A_190 = arith.muli %while3A_187, %mul3A_189 : i32
        %get3A = arith.index_cast %mul3A_190 : i32 to index
        %get3A_191 = tpu.vector_load %arg8[%get3A] {strides = array<i32>} : memref<768xi32, #tpu.memory_space<vmem>>, vector<16xi32>,
        %mul3A_192 = arith.constant 16 : i32
        %mul3A_193 = arith.muli %while3A_187, %mul3A_192 : i32
        %get3A_194 = arith.index_cast %mul3A_193 : i32 to index
        %get3A_195 = tpu.vector_load %arg9[%get3A_194] {strides = array<i32>} : memref<768xi32, #tpu.memory_space<vmem>>, vector<16xi32>,
        %shift_right_arithmetic3A_196 = arith.constant 10 : i32
        %shift_right_arithmetic3A_197 = vector.broadcast %shift_right_arithmetic3A_196 : i32 to vector<16xi32>
        %shift_right_arithmetic3A_198 = arith.shrsi %get3A_191, %shift_right_arithmetic3A_197 : vector<16xi32>
        %and3A_199 = arith.constant 2047 : i32
        %and3A_200 = vector.broadcast %and3A_199 : i32 to vector<16xi32>
        %and3A_201 = arith.andi %shift_right_arithmetic3A_198, %and3A_200 : vector<16xi32>
        %ge3A = vector.broadcast %shift_left3A_121 : i32 to vector<16xi32>
        %ge3A_202 = arith.cmpi sge, %get3A_191, %ge3A : vector<16xi32>
        %lt3A_203 = vector.broadcast %add3A_123 : i32 to vector<16xi32>
        %lt3A_204 = arith.cmpi slt, %get3A_191, %lt3A_203 : vector<16xi32>
        %and3A_205 = arith.andi %ge3A_202, %lt3A_204 : vector<16xi1>
        %ge3A_206 = vector.broadcast %add3A_123 : i32 to vector<16xi32>
        %ge3A_207 = arith.cmpi sge, %get3A_191, %ge3A_206 : vector<16xi32>
        %ge3A_208 = vector.broadcast %scan3A_151#1 : i32 to vector<16xi32>
        %ge3A_209 = arith.cmpi sge, %and3A_201, %ge3A_208 : vector<16xi32>
        %and3A_210 = arith.andi %and3A_205, %ge3A_209 : vector<16xi1>
        %or3A_211 = arith.ori %ge3A_207, %and3A_210 : vector<16xi1>
        %all_reduce_population_count3A = tpu.all_reduce %or3A_211 {dim = 0 : i64, kind = #tpu.reduction_kind<sum>} : vector<16xi1> -> vector<16xi32>
        %reduce_max3A_212 = arith.constant true
        %reduce_max3A_213 = vector.broadcast %reduce_max3A_212 : i1 to vector<16xi1>
        %reduce_max3A_214 = arith.constant -2147483648 : i32
        %reduce_max3A_215 = vector.broadcast %reduce_max3A_214 : i32 to vector<16xi32>
        %reduce_max3A_216 = arith.xori %all_reduce_population_count3A, %reduce_max3A_215 : vector<16xi32>
        %reduce_max3A_217 = tpu.scan <max>, %reduce_max3A_216 masked %reduce_max3A_213 : vector<16xi32>, vector<16xi1> -> vector<16xi32>
        %reduce_max3A_218 = arith.xori %reduce_max3A_217, %reduce_max3A_215 : vector<16xi32>
        %reduce_max3A_219 = vector.extract %reduce_max3A_218[15] : i32 from vector<16xi32>
        %swap3A_220 = arith.index_cast %while3A_188 : i32 to index
        %swap3A_221 = tpu.vector_load %arg10[%swap3A_220] masked %or3A_211 {strides = array<i32>} : memref<256xi32, #tpu.memory_space<vmem>>, vector<16xi32>, vector<16xi1>
        tpu.vector_store %arg10[%swap3A_220], %get3A_191 masked %or3A_211 {strides = array<i32>} : memref<256xi32, #tpu.memory_space<vmem>>, vector<16xi32>, vector<16xi1>
        %swap3A_222 = arith.index_cast %while3A_188 : i32 to index
        %swap3A_223 = tpu.vector_load %arg11[%swap3A_222] masked %or3A_211 {strides = array<i32>} : memref<256xi32, #tpu.memory_space<vmem>>, vector<16xi32>, vector<16xi1>
        tpu.vector_store %arg11[%swap3A_222], %get3A_195 masked %or3A_211 {strides = array<i32>} : memref<256xi32, #tpu.memory_space<vmem>>, vector<16xi32>, vector<16xi1>
        %add3A_224 = arith.addi %while3A_188, %reduce_max3A_219 : i32
        %min3A_225 = arith.constant 240 : i32
        %min3A_226 = arith.minsi %add3A_224, %min3A_225 : i32
        scf.yield %min3A_226 : i32
      }
      %while3A_163 = arith.constant 1 : i32
      %while3A_164 = scf.for %while3A_187 = %while3A_160 to %while3A_156 step %while3A_163 iter_args(%while3A_188 = %while3A_162) -> (i32)  : i32 {
        %mul3A_189 = arith.constant 16 : i32
        %mul3A_190 = arith.muli %while3A_187, %mul3A_189 : i32
        %get3A = arith.index_cast %mul3A_190 : i32 to index
        %get3A_191 = tpu.vector_load %arg8[%get3A] {strides = array<i32>} : memref<768xi32, #tpu.memory_space<vmem>>, vector<16xi32>,
        %mul3A_192 = arith.constant 16 : i32
        %mul3A_193 = arith.muli %while3A_187, %mul3A_192 : i32
        %get3A_194 = arith.index_cast %mul3A_193 : i32 to index
        %get3A_195 = tpu.vector_load %arg9[%get3A_194] {strides = array<i32>} : memref<768xi32, #tpu.memory_space<vmem>>, vector<16xi32>,
        %shift_right_arithmetic3A_196 = arith.constant 10 : i32
        %shift_right_arithmetic3A_197 = vector.broadcast %shift_right_arithmetic3A_196 : i32 to vector<16xi32>
        %shift_right_arithmetic3A_198 = arith.shrsi %get3A_191, %shift_right_arithmetic3A_197 : vector<16xi32>
        %and3A_199 = arith.constant 2047 : i32
        %and3A_200 = vector.broadcast %and3A_199 : i32 to vector<16xi32>
        %and3A_201 = arith.andi %shift_right_arithmetic3A_198, %and3A_200 : vector<16xi32>
        %ge3A = vector.broadcast %shift_left3A_121 : i32 to vector<16xi32>
        %ge3A_202 = arith.cmpi sge, %get3A_191, %ge3A : vector<16xi32>
        %lt3A_203 = vector.broadcast %add3A_123 : i32 to vector<16xi32>
        %lt3A_204 = arith.cmpi slt, %get3A_191, %lt3A_203 : vector<16xi32>
        %and3A_205 = arith.andi %ge3A_202, %lt3A_204 : vector<16xi1>
        %ge3A_206 = vector.broadcast %add3A_123 : i32 to vector<16xi32>
        %ge3A_207 = arith.cmpi sge, %get3A_191, %ge3A_206 : vector<16xi32>
        %ge3A_208 = vector.broadcast %scan3A_151#1 : i32 to vector<16xi32>
        %ge3A_209 = arith.cmpi sge, %and3A_201, %ge3A_208 : vector<16xi32>
        %and3A_210 = arith.andi %and3A_205, %ge3A_209 : vector<16xi1>
        %or3A_211 = arith.ori %ge3A_207, %and3A_210 : vector<16xi1>
        %all_reduce_population_count3A = tpu.all_reduce %or3A_211 {dim = 0 : i64, kind = #tpu.reduction_kind<sum>} : vector<16xi1> -> vector<16xi32>
        %reduce_max3A_212 = arith.constant true
        %reduce_max3A_213 = vector.broadcast %reduce_max3A_212 : i1 to vector<16xi1>
        %reduce_max3A_214 = arith.constant -2147483648 : i32
        %reduce_max3A_215 = vector.broadcast %reduce_max3A_214 : i32 to vector<16xi32>
        %reduce_max3A_216 = arith.xori %all_reduce_population_count3A, %reduce_max3A_215 : vector<16xi32>
        %reduce_max3A_217 = tpu.scan <max>, %reduce_max3A_216 masked %reduce_max3A_213 : vector<16xi32>, vector<16xi1> -> vector<16xi32>
        %reduce_max3A_218 = arith.xori %reduce_max3A_217, %reduce_max3A_215 : vector<16xi32>
        %reduce_max3A_219 = vector.extract %reduce_max3A_218[15] : i32 from vector<16xi32>
        %swap3A_220 = arith.index_cast %while3A_188 : i32 to index
        %swap3A_221 = tpu.vector_load %arg10[%swap3A_220] masked %or3A_211 {strides = array<i32>} : memref<256xi32, #tpu.memory_space<vmem>>, vector<16xi32>, vector<16xi1>
        tpu.vector_store %arg10[%swap3A_220], %get3A_191 masked %or3A_211 {strides = array<i32>} : memref<256xi32, #tpu.memory_space<vmem>>, vector<16xi32>, vector<16xi1>
        %swap3A_222 = arith.index_cast %while3A_188 : i32 to index
        %swap3A_223 = tpu.vector_load %arg11[%swap3A_222] masked %or3A_211 {strides = array<i32>} : memref<256xi32, #tpu.memory_space<vmem>>, vector<16xi32>, vector<16xi1>
        tpu.vector_store %arg11[%swap3A_222], %get3A_195 masked %or3A_211 {strides = array<i32>} : memref<256xi32, #tpu.memory_space<vmem>>, vector<16xi32>, vector<16xi1>
        %add3A_224 = arith.addi %while3A_188, %reduce_max3A_219 : i32
        %min3A_225 = arith.constant 240 : i32
        %min3A_226 = arith.minsi %add3A_224, %min3A_225 : i32
        scf.yield %min3A_226 : i32
      }
      %broadcast_in_dim3A_165 = arith.constant -2147483648 : i32
      %broadcast_in_dim3A_166 = vector.broadcast %broadcast_in_dim3A_165 : i32 to vector<16xi32>
      %swap3A_167 = arith.index_cast %while3A_164 : i32 to index
      %swap3A_168 = tpu.vector_load %arg10[%swap3A_167] {strides = array<i32>} : memref<256xi32, #tpu.memory_space<vmem>>, vector<16xi32>,
      tpu.vector_store %arg10[%swap3A_167], %broadcast_in_dim3A_166 {strides = array<i32>} : memref<256xi32, #tpu.memory_space<vmem>>, vector<16xi32>,
      %broadcast_in_dim3A_169 = arith.constant 2147483647 : i32
      %broadcast_in_dim3A_170 = vector.broadcast %broadcast_in_dim3A_169 : i32 to vector<16xi32>
      %swap3A_171 = arith.index_cast %while3A_164 : i32 to index
      %swap3A_172 = tpu.vector_load %arg11[%swap3A_171] {strides = array<i32>} : memref<256xi32, #tpu.memory_space<vmem>>, vector<16xi32>,
      tpu.vector_store %arg11[%swap3A_171], %broadcast_in_dim3A_170 {strides = array<i32>} : memref<256xi32, #tpu.memory_space<vmem>>, vector<16xi32>,
      %add3A_173 = arith.constant 15 : i32
      %add3A_174 = arith.addi %while3A_164, %add3A_173 : i32
      %shift_right_arithmetic3A_175 = arith.constant 4 : i32
      %shift_right_arithmetic3A_176 = arith.shrsi %add3A_174, %shift_right_arithmetic3A_175 : i32
      %while3A_177 = arith.constant 0 : i32
      %while3A_178 = arith.constant 0 : i32
      %while3A_179 = arith.subi %shift_right_arithmetic3A_176, %while3A_178 : i32
      %while3A_180 = arith.addi %while3A_178, %while3A_179 : i32
      %while3A_181 = arith.constant 1 : i32
      %while3A_182 = arith.divsi %while3A_179, %while3A_181 : i32
      %while3A_183 = arith.muli %while3A_182, %while3A_181 : i32
      %while3A_184 = arith.addi %while3A_178, %while3A_183 : i32
      %while3A_185 = arith.constant 1 : i32
      scf.for %while3A_187 = %while3A_178 to %while3A_184 step %while3A_185  : i32 {
        %mul3A_188 = arith.constant 16 : i32
        %mul3A_189 = arith.muli %while3A_187, %mul3A_188 : i32
        %get3A = arith.index_cast %mul3A_189 : i32 to index
        %get3A_190 = tpu.vector_load %arg10[%get3A] {strides = array<i32>} : memref<256xi32, #tpu.memory_space<vmem>>, vector<16xi32>,
        %mul3A_191 = arith.constant 16 : i32
        %mul3A_192 = arith.muli %while3A_187, %mul3A_191 : i32
        %get3A_193 = arith.index_cast %mul3A_192 : i32 to index
        %get3A_194 = tpu.vector_load %arg11[%get3A_193] {strides = array<i32>} : memref<256xi32, #tpu.memory_space<vmem>>, vector<16xi32>,
        %parallel_loop3A_195 = arith.constant 0 : i32
        %parallel_loop3A_196 = arith.constant 1 : i32
        %parallel_loop3A_197 = scf.for %parallel_loop3A_201 = %parallel_loop3A_195 to %while3A_164 step %parallel_loop3A_196 iter_args(%parallel_loop3A_202 = %broadcast_in_dim3A_6) -> (vector<16xi32>)  : i32 {
          %parallel_loop3A_203 = vector.broadcast %parallel_loop3A_201 : i32 to vector<16xi32>
          %parallel_loop3A_204 = arith.addi %broadcast_in_dim3A_6, %parallel_loop3A_203 : vector<16xi32>
          %parallel_loop3A_205 = tpu.vector_load_idx %arg10[%parallel_loop3A_204] : memref<256xi32, #tpu.memory_space<vmem>>[vector<16xi32>], vector<16xi32>,
          %parallel_loop3A_206 = tpu.vector_load_idx %arg11[%parallel_loop3A_204] : memref<256xi32, #tpu.memory_space<vmem>>[vector<16xi32>], vector<16xi32>,
          %parallel_loop3A_207 = arith.cmpi sgt, %parallel_loop3A_205, %get3A_190 : vector<16xi32>
          %parallel_loop3A_208 = arith.cmpi eq, %parallel_loop3A_205, %get3A_190 : vector<16xi32>
          %parallel_loop3A_209 = arith.cmpi slt, %parallel_loop3A_206, %get3A_194 : vector<16xi32>
          %parallel_loop3A_210 = arith.andi %parallel_loop3A_208, %parallel_loop3A_209 : vector<16xi1>
          %parallel_loop3A_211 = arith.ori %parallel_loop3A_207, %parallel_loop3A_210 : vector<16xi1>
          %parallel_loop3A_212 = arith.extui %parallel_loop3A_211 : vector<16xi1> to vector<16xi32>
          %parallel_loop3A_213 = arith.addi %parallel_loop3A_202, %parallel_loop3A_212 : vector<16xi32>
          scf.yield %parallel_loop3A_213 : vector<16xi32>
        } {sc.loop_unroll_factor = 4 : i64, sc.parallel_access}
        %lt3A_198 = arith.constant 100 : i32
        %lt3A_199 = vector.broadcast %lt3A_198 : i32 to vector<16xi32>
        %lt3A_200 = arith.cmpi slt, %parallel_loop3A_197, %lt3A_199 : vector<16xi32>
        tpu.vector_store_idx %arg12[%parallel_loop3A_197], %get3A_194 masked %lt3A_200 : memref<128xi32, #tpu.memory_space<vmem>>[vector<16xi32>], vector<16xi32>, vector<16xi1>
      }
      %while3A_186 = arith.constant 1 : i32
      scf.for %while3A_187 = %while3A_184 to %while3A_180 step %while3A_186  : i32 {
        %mul3A_188 = arith.constant 16 : i32
        %mul3A_189 = arith.muli %while3A_187, %mul3A_188 : i32
        %get3A = arith.index_cast %mul3A_189 : i32 to index
        %get3A_190 = tpu.vector_load %arg10[%get3A] {strides = array<i32>} : memref<256xi32, #tpu.memory_space<vmem>>, vector<16xi32>,
        %mul3A_191 = arith.constant 16 : i32
        %mul3A_192 = arith.muli %while3A_187, %mul3A_191 : i32
        %get3A_193 = arith.index_cast %mul3A_192 : i32 to index
        %get3A_194 = tpu.vector_load %arg11[%get3A_193] {strides = array<i32>} : memref<256xi32, #tpu.memory_space<vmem>>, vector<16xi32>,
        %parallel_loop3A_195 = arith.constant 0 : i32
        %parallel_loop3A_196 = arith.constant 1 : i32
        %parallel_loop3A_197 = scf.for %parallel_loop3A_201 = %parallel_loop3A_195 to %while3A_164 step %parallel_loop3A_196 iter_args(%parallel_loop3A_202 = %broadcast_in_dim3A_6) -> (vector<16xi32>)  : i32 {
          %parallel_loop3A_203 = vector.broadcast %parallel_loop3A_201 : i32 to vector<16xi32>
          %parallel_loop3A_204 = arith.addi %broadcast_in_dim3A_6, %parallel_loop3A_203 : vector<16xi32>
          %parallel_loop3A_205 = tpu.vector_load_idx %arg10[%parallel_loop3A_204] : memref<256xi32, #tpu.memory_space<vmem>>[vector<16xi32>], vector<16xi32>,
          %parallel_loop3A_206 = tpu.vector_load_idx %arg11[%parallel_loop3A_204] : memref<256xi32, #tpu.memory_space<vmem>>[vector<16xi32>], vector<16xi32>,
          %parallel_loop3A_207 = arith.cmpi sgt, %parallel_loop3A_205, %get3A_190 : vector<16xi32>
          %parallel_loop3A_208 = arith.cmpi eq, %parallel_loop3A_205, %get3A_190 : vector<16xi32>
          %parallel_loop3A_209 = arith.cmpi slt, %parallel_loop3A_206, %get3A_194 : vector<16xi32>
          %parallel_loop3A_210 = arith.andi %parallel_loop3A_208, %parallel_loop3A_209 : vector<16xi1>
          %parallel_loop3A_211 = arith.ori %parallel_loop3A_207, %parallel_loop3A_210 : vector<16xi1>
          %parallel_loop3A_212 = arith.extui %parallel_loop3A_211 : vector<16xi1> to vector<16xi32>
          %parallel_loop3A_213 = arith.addi %parallel_loop3A_202, %parallel_loop3A_212 : vector<16xi32>
          scf.yield %parallel_loop3A_213 : vector<16xi32>
        } {sc.loop_unroll_factor = 4 : i64, sc.parallel_access}
        %lt3A_198 = arith.constant 100 : i32
        %lt3A_199 = vector.broadcast %lt3A_198 : i32 to vector<16xi32>
        %lt3A_200 = arith.cmpi slt, %parallel_loop3A_197, %lt3A_199 : vector<16xi32>
        tpu.vector_store_idx %arg12[%parallel_loop3A_197], %get3A_194 masked %lt3A_200 : memref<128xi32, #tpu.memory_space<vmem>>[vector<16xi32>], vector<16xi32>, vector<16xi1>
      }
      "tpu.region"() ({
        %run_scoped3A = tpu.sem_alloc : memref<!tpu.dma_semaphore, #tpu.memory_space<semaphore_mem>>
        %dma_start3A_187 = arith.constant 0 : i32
        %dma_start3A_188 = tpu.memref_slice %arg4[%add3A_19, %dma_start3A_187] : memref<1024x128xi32, #tpu.memory_space<hbm>> -> memref<1x128xi32, #tpu.memory_space<hbm>>
        %dma_start3A_189 = tpu.memref_squeeze %dma_start3A_188 : memref<1x128xi32, #tpu.memory_space<hbm>> -> memref<128xi32, #tpu.memory_space<hbm>>
        %dma_start3A_190 = arith.constant 0 : i32
        %dma_start3A_191 = tpu.memref_slice %arg4[%add3A_19, %dma_start3A_190] : memref<1024x128xi32, #tpu.memory_space<hbm>> -> memref<1x128xi32, #tpu.memory_space<hbm>>
        %dma_start3A_192 = tpu.memref_squeeze %dma_start3A_191 : memref<1x128xi32, #tpu.memory_space<hbm>> -> memref<128xi32, #tpu.memory_space<hbm>>
        tpu.enqueue_dma source(%arg12 : memref<128xi32, #tpu.memory_space<vmem>>) target(%dma_start3A_192 : memref<128xi32, #tpu.memory_space<hbm>>) target_semaphore(%run_scoped3A : memref<!tpu.dma_semaphore, #tpu.memory_space<semaphore_mem>>)
        %dma_wait3A_193 = arith.constant 0 : i32
        %dma_wait3A_194 = tpu.memref_slice %arg4[%add3A_19, %dma_wait3A_193] : memref<1024x128xi32, #tpu.memory_space<hbm>> -> memref<1x128xi32, #tpu.memory_space<hbm>>
        %dma_wait3A_195 = tpu.memref_squeeze %dma_wait3A_194 : memref<1x128xi32, #tpu.memory_space<hbm>> -> memref<128xi32, #tpu.memory_space<hbm>>
        %dma_wait3A_196 = arith.constant 0 : i32
        %dma_wait3A_197 = tpu.memref_slice %arg4[%add3A_19, %dma_wait3A_196] : memref<1024x128xi32, #tpu.memory_space<hbm>> -> memref<1x128xi32, #tpu.memory_space<hbm>>
        %dma_wait3A_198 = tpu.memref_squeeze %dma_wait3A_197 : memref<1x128xi32, #tpu.memory_space<hbm>> -> memref<128xi32, #tpu.memory_space<hbm>>
        tpu.wait_dma2 semaphore(%run_scoped3A : memref<!tpu.dma_semaphore, #tpu.memory_space<semaphore_mem>>) src(%arg12 : memref<128xi32, #tpu.memory_space<vmem>>) dst(%dma_wait3A_198 : memref<128xi32, #tpu.memory_space<hbm>>)
        tpu.yield
      }) : () -> ()
    }
    %scan3A_15 = arith.constant 32 : i32
    return
  }
}

</mosaic_0001>

<sc_bundles>
// kernel: _sc_topk.3.cloned.1.call-start
scs
__scs_entry_jumppad:
0x0: {  	(pc) =	sbr.rel $0x88, $3  }
0x1: {  	(tag) =	ssettag $0x0;
	lr =	simm.s32 $0x1  }
0x2: {  	[smem:$0x3F9F] =	sst lr;
	_ =	strace $0xD0000000  }
0x3: {  	_ = 	snop  }
0x4: {  	_ = 	snop  }
0x5: {  	_ = 	snop  }
0x6: {  	_ = 	snop  }
0x7: {  	_ = 	snop  }
__scs_overlays_trampoline_lowered:
0x8: {  	[smem:$0x3FAE] =	sst s0  }
0x9: {  	[smem:$0x3FAF] =	sst s1  }
0xa: {  	[smem:$0x3FB0] =	sst s2  }
0xb: {  	[smem:$0x3FB1] =	sst s3  }
0xc: {  	[smem:$0x3FB2] =	sst s4  }
0xd: {  	[smem:$0x3FB3] =	sst s5  }
0xe: {  	[smem:$0x3FB4] =	sst s6  }
0xf: {  	[smem:$0x3FB5] =	sst s7  }
0x10: {  	[smem:$0x3FB6] =	sst s8  }
0x11: {  	[smem:$0x3FB7] =	sst s9;
	s0 =	simm.s32 @!p0 $0x0  }
0x12: {  	s1 =	sld [smem:$0x3F9D];
	s0 =	simm.s32 @p0 $0x1  }
0x13: {  	[smem:$0x3FB8] =	sst s0;
	s0 =	simm.s32 @!p1 $0x0  }
0x14: {  	s2 =	sld [smem:$0x3F9C];
	s0 =	simm.s32 @p1 $0x1  }
0x15: {  	[smem:$0x3FB9] =	sst s0;
	s0 =	simm.s32 @!p2 $0x0  }
0x16: {  	s3 =	sld [smem:$0x3FDB];
	s0 =	simm.s32 @p2 $0x1  }
0x17: {  	s4 =	simm.s32 $0x1BF5;
	[smem:$0x3FBB] =	sst s0  }
0x18: {  	s0 =	sld [smem:$0x3F9E];
	_ =	swait.ge [sflag:s4], $0x0  }
0x19: {  	s7 =	sld [smem:$0x3F9F]  }
0x1a: {  	s8 =	sadd.s32 $0xFFFFE003, lr  }
0x1b: {  	s9 =	sadd.s32 $0xFFFFFEF7, lr;
	s5 =	simm.s32 $0xFFFFFFFF;
	p2 =	slt.u32 s8, $0xFFFFF086  }
0x1c: {  	p1 =	slt.u32 s9, $0xF7A;
	s5 =	simm.s32 @!p2 $0x0  }
0x1d: {  	s5 =	simm.s32 @p1 $0x1;
	p0 =	seq.s32 s7, s2  }
0x1e: {  	s7 =	smul.u32 @!p0 $0xF7A, s2;
	p2 =	seq.s32 @!p0 s5, $0x0  }
0x1f: {  	s9 =	smul.u32 $0xF7A, s1;
	s8 =	simm.s32 @!p0 $0x1BF5;
	p2 =	por !p2, p0  }
0x20: {  	[sflag:s8] =	ssyncset.s32 @!p0 $0xFFFFF086;
	s6 =	sadd.s32 @!p0 s3, s7;
	s7 =	simm.s32 @!p0 $0x108  }
0x21: {  	s3 =	sadd.s32 s3, s9;
	s6 =	sadd.s32 @!p0 $0x88, s6;
	s7 =	simm.s32 @p2 $0x1082  }
0x22: {  	[simem:s7], [sflag:s8] =	dma.local @!p0 [hbm:s6], $0xF7A  }
0x23: {  	s9 =	sor.u32 $0xD0000000, s2;
	s6 =	simm.s32 $0x108;
	_ =	swait.ge @!p0 [sflag:s8], $0x0  }
0x24: {  	s3 =	sadd.s32 $0x88, s3;
	s6 =	simm.s32 @!p1 $0x1082;
	[sflag:s4] =	ssyncset.s32 $0xFFFFF086  }
0x25: {  	[simem:s6], [sflag:s4] =	dma.local [hbm:s3], $0xF7A  }
0x26: {  	[smem:$0x3F9F] =	sst s1;
	(tag) =	ssettag s2;
	_ =	strace s9  }
0x27: {  	s1 =	sld [smem:$0x3FAF]  }
0x28: {  	s2 =	sld [smem:$0x3FB0]  }
0x29: {  	s4 =	sld [smem:$0x3FB2]  }
0x2a: {  	p0 =	seq.s32 s5, $0x0;
	s5 =	sld [smem:$0x3FB3]  }
0x2b: {  	s6 =	sld [smem:$0x3FB4]  }
0x2c: {  	s7 =	sld [smem:$0x3FB5]  }
0x2d: {  	s3 =	simm.s32 $0x108;
	s8 =	sld [smem:$0x3FB6]  }
0x2e: {  	s3 =	simm.s32 @!p0 $0x1082;
	s9 =	sld [smem:$0x3FB7]  }
0x2f: {  	lr =	sadd.s32 s0, s3;
	s0 =	sld [smem:$0x3FAE]  }
0x30: {  	s3 =	sld [smem:$0x3FB1]  }
0x31: {  	[smem:$0x3FBA] =	sst s10  }
0x32: {  	s10 =	sld [smem:$0x3FB8];
	_ =	sdelay $0x3  }
0x33: {  	p0 =	seq.s32 s10, $0x1;
	s10 =	sld [smem:$0x3FBA];
	_ =	sdelay $0x3  }
0x34: {  	[smem:$0x3FBA] =	sst s10  }
0x35: {  	s10 =	sld [smem:$0x3FB9];
	_ =	sdelay $0x3  }
0x36: {  	p1 =	seq.s32 s10, $0x1;
	s10 =	sld [smem:$0x3FBA];
	_ =	sdelay $0x3  }
0x37: {  	[smem:$0x3FBA] =	sst s10  }
0x38: {  	s10 =	sld [smem:$0x3FBB]  }
0x39: {  	_ = 	snop;
	(pc) =	sbr.ind lr, $3  }
0x3a: {  	_ = 	snop  }
0x3b: {  	_ = 	snop  }
0x3c: {  	p2 =	seq.s32 s10, $0x1;
	s10 =	sld [smem:$0x3FBA]  }
0x3d: {  	_ =	shalt  }
0x3e: {  	_ =	shalt  }
0x3f: {  	_ =	shalt  }
0x40: {  	_ =	shalt  }
0x41: {  	_ =	shalt  }
0x42: {  	_ =	shalt  }
0x43: {  	_ =	shalt  }
0x44: {  	_ =	shalt  }
0x45: {  	_ =	shalt  }
0x46: {  	_ =	shalt  }
0x47: {  	_ =	shalt  }
0x48: {  	_ =	shalt  }
0x49: {  	_ =	shalt  }
0x4a: {  	_ =	shalt  }
0x4b: {  	_ =	shalt  }
0x4c: {  	_ =	shalt  }
0x4d: {  	_ =	shalt  }
0x4e: {  	_ =	shalt  }
0x4f: {  	_ =	shalt  }
0x50: {  	_ =	shalt  }
0x51: {  	_ =	shalt  }
0x52: {  	_ =	shalt  }
0x53: {  	_ =	shalt  }
0x54: {  	_ =	shalt  }
0x55: {  	_ =	shalt  }
0x56: {  	_ =	shalt  }
0x57: {  	_ =	shalt  }
0x58: {  	_ =	shalt  }
0x59: {  	_ =	shalt  }
0x5a: {  	_ =	shalt  }
0x5b: {  	_ =	shalt  }
0x5c: {  	_ =	shalt  }
0x5d: {  	_ =	shalt  }
0x5e: {  	_ =	shalt  }
0x5f: {  	_ =	shalt  }
0x60: {  	_ =	shalt  }
0x61: {  	_ =	shalt  }
0x62: {  	_ =	shalt  }
0x63: {  	_ =	shalt  }
0x64: {  	_ =	shalt  }
0x65: {  	_ =	shalt  }
0x66: {  	_ =	shalt  }
0x67: {  	_ =	shalt  }
0x68: {  	_ =	shalt  }
0x69: {  	_ =	shalt  }
0x6a: {  	_ =	shalt  }
0x6b: {  	_ =	shalt  }
0x6c: {  	_ =	shalt  }
0x6d: {  	_ =	shalt  }
0x6e: {  	_ =	shalt  }
0x6f: {  	_ =	shalt  }
0x70: {  	_ =	shalt  }
0x71: {  	_ =	shalt  }
0x72: {  	_ =	shalt  }
0x73: {  	_ =	shalt  }
0x74: {  	_ =	shalt  }
0x75: {  	_ =	shalt  }
0x76: {  	_ =	shalt  }
0x77: {  	_ =	shalt  }
0x78: {  	_ =	shalt  }
0x79: {  	_ =	shalt  }
0x7a: {  	_ =	shalt  }
0x7b: {  	_ =	shalt  }
0x7c: {  	_ =	shalt  }
0x7d: {  	_ =	shalt  }
0x7e: {  	_ =	shalt  }
0x7f: {  	_ =	shalt  }
0x80: {  	_ =	shalt  }
0x81: {  	_ =	shalt  }
0x82: {  	_ =	shalt  }
0x83: {  	_ =	shalt  }
0x84: {  	_ =	shalt  }
0x85: {  	_ =	shalt  }
0x86: {  	_ =	shalt  }
0x87: {  	_ =	shalt  }
.Lfunc_end0:
.L_simem_size_0:
called_computation_lowered:
.L_overlay_start_0:
0x88: {  	s2 =	sld [smem:$0x3FD9]  }
0x89: {  	s3 =	sld [smem:$0x3FFE];
	_ =	sdelay $0x1  }
0x8a: {  	s1 =	srdreg.scid  }
0x8b: {  	s0 =	sand.u32 $0x1, s1  }
0x8c: {  	s17 =	sshll.u32 s0, $0xA;
	s2 =	sadd.s32 s3, s2  }
0x8d: {  	s2 =	sadd.s32 s2, s17  }
0x8e: {  	[smem:$0x3FC6] =	sst s2  }
0x8f: {  	_ = 	snop  }
0x90: {  	s2 =	sld [smem:$0x3FD0];
	(tm) =	ssettm $0x1  }
0x91: {  	s18 =	sld [smem:$0x3FFB];
	_ =	sdelay $0x3  }
0x92: {  	_ =	strace s18  }
0x93: {  	s3 =	sld [smem:$0x3FFC];
	_ =	sdelay $0x3  }
0x94: {  	_ =	strace s3  }
0x95: {  	s3 =	sld [smem:$0x3FFD];
	_ =	sdelay $0x3  }
0x96: {  	_ =	strace s3  }
0x97: {  	_ =	strace $0x8FFFFFFF  }
0x98: {  	s19 =	sld [smem:$0x3FDB];
	_ =	sdelay $0x1  }
0x99: {  	s4 =	simm.s32 $_scs_section_size  }
0x9a: {  	s5 =	simm.s32 $_size__tile_overlayer_lowered;
	s6 =	simm.s32 $_tile_overlayer_lowered  }
0x9b: {  	s22 =	simm.s32 $0x1BFF;
	s21 =	sshll.u32 s6, $0x1;
	s3 =	sadd.s32 s4, s19  }
0x9c: {  	s7 =	simm.s32 $0x0;
	s20 =	sshll.u32 s5, $0x1;
	s5 =	sadd.s32 s21, s3  }
0x9d: {  	[timem:s7], [sflag:s22] =	dma.local [hbm:s5], s20  }
0x9e: {  	_ =	swait.ge [sflag:s22], s20  }
0x9f: {  	s4 =	ssub.s32 $0x0, s20;
	[sflag:s22] =	ssyncset.done $0x0  }
0xa0: {  	[sflag:s22] =	ssyncadd.s32 s4;
	_ =	sdelay $0x1  }
0xa1: {  	s23 =	simm.s32 $0x1B8B  }
0xa2: {  	_ =	swait.ge [sflag:s23], $0x1  }
0xa3: {  	[sflag:s23] =	ssyncset.done $0x0  }
0xa4: {  	s25 =	simm.s32 $0x1B8E;
	s24 =	sld [smem:$0x3FFE];
	[sflag:s23] =	ssyncadd.s32 $0xFFFFFFFF  }
0xa5: {  	s26 =	simm.s32 $execute0_lowered;
	[smem:$0x3FD2] =	sst s25  }
0xa6: {  	s5 =	sshll.u32 s26, $0x1;
	_ =	strace $0x80000046;
	[dreg:$0x1] =	wrdreg $0xFFFFFFFF  }
0xa7: {  	s28 =	simm.s32 $_size_execute0_lowered;
	s3 =	sadd.s32 s3, s5;
	[dreg:$0x0] =	wrdreg $0x0  }
0xa8: {  	s5 =	sshll.u32 s28, $0x1;
	[dreg:$0x2] =	wrdreg s3  }
0xa9: {  	[dreg:$0x3] =	wrdreg s5  }
0xaa: {  	[dreg:$0x4] =	wrdreg $0xC0  }
0xab: {  	_ =	task [dreg:s7], $0x5FFFF  }
0xac: {  	[dreg:$0x1] =	wrdreg $0xFFFFFFFF  }
0xad: {  	[dreg:$0x0] =	wrdreg $0x60  }
0xae: {  	[dreg:$0x2] =	wrdreg s24  }
0xaf: {  	[dreg:$0x3] =	wrdreg s2  }
0xb0: {  	[dreg:$0x4] =	wrdreg $0x9  }
0xb1: {  	_ =	task.clear_ibuf [dreg:s7], $0x5FFFF;
	_ =	strace $0x90000046  }
0xb2: {  	s29 =	simm.s32 $0x9;
	_ =	strace $0x80000048  }
0xb3: {  	_ =	swait.ge [sflag:s29], $0x1  }
0xb4: {  	[sflag:s29] =	ssyncadd.s32 $0xFFFFFFFF  }
0xb5: {  	_ =	strace $0x90000048  }
0xb6: {  	_ =	sfence  }
0xb7: {  	s30 =	sld [smem:$0x0];
	_ =	sdelay $0x2  }
0xb8: {  	s31 =	sshll.u32 s1, $0xD;
	s1 =	sshrl.u32 s1, $0x2  }
0xb9: {  	s3 =	sand.u32 $0x4000, s31;
	s1 =	sadd.s32 s1, s30  }
0xba: {  	s0 =	sor.u32 s3, s0;
	s1 =	sshll.u32 s1, $0x11  }
0xbb: {  	s0 =	sor.u32 s1, s0  }
0xbc: {  	s0 =	sadd.s32 $0x8F2B, s0  }
0xbd: {  	[sflag:s0] =	ssyncadd.remote.s32 $0x1  }
0xbe: {  	_ =	sfence.sel $0xFFFF  }
0xbf: {  	[dreg:$0x0] =	wrdreg $0xFFFFFFFF;
	(pc) =	sbr.abs _section_cstart, $3  }
0xc0: {  	[dreg:$0x1] =	wrdreg $0xFFFFFFFF  }
0xc1: {  	_ =	task.clear_ibuf [dreg:s7], $0x2FFFF;
	_ =	strace $0x9FFFFFFF  }
0xc2: {  	(tm) =	ssettm $0x7FFFFFFF  }
0xc3: {  	_ =	shalt  }
tec
execute0_lowered:
.L_overlay_start_1:
0x0: {  	(tag) =	ssettag $0x1  }
0x1: {  	vm0 =	vcmask $0x300;
	v0 =	vimm.s32 $0x1000000  }
0x2: {  	vm1 =	vcmask $0x704;
	v0 =	vsel vm0, $0x1, v0  }
0x3: {  	vm6 =	vcmask $0xB08;
	v0 =	vsel vm1, $0x100, v0  }
0x4: {  	s0 =	rddreg [dreg:$0x0];
	vm7 =	vcmask $0x1310;
	v0 =	vsel vm6, $0x10000, v0  }
0x5: {  	s29 =	simm.s32 $0x0;
	s1 =	srdreg.scid;
	vm8 =	vcmask $0x1714;
	vm9 =	vcmask $0x1B18;
	s3 =	stileid.u32;
	v0 =	vsel vm7, $0x1, v0  }
0x6: {  	vm10 =	vcmask $0x2320;
	vm11 =	vcmask $0x2724;
	s10 =	simm.s32 $0x18700;
	s13 =	simm.s32 $0x1E900;
	s14 =	simm.s32 $0x1F100;
	v0 =	vsel vm8, $0x100, v0  }
0x7: {  	vm12 =	vcmask $0x2B28;
	vm13 =	vcmask $0x3330;
	s15 =	simm.s32 $0x1F400;
	[smem:$0x7FF] =	sst s29;
	s1 =	sand.u32 $0x1, s1;
	v1 =	vsel vm9, $0x10000, v0  }
0x8: {  	vm14 =	vcmask $0x3734;
	vm15 =	vcmask $0x3B38;
	s2 =	sadd.s32 $0x310400, s0;
	s0 =	sadd.s32 $0x400, s0;
	s31 =	sshll.u32 s3, $0x6;
	v2 =	vsel vm10, $0x1, v1  }
.Ltmp0:
0x9: {  	v5 =	vimm.s32 $0x1;
	v8 =	vimm.s32 $0x80000000;
	_ =	strace $0x80000047;
	s28 =	ssub.s32 $0x2, s1;
	v3 =	vsel vm11, $0x100, v2;
	(pc) =	sbr.rel .LBB2_1-.Ltmp0, $4  }
0xa: {  	v9 =	vimm.s32 $0x7FFFFFFF;
	[dreg:$0x3] =	wrdreg s2;
	s1 =	sshll.u32 s1, $0x5;
	s30 =	sshrl.u32 s28, $0x1;
	v2 =	vlaneseq.u32;
	v4 =	vsel vm12, $0x10000, v3  }
0xb: {  	[dreg:$0x4] =	wrdreg s0;
	s1 =	sor.u32 s1, s31;
	s0 =	ssub.s32 s28, s30;
	v0 =	vimm.s32 $0x0;
	v7 =	vmul.u32 $0xFFFFFFFF, v2;
	v4 =	vsel vm13, $0x1, v4  }
0xc: {  	s16 =	simm.s32 $0x1F700;
	[dreg:$0x5] =	wrdreg s1;
	s0 =	smax.u32 s0, $0x1;
	v1 =	vsel vm0, $0x7, v0;
	v3 =	vshrl.u32 v2, $0x2;
	v4 =	vsel vm14, $0x100, v4  }
0xd: {  	s17 =	simm.s32 $0x1F800;
	s1 =	simm.s32 $0x0;
	[dreg:$0x6] =	wrdreg s0;
	v6 =	vor.u32 $0x40, v3;
	v7 =	vadd.s32 $0xF, v7;
	v4 =	vsel vm15, $0x10000, v4  }
.LBB2_85:
0xe: {  	s1 =	rddreg [dreg:$0x7]  }
0xf: {  	s0 =	rddreg [dreg:$0x6];
	s1 =	sadd.s32 $0x1, s1  }
0x10: {  	p0 =	sne.s32 s1, s0  }
.Ltmp1:
0x11: {  	_ = 	snop;
	(pc) =	sbr.rel @!p0 .LBB2_86-.Ltmp1, $1  }
0x12: {  	_ =	sdelay $0x3  }
.LBB2_1:
.Ltmp2:
0x13: {  	(pc) =	sbr.rel .LBB2_2-.Ltmp2, $2  }
0x14: {  	_ =	sdelay $0x2  }
0x15: {  	[dreg:$0x7] =	wrdreg s1;
	s21 =	simm.s32 $0x0  }
.LBB2_84:
0x16: {  	s0 =	sshll.u32 s23, $0xA  }
0x17: {  	s21 =	sadd.s32 $0x1, s21;
	s0 =	sor.u32 s18, s0  }
0x18: {  	s1 =	rddreg [dreg:$0x1];
	p0 =	sne.s32 s21, $0x20;
	s0 =	sshrl.u32 s0, $0x3  }
.Ltmp3:
0x19: {  	s31 =	simm.s32 $0x3;
	s0 =	sadd.s32 s1, s0;
	(pc) =	sbr.rel @!p0 .LBB2_85-.Ltmp3, $4  }
0x1a: {  	[hbm4b:s0+s29] =	stream.linear.scatter [tilespmem:s26], [sflag:$0x3], $0x80, $0x38;
	[tilespmem:$0x1F980] =	vst v63  }
0x1b: {  	_ =	swait.ge [sflag:s31], $0x80  }
0x1c: {  	[sflag:s31] =	ssyncset.done $0x0  }
0x1d: {  	[sflag:s31] =	ssyncadd.s32 $0xFFFFFF80  }
.LBB2_2:
0x1e: {  	s0 =	rddreg [dreg:$0x5]  }
0x1f: {  	s0 =	sadd.s32 s0, s21  }
0x20: {  	s22 =	sshrl.u32 s0, $0x3  }
0x21: {  	s23 =	sshll.u32 s21, $0x7;
	s1 =	smul.u32 $0xC3800, s22  }
0x22: {  	s18 =	sand.u32 $0x380, s23  }
0x23: {  	s25 =	smul.u32 $0x31000, s22;
	s0 =	sor.u32 s18, s1  }
0x24: {  	s24 =	rddreg [dreg:$0x3];
	s2 =	simm.s32 $0x80;
	s0 =	sshrl.u32 s0, $0x3  }
0x25: {  	s3 =	simm.s32 $0x400;
	s26 =	sor.u32 s18, s25;
	s0 =	sadd.s32 s24, s0  }
0x26: {  	[tilespmem:s29], [sflag:$0x1] =	stream.strided.gather [hbm4b:s0+s2], $0x18700, s3, s2, $0x38;
	[tilespmem:$0x1F980] =	vst v63  }
0x27: {  	s28 =	rddreg [dreg:$0x4];
	s0 =	sshrl.u32 s26, $0x3  }
0x28: {  	s30 =	simm.s32 $0x1;
	s0 =	sadd.s32 s28, s0  }
0x29: {  	[tilespmem:s10], [sflag:$0x2] =	stream.strided.gather [hbm4b:s0+s2], $0x6200, s3, s2, $0x38;
	[tilespmem:$0x1F980] =	vst v63  }
0x2a: {  	_ =	swait.ge [sflag:s30], $0x18700  }
0x2b: {  	[sflag:s30] =	ssyncset.done $0x0  }
0x2c: {  	s31 =	simm.s32 $0x2;
	[sflag:s30] =	ssyncadd.s32 $0xFFFE7900  }
0x2d: {  	_ =	swait.ge [sflag:s31], $0x6200  }
0x2e: {  	[sflag:s31] =	ssyncset.done $0x0  }
0x2f: {  	s1 =	simm.s32 $0x1E940;
	[sflag:s31] =	ssyncadd.s32 $0xFFFF9E00  }
0x30: {  	[tilespmem:s1+$0xFFFFFFC0] =	vst v0  }
0x31: {  	[tilespmem:s1+$0x30] =	vst v0  }
0x32: {  	[tilespmem:s1+$0x20] =	vst v0  }
0x33: {  	[tilespmem:s1+$0x10] =	vst v0  }
0x34: {  	[tilespmem:s1+$0x0] =	vst v0  }
0x35: {  	[tilespmem:s1+$0xFFFFFFF0] =	vst v0  }
0x36: {  	s3 =	simm.s32 $0x0;
	s2 =	simm.s32 $0xC0;
	s0 =	simm.s32 $0x200;
	[tilespmem:s1+$0xFFFFFFE0] =	vst v0  }
.LBB2_3:
0x37: {  	s3 =	sadd.s32 $0x8, s3;
	[tilespmem:s1+$0xFFFFFFD0] =	vst v0;
	s1 =	sadd.s32 $0x80, s1  }
0x38: {  	[tilespmem:s1+$0xFFFFFFC0] =	vst v0;
	p0 =	slt.u32 s3, $0x78  }
0x39: {  	[tilespmem:s1+$0x30] =	vst v0  }
.Ltmp4:
0x3a: {  	[tilespmem:s1+$0x20] =	vst v0;
	(pc) =	sbr.rel @p0 .LBB2_3-.Ltmp4, $4  }
0x3b: {  	[tilespmem:s1+$0x10] =	vst v0  }
0x3c: {  	[tilespmem:s1+$0x0] =	vst v0  }
0x3d: {  	[tilespmem:s1+$0xFFFFFFF0] =	vst v0  }
0x3e: {  	[tilespmem:s1+$0xFFFFFFE0] =	vst v0  }
0x3f: {  	s3 =	simm.s32 $0x80  }
0x40: {  	v10 =	vmov s3  }
0x41: {  	v10 =	vshrl.u32 v10, $0x7  }
0x42: {  	v10 =	vshll.u32 v10, v1  }
0x43: {  	s24 =	simm.s32 $0x0;
	s25 =	simm.s32 $0x40;
	v12 =	vmov s2;
	v10 =	vbroadcast v10, $0x0  }
0x44: {  	v11 =	vmov s24;
	v13 =	vmov s25;
	v12 =	vshrl.u32 v12, $0x7  }
0x45: {  	v11 =	vshrl.u32 v11, $0x7;
	v12 =	vshll.u32 v12, v1;
	v10 =	vor.u32 v3, v10  }
0x46: {  	[tilespmem:s1+$0xFFFFFFD0] =	vst v0;
	v13 =	vshrl.u32 v13, $0x7;
	v11 =	vshll.u32 v11, v1;
	v12 =	vbroadcast v12, $0x0  }
0x47: {  	s28 =	simm.s32 $0x100;
	v14 =	vld [tilespmem:s0+$0x0];
	v13 =	vshll.u32 v13, v1;
	v11 =	vbroadcast v11, $0x0  }
0x48: {  	s30 =	simm.s32 $0x180;
	s31 =	simm.s32 $0x140;
	v16 =	vmov s28;
	v13 =	vbroadcast v13, $0x0;
	v12 =	vor.u32 v6, v12  }
0x49: {  	v17 =	vmov s30;
	v19 =	vmov s31;
	v11 =	vor.u32 v3, v11  }
0x4a: {  	v17 =	vshrl.u32 v17, $0x7;
	v16 =	vshrl.u32 v16, $0x7;
	v13 =	vor.u32 v6, v13;
	v10 =	vld.idx.msk [tilespmem:v10+s10+$0x0], $0xffff  }
0x4b: {  	v18 =	vld [tilespmem:s0+$0xFFFFFE00];
	v19 =	vshrl.u32 v19, $0x7;
	v17 =	vshll.u32 v17, v1;
	v16 =	vshll.u32 v16, v1  }
0x4c: {  	v20 =	vld [tilespmem:s0+$0x100];
	v19 =	vshll.u32 v19, v1;
	v17 =	vbroadcast v17, $0x0;
	v15 =	vshra.s32 v14, $0x15  }
0x4d: {  	s26 =	simm.s32 $0x1C0;
	v16 =	vbroadcast v16, $0x0;
	vm0 =	vlt.s32 v14, $0x0;
	v14 =	vxor.u32 $0x3FF, v15;
	v12 =	vld.idx.msk [tilespmem:v12+s10+$0x0], $0xffff  }
0x4e: {  	v19 =	vbroadcast v19, $0x0;
	v14 =	vsel vm0, v14, v15;
	v15 =	vmov s26;
	v11 =	vld.idx.msk [tilespmem:v11+s10+$0x0], $0xffff  }
0x4f: {  	v17 =	vor.u32 v3, v17;
	v15 =	vshrl.u32 v15, $0x7;
	v13 =	vld.idx.msk [tilespmem:v13+s10+$0x0], $0xffff;
	v10 =	vand.u32 v4, v10  }
0x50: {  	v14 =	vadd.s32 $0x400, v14;
	v15 =	vshll.u32 v15, v1;
	vm10 =	veq.s32 v10, $0x0  }
0x51: {  	v22 =	vshra.s32 v18, $0x15;
	v15 =	vbroadcast v15, $0x0;
	v10 =	vld [tilespmem:s0+$0xFFFFFF00];
	v14 =	vnsel vm10, $0x0, v14  }
0x52: {  	v23 =	vor.u32 v3, v16;
	v24 =	vor.u32 v6, v19;
	v16 =	vshra.s32 v20, $0x15  }
0x53: {  	vm11 =	vlt.s32 v18, $0x0;
	vm2 =	vlt.s32 v20, $0x0;
	v15 =	vor.u32 v6, v15  }
0x54: {  	v20 =	vld.idx.msk [tilespmem:v17+s10+$0x0], $0xffff;
	v12 =	vand.u32 v4, v12;
	v18 =	vand.u32 v4, v11;
	v13 =	vand.u32 v4, v13;
	s0 =	simm.s32 $0x600  }
0x55: {  	vm14 =	veq.s32 v12, $0x0;
	vm12 =	veq.s32 v18, $0x0;
	vm13 =	veq.s32 v13, $0x0;
	v25 =	vld [tilespmem:s0+$0x0]  }
0x56: {  	v21 =	vshra.s32 v10, $0x15;
	vm1 =	vlt.s32 v10, $0x0;
	[tilespmem:v14+s13+$0x0] =	vst.idx.add.s32.msk $0xffff, v5;
	v14 =	vxor.u32 $0x3FF, v22  }
0x57: {  	v11 =	vld [tilespmem:s0+$0xFFFFFF00];
	v10 =	vxor.u32 $0x3FF, v16;
	v19 =	vxor.u32 $0x3FF, v21;
	v14 =	vsel vm11, v14, v22  }
0x58: {  	v12 =	vld.idx.msk [tilespmem:v23+s10+$0x0], $0xffff;
	v13 =	vsel vm2, v10, v16;
	v17 =	vsel vm1, v19, v21;
	v16 =	vadd.s32 $0x400, v14  }
0x59: {  	v15 =	vld.idx.msk [tilespmem:v15+s10+$0x0], $0xffff;
	v17 =	vadd.s32 $0x400, v17;
	v19 =	vnsel vm12, $0x0, v16  }
0x5a: {  	v10 =	vld [tilespmem:s0+$0x100];
	v13 =	vadd.s32 $0x400, v13;
	v21 =	vshra.s32 v25, $0x15;
	v16 =	vnsel vm13, $0x0, v17  }
0x5b: {  	vm15 =	vlt.s32 v25, $0x0;
	v14 =	vld [tilespmem:s0+$0xFFFFFE00];
	v18 =	vnsel vm14, $0x0, v13;
	v22 =	vxor.u32 $0x3FF, v21  }
0x5c: {  	s1 =	simm.s32 $0x4;
	s2 =	simm.s32 $0x2C0;
	v20 =	vand.u32 v4, v20;
	v13 =	vld.idx.msk [tilespmem:v24+s10+$0x0], $0xffff;
	v17 =	vshra.s32 v11, $0x15;
	v21 =	vsel vm15, v22, v21  }
.LBB2_5:
0x5d: {  	s3 =	sadd.s32 $0xFFFFFF40, s2;
	s4 =	sadd.s32 $0xFFFFFFC0, s2;
	v22 =	vmov s2;
	s1 =	sadd.s32 $0x4, s1;
	vm0 =	veq.s32 v20, $0x0;
	v20 =	vadd.s32 $0x400, v21  }
0x5e: {  	v21 =	vmov s3;
	s3 =	sadd.s32 $0xFFFFFF80, s2;
	v23 =	vmov s4;
	p0 =	slt.u32 s1, $0x180;
	v20 =	vnsel vm0, $0x0, v20;
	[tilespmem:v19+s13+$0x0] =	vst.idx.add.s32.msk $0xffff, v5  }
0x5f: {  	v19 =	vshrl.u32 v21, $0x7;
	v21 =	vmov s3;
	v23 =	vshrl.u32 v23, $0x7;
	[tilespmem:v16+s13+$0x0] =	vst.idx.add.s32.msk $0xffff, v5  }
0x60: {  	v22 =	vshrl.u32 v22, $0x7;
	v16 =	vshrl.u32 v21, $0x7;
	v21 =	vshll.u32 v23, v1;
	[tilespmem:v18+s13+$0x0] =	vst.idx.add.s32.msk $0xffff, v5  }
0x61: {  	v18 =	vshll.u32 v19, v1;
	v16 =	vshll.u32 v16, v1;
	v19 =	vbroadcast v21, $0x0  }
0x62: {  	v18 =	vbroadcast v18, $0x0;
	v21 =	vshll.u32 v22, v1;
	v16 =	vbroadcast v16, $0x0  }
0x63: {  	v22 =	vshra.s32 v14, $0x15;
	v21 =	vbroadcast v21, $0x0;
	v19 =	vor.u32 v3, v19;
	[tilespmem:v20+s13+$0x0] =	vst.idx.add.s32.msk $0xffff, v5  }
0x64: {  	v18 =	vor.u32 v3, v18;
	v20 =	vor.u32 v6, v16;
	v16 =	vshra.s32 v10, $0x15  }
0x65: {  	v24 =	vxor.u32 $0x3FF, v17;
	v23 =	vor.u32 v6, v21;
	v21 =	vxor.u32 $0x3FF, v22  }
0x66: {  	vm1 =	vlt.s32 v11, $0x0;
	s0 =	sadd.s32 $0x400, s0;
	vm0 =	vlt.s32 v14, $0x0;
	v14 =	vxor.u32 $0x3FF, v16  }
0x67: {  	vm2 =	vlt.s32 v10, $0x0;
	v12 =	vand.u32 v4, v12;
	v13 =	vand.u32 v4, v13;
	v25 =	vld [tilespmem:s0+$0x0]  }
0x68: {  	v17 =	vsel vm1, v24, v17;
	v15 =	vand.u32 v4, v15;
	v26 =	vld.idx.msk [tilespmem:v19+s10+$0x0], $0xffff;
	v19 =	vsel vm0, v21, v22  }
0x69: {  	vm1 =	veq.s32 v13, $0x0;
	vm0 =	veq.s32 v12, $0x0;
	v12 =	vsel vm2, v14, v16;
	v11 =	vld [tilespmem:s0+$0xFFFFFF00]  }
.Ltmp5:
0x6a: {  	v16 =	vadd.s32 $0x400, v17;
	vm2 =	veq.s32 v15, $0x0;
	v13 =	vadd.s32 $0x400, v19;
	v10 =	vld [tilespmem:s0+$0x100];
	(pc) =	sbr.rel @p0 .LBB2_5-.Ltmp5, $4  }
0x6b: {  	v16 =	vnsel vm1, $0x0, v16;
	v19 =	vnsel vm0, $0x0, v13;
	v13 =	vadd.s32 $0x400, v12;
	v14 =	vld [tilespmem:s0+$0xFFFFFE00]  }
0x6c: {  	v12 =	vld.idx.msk [tilespmem:v18+s10+$0x0], $0xffff;
	v15 =	vshra.s32 v25, $0x15;
	v18 =	vnsel vm2, $0x0, v13  }
0x6d: {  	vm0 =	vlt.s32 v25, $0x0;
	v13 =	vld.idx.msk [tilespmem:v20+s10+$0x0], $0xffff;
	v21 =	vxor.u32 $0x3FF, v15  }
0x6e: {  	s2 =	sadd.s32 $0x100, s2;
	v20 =	vand.u32 v4, v26;
	v17 =	vshra.s32 v11, $0x15;
	v21 =	vsel vm0, v21, v15;
	v15 =	vld.idx.msk [tilespmem:v23+s10+$0x0], $0xffff  }
0x6f: {  	vm1 =	vlt.s32 v11, $0x0  }
0x70: {  	v11 =	vxor.u32 $0x3FF, v17;
	vm12 =	veq.s32 v20, $0x0;
	v59 =	vadd.s32 $0x400, v21  }
0x71: {  	v60 =	vshra.s32 v10, $0x15;
	vm13 =	vlt.s32 v10, $0x0;
	v22 =	vshra.s32 v14, $0x15  }
0x72: {  	vm0 =	vlt.s32 v14, $0x0;
	v11 =	vsel vm1, v11, v17;
	v17 =	vnsel vm12, $0x0, v59  }
0x73: {  	v61 =	vxor.u32 $0x3FF, v60;
	v58 =	vxor.u32 $0x3FF, v22;
	v12 =	vand.u32 v4, v12  }
0x74: {  	v63 =	vsel vm13, v61, v60;
	v11 =	vadd.s32 $0x400, v11;
	v14 =	vsel vm0, v58, v22  }
0x75: {  	v13 =	vand.u32 v4, v13;
	vm14 =	veq.s32 v12, $0x0;
	v62 =	vadd.s32 $0x400, v14  }
0x76: {  	v10 =	vand.u32 v4, v15;
	vm2 =	veq.s32 v13, $0x0;
	v12 =	vnsel vm14, $0x0, v62  }
0x77: {  	[tilespmem:v19+s13+$0x0] =	vst.idx.add.s32.msk $0xffff, v5;
	vm15 =	veq.s32 v10, $0x0;
	v10 =	vnsel vm2, $0x0, v11;
	v11 =	vadd.s32 $0x400, v63  }
0x78: {  	[tilespmem:v16+s13+$0x0] =	vst.idx.add.s32.msk $0xffff, v5;
	v11 =	vnsel vm15, $0x0, v11  }
0x79: {  	[tilespmem:v18+s13+$0x0] =	vst.idx.add.s32.msk $0xffff, v5  }
0x7a: {  	[tilespmem:v17+s13+$0x0] =	vst.idx.add.s32.msk $0xffff, v5  }
0x7b: {  	[tilespmem:v12+s13+$0x0] =	vst.idx.add.s32.msk $0xffff, v5  }
0x7c: {  	[tilespmem:v10+s13+$0x0] =	vst.idx.add.s32.msk $0xffff, v5  }
0x7d: {  	s0 =	simm.s32 $0x6100;
	s1 =	simm.s32 $0x18400;
	[tilespmem:v11+s13+$0x0] =	vst.idx.add.s32.msk $0xffff, v5  }
.LBB2_7:
0x7e: {  	v10 =	vor.u32 s0, v3;
	_ =	sdelay $0x2  }
0x7f: {  	v11 =	vld [tilespmem:s1+$0x0];
	_ =	sdelay $0x1  }
0x80: {  	v10 =	vld.idx.msk [tilespmem:v10+s10+$0x0], $0xffff;
	_ =	sdelay $0x2  }
0x81: {  	v12 =	vshra.s32 v11, $0x15  }
0x82: {  	vm0 =	vlt.s32 v11, $0x0;
	v11 =	vxor.u32 $0x3FF, v12  }
0x83: {  	v11 =	vsel vm0, v11, v12;
	v10 =	vand.u32 v4, v10  }
0x84: {  	vm15 =	veq.s32 v10, $0x0;
	v10 =	vadd.s32 $0x400, v11  }
0x85: {  	p0 =	sne.s32 s0, $0x6140;
	v10 =	vnsel vm15, $0x0, v10  }
.Ltmp6:
0x86: {  	_ = 	snop;
	(pc) =	sbr.rel @p0 .LBB2_7-.Ltmp6, $2  }
0x87: {  	_ =	sdelay $0x2  }
0x88: {  	s1 =	sadd.s32 $0x100, s1;
	s0 =	sadd.s32 $0x40, s0;
	[tilespmem:v10+s13+$0x0] =	vst.idx.add.s32.msk $0xffff, v5  }
0x89: {  	s0 =	simm.s32 $0x1F0F0  }
0x8a: {  	v10 =	vld [tilespmem:s0+$0x0]  }
0x8b: {  	s20 =	simm.s32 $0x1F0E0  }
0x8c: {  	v11 =	vld [tilespmem:s20+$0x0];
	_ =	sdelay $0x2  }
0x8d: {  	(xrf0) =	vadd.scan.msk.s32 $0xffff, v10  }
0x8e: {  	v10 =	vperm.xlane v10, v7  }
0x8f: {  	(xrf0) =	vadd.scan.msk.s32 $0xffff, v11  }
0x90: {  	(xrf0) =	vadd.scan.msk.s32 $0xffff, v10;
	_ =	sdelay $0x2  }
0x91: {  	v12, _, _ =	vpop (xrf0)  }
0x92: {  	s23 =	simm.s32 $0x1F0D0;
	(v2sf) =	vpush v12, $0xF  }
0x93: {  	v10 =	vld [tilespmem:s23+$0x0];
	v54, _, _ =	vpop (xrf0)  }
0x94: {  	s0 =	simm.s32 $0x0;
	v55, _, _ =	vpop (xrf0)  }
0x95: {  	v12 =	vadd.s32 s0, v55  }
0x96: {  	vm0 =	vgt.s32 v12, $0xB  }
0x97: {  	v11 =	vperm.xlane v11, v7;
	(v2sf) =	vpush v54, $0xF;
	v13 =	vmctz.xlane vm0  }
0x98: {  	s1 =	simm.s32 $0x1F0C0;
	(xrf0) =	vadd.scan.msk.s32 $0xffff, v10  }
0x99: {  	v56 =	vld [tilespmem:s1+$0x0];
	(xrf0) =	vadd.scan.msk.s32 $0xffff, v11;
	v11 =	vxor.u32 $0x80000000, v13  }
0x9a: {  	(xrf0) =	vmax.scan.msk.u32 $0xffff, v11  }
0x9b: {  	v10 =	vperm.xlane v10, v7;
	_ =	sdelay $0x2  }
0x9c: {  	(xrf0) =	vadd.scan.msk.s32 $0xffff, v56;
	v11, _, _ =	vpop (xrf0)  }
0x9d: {  	(xrf0) =	vadd.scan.msk.s32 $0xffff, v10;
	v10, _, _ =	vpop (xrf0)  }
0x9e: {  	(v2sf) =	vpush v11, $0xF;
	v11, _, _ =	vpop (xrf0)  }
0x9f: {  	s24 =	spop (v2sf);
	(v2sf) =	vpush v11, $0xF  }
0xa0: {  	s9 =	sadd.s32 $0x0, s24  }
0xa1: {  	s25 =	simm.s32 $0x1F0B0;
	v10 =	vadd.s32 s9, v10  }
0xa2: {  	vm12 =	vgt.s32 v10, $0xB;
	v10 =	vld [tilespmem:s25+$0x0]  }
0xa3: {  	v57 =	vmctz.xlane vm12  }
0xa4: {  	v11, _, _ =	vpop (xrf0);
	s26 =	spop (v2sf)  }
0xa5: {  	(v2sf) =	vpush v11, $0xF;
	v58, _, _ =	vpop (xrf0);
	s1 =	sadd.s32 s9, s26;
	v11 =	vxor.u32 $0x80000000, v57  }
0xa6: {  	v59 =	vadd.s32 s1, v58;
	(xrf0) =	vmax.scan.msk.u32 $0xffff, v11;
	v11 =	vperm.xlane v56, v7  }
0xa7: {  	vm13 =	vgt.s32 v59, $0xB;
	(xrf0) =	vadd.scan.msk.s32 $0xffff, v10  }
0xa8: {  	s2 =	simm.s32 $0x1F0A0;
	(xrf0) =	vadd.scan.msk.s32 $0xffff, v11;
	v11 =	vmctz.xlane vm13  }
0xa9: {  	v60 =	vld [tilespmem:s2+$0x0]  }
0xaa: {  	v11 =	vxor.u32 $0x80000000, v11;
	_ =	sdelay $0x2  }
0xab: {  	v10 =	vperm.xlane v10, v7;
	s28 =	spop (v2sf);
	(xrf0) =	vmax.scan.msk.u32 $0xffff, v11;
	v11, _, _ =	vpop (xrf0)  }
0xac: {  	(xrf0) =	vadd.scan.msk.s32 $0xffff, v60;
	s31 =	spop (v2sf);
	(v2sf) =	vpush v11, $0xF;
	_ =	sdelay $0x1  }
0xad: {  	v61, _, _ =	vpop (xrf0)  }
0xae: {  	s4 =	sadd.s32 s1, s28;
	(xrf0) =	vadd.scan.msk.s32 $0xffff, v10;
	v10, _, _ =	vpop (xrf0);
	(v2sf) =	vpush v61, $0xF  }
0xaf: {  	v10 =	vadd.s32 s4, v10  }
0xb0: {  	vm14 =	vgt.s32 v10, $0xB;
	v15, _, _ =	vpop (xrf0)  }
0xb1: {  	s30 =	simm.s32 $0x1F090;
	v14 =	vmctz.xlane vm14;
	(v2sf) =	vpush v15, $0xF;
	v16, _, _ =	vpop (xrf0)  }
0xb2: {  	s3 =	spop (v2sf);
	v10 =	vld [tilespmem:s30+$0x0];
	(v2sf) =	vpush v16, $0xF  }
0xb3: {  	v11 =	vxor.u32 $0x80000000, v14  }
0xb4: {  	p0 =	por $0x0, $0x0;
	(xrf0) =	vmax.scan.msk.u32 $0xffff, v11  }
0xb5: {  	s7 =	simm.s32 $0x7F0;
	s8 =	simm.s32 $0x7E0;
	s6 =	simm.s32 $0x7D0  }
0xb6: {  	s5 =	simm.s32 $0x7C0;
	s12 =	sxor.u32 $0x7FFFFFFF, s31;
	s11 =	sadd.s32 s4, s3;
	v62, _, _ =	vpop (xrf0);
	v11 =	vperm.xlane v60, v7  }
0xb7: {  	s19 =	simm.s32 $0x790;
	s2 =	simm.s32 $0x7B0;
	s12 =	sadd.s32 $0x800, s12;
	v63 =	vadd.s32 s11, v62;
	(xrf0) =	vadd.scan.msk.s32 $0xffff, v10  }
0xb8: {  	p1 =	sgt.s32 s9, $0xB;
	s3 =	simm.s32 $0x7A0;
	s12 =	smov.u32 @p0 s0;
	vm15 =	vgt.s32 v63, $0xB;
	(xrf0) =	vadd.scan.msk.s32 $0xffff, v11  }
0xb9: {  	s9 =	smov.u32 s11;
	s0 =	smov.u32 @p1 s12;
	s12 =	simm.s32 $0x1F080;
	v11 =	vmctz.xlane vm15  }
.LBB2_9:
0xba: {  	v12 =	vld [tilespmem:s12+$0x0];
	p2 =	sne.s32 s19, $0x10;
	v13, _, _ =	vpop (xrf0);
	s20 =	spop (v2sf)  }
0xbb: {  	p0 =	por p0, p1;
	v14 =	vxor.u32 $0x80000000, v11;
	(v2sf) =	vpush v13, $0xF;
	s20 =	sxor.u32 $0x7FFFFFFF, s20  }
0xbc: {  	p1 =	sgt.s32 s1, $0xB;
	(xrf0) =	vmax.scan.msk.u32 $0xffff, v14;
	s20 =	sadd.s32 s20, s7;
	s7 =	smov.u32 s8  }
.Ltmp7:
0xbd: {  	v11, _, _ =	vpop (xrf0);
	s8 =	spop (v2sf);
	s20 =	smov.u32 @p0 s0;
	(pc) =	sbr.rel @p2 .LBB2_9-.Ltmp7, $4  }
0xbe: {  	s1 =	smov.u32 s4;
	v13 =	vperm.xlane v10, v7;
	(v2sf) =	vpush v11, $0xF;
	v10, _, _ =	vpop (xrf0);
	s11 =	sadd.s32 s11, s8;
	s0 =	smov.u32 @p1 s20  }
0xbf: {  	s4 =	smov.u32 s9;
	s8 =	smov.u32 s6;
	(xrf0) =	vadd.scan.msk.s32 $0xffff, v12;
	v11 =	vadd.s32 s11, v10;
	v10 =	vmov v12;
	s9 =	smov.u32 s11  }
0xc0: {  	s6 =	smov.u32 s5;
	s5 =	smov.u32 s2;
	s2 =	smov.u32 s3;
	(xrf0) =	vadd.scan.msk.s32 $0xffff, v13;
	vm0 =	vgt.s32 v11, $0xB  }
0xc1: {  	s12 =	sadd.s32 $0xFFFFFFF0, s12;
	s3 =	smov.u32 s19;
	s19 =	sadd.s32 $0xFFFFFFF0, s19;
	v11 =	vmctz.xlane vm0  }
0xc2: {  	_ = 	snop  }
0xc3: {  	v10 =	vperm.xlane v10, v7;
	_ =	sdelay $0x1  }
0xc4: {  	v11 =	vxor.u32 $0x80000000, v11  }
0xc5: {  	(xrf0) =	vmax.scan.msk.u32 $0xffff, v11  }
0xc6: {  	s12 =	spop (v2sf);
	(xrf0) =	vadd.scan.msk.s32 $0xffff, v10;
	v10, _, _ =	vpop (xrf0)  }
0xc7: {  	s19 =	spop (v2sf);
	v11, _, _ =	vpop (xrf0)  }
0xc8: {  	s11 =	sadd.s32 s11, s19;
	v12, _, _ =	vpop (xrf0)  }
0xc9: {  	v12 =	vadd.s32 s11, v12;
	_ =	sdelay $0x1  }
0xca: {  	s30 =	spop (v2sf);
	vm0 =	vgt.s32 v12, $0xB  }
0xcb: {  	v13 =	vmctz.xlane vm0;
	v12, _, _ =	vpop (xrf0);
	s20 =	spop (v2sf)  }
0xcc: {  	v14, _, _ =	vpop (xrf0);
	s20 =	sadd.s32 s11, s20  }
0xcd: {  	v13 =	vxor.u32 $0x80000000, v13;
	v14 =	vadd.s32 s20, v14  }
0xce: {  	(xrf0) =	vmax.scan.msk.u32 $0xffff, v13;
	vm0 =	vgt.s32 v14, $0xB  }
0xcf: {  	v13 =	vmctz.xlane vm0  }
0xd0: {  	(v2sf) =	vpush v10, $0xF  }
0xd1: {  	(v2sf) =	vpush v11, $0xF;
	v10 =	vxor.u32 $0x80000000, v13;
	_ =	sdelay $0x1  }
0xd2: {  	(v2sf) =	vpush v12, $0xF  }
0xd3: {  	s12 =	sxor.u32 $0x7FFFFFFF, s12;
	(xrf0) =	vmax.scan.msk.u32 $0xffff, v10;
	v10, _, _ =	vpop (xrf0)  }
0xd4: {  	p0 =	por p0, p1;
	s7 =	sadd.s32 s12, s7;
	(v2sf) =	vpush v10, $0xF  }
0xd5: {  	p1 =	sgt.s32 s1, $0xB;
	s7 =	smov.u32 @p0 s0  }
0xd6: {  	s0 =	smov.u32 @p1 s7;
	s7 =	simm.s32 $0x0  }
0xd7: {  	v18 =	vor.u32 s7, v3;
	_ =	sdelay $0x1  }
0xd8: {  	v10, _, _ =	vpop (xrf0)  }
0xd9: {  	(v2sf) =	vpush v10, $0xF  }
0xda: {  	p0 =	por p0, p1;
	s31 =	sxor.u32 $0x7FFFFFFF, s30  }
0xdb: {  	p1 =	sgt.s32 s4, $0xB;
	s1 =	sadd.s32 s31, s8;
	s31 =	simm.s32 $0x40;
	v18 =	vld.idx.msk [tilespmem:v18+s10+$0x0], $0xffff  }
0xdc: {  	s8 =	simm.s32 $0x4;
	s1 =	smov.u32 @p0 s0;
	p0 =	por p0, p1;
	v11 =	vld [tilespmem:s31+$0x10]  }
0xdd: {  	v12 =	vld [tilespmem:s31+$0xFFFFFFF0];
	v19 =	vor.u32 s8, v3;
	s0 =	smov.u32 @p1 s1;
	p1 =	sgt.s32 s9, $0xB;
	s12 =	spop (v2sf)  }
0xde: {  	v15 =	vld [tilespmem:s31+$0x20];
	s9 =	simm.s32 $0xC;
	s19 =	sxor.u32 $0x7FFFFFFF, s12;
	s23 =	spop (v2sf)  }
0xdf: {  	v17 =	vld [tilespmem:s31+$0xFFFFFFE0];
	s12 =	simm.s32 $0x18;
	s1 =	sadd.s32 s19, s6;
	s6 =	simm.s32 $0x14  }
0xe0: {  	v20 =	vld [tilespmem:s31+$0xFFFFFFC0];
	v21 =	vor.u32 s9, v3;
	s19 =	simm.s32 $0x8;
	s1 =	smov.u32 @p0 s0;
	s24 =	spop (v2sf)  }
0xe1: {  	v24 =	vimm.s32 $0xFFFFFFFF;
	v14 =	vld [tilespmem:s31+$0x30];
	v18 =	vand.u32 v4, v18;
	v23 =	vor.u32 s12, v3;
	p0 =	por p0, p1;
	s0 =	smov.u32 @p1 s1;
	s25 =	sxor.u32 $0x7FFFFFFF, s24  }
0xe2: {  	vm0 =	vlt.s32 v11, $0x0;
	v27 =	vxor.u32 $0x7FFFFFFF, v11;
	v19 =	vld.idx.msk [tilespmem:v19+s10+$0x0], $0xffff;
	v16 =	vor.u32 s6, v3;
	p1 =	sgt.s32 s11, $0xB;
	s1 =	sadd.s32 s25, s5;
	s26 =	spop (v2sf)  }
0xe3: {  	v25 =	vld [tilespmem:s31+$0xFFFFFFD0];
	vm1 =	vlt.s32 v12, $0x0;
	v11 =	vsel vm0, v27, v11;
	v26 =	vor.u32 s19, v3;
	s11 =	simm.s32 $0x10;
	s1 =	smov.u32 @p0 s0;
	s5 =	sxor.u32 $0x7FFFFFFF, s26  }
0xe4: {  	v28 =	vld [tilespmem:s31+$0x0];
	v27 =	vxor.u32 $0x7FFFFFFF, v12;
	vm0 =	vlt.s32 v15, $0x0;
	v22 =	vor.u32 s11, v3;
	s0 =	smov.u32 @p1 s1;
	s1 =	sadd.s32 s5, s2;
	s5 =	simm.s32 $0x1C  }
0xe5: {  	v27 =	vsel vm1, v27, v12;
	v12 =	vxor.u32 $0x7FFFFFFF, v15;
	v21 =	vld.idx.msk [tilespmem:v21+s10+$0x0], $0xffff;
	v13 =	vor.u32 s5, v3  }
0xe6: {  	s31 =	simm.s32 $0x0;
	vm1 =	vlt.s32 v14, $0x0;
	v12 =	vsel vm0, v12, v15;
	v15 =	vxor.u32 $0x7FFFFFFF, v14;
	v23 =	vld.idx.msk [tilespmem:v23+s10+$0x0], $0xffff  }
0xe7: {  	v34 =	vor.u32 s31, v2;
	v14 =	vsel vm1, v15, v14;
	v19 =	vand.u32 v4, v19;
	v16 =	vld.idx.msk [tilespmem:v16+s10+$0x0], $0xffff  }
0xe8: {  	v15 =	vxor.u32 $0x7FFFFFFF, v20;
	vm1 =	vlt.s32 v20, $0x0;
	s4 =	sadd.s32 s20, s23;
	vm2 =	veq.s32 v19, $0x0;
	v19 =	vld.idx.msk [tilespmem:v26+s10+$0x0], $0xffff;
	p0 =	por p0, p1;
	s28 =	spop (v2sf)  }
0xe9: {  	v29 =	vxor.u32 $0x7FFFFFFF, v25;
	vm0 =	vlt.s32 v25, $0x0;
	v15 =	vsel vm1, v15, v20;
	p1 =	sgt.s32 s20, $0xB;
	v20 =	vld.idx.msk [tilespmem:v22+s10+$0x0], $0xffff;
	s1 =	smov.u32 @p0 s0;
	s30 =	sxor.u32 $0x7FFFFFFF, s28  }
0xea: {  	v30 =	vxor.u32 $0x7FFFFFFF, v17;
	v25 =	vsel vm0, v29, v25;
	vm0 =	vlt.s32 v17, $0x0;
	p0 =	por p0, p1;
	s0 =	smov.u32 @p1 s1;
	s1 =	sadd.s32 s30, s3;
	v13 =	vld.idx.msk [tilespmem:v13+s10+$0x0], $0xffff  }
0xeb: {  	vm1 =	vlt.s32 v28, $0x0;
	v17 =	vsel vm0, v30, v17;
	s25 =	simm.s32 $0x10;
	v22 =	vxor.u32 $0x7FFFFFFF, v28;
	p1 =	sgt.s32 s4, $0xB;
	s1 =	smov.u32 @p0 s0  }
0xec: {  	v29 =	vor.u32 s25, v2;
	v22 =	vsel vm1, v22, v28;
	v16 =	vand.u32 v4, v16;
	s0 =	smov.u32 @p1 s1  }
0xed: {  	vm1 =	veq.s32 v18, $0x0;
	v18 =	vand.u32 v4, v19;
	vm3 =	veq.s32 v16, $0x0;
	s0 =	sshll.u32 s0, $0x15  }
0xee: {  	v16 =	vand.u32 v4, v23;
	v23 =	vand.u32 v4, v21;
	v21 =	vnsel vm1, $0x80000000, v15;
	s0 =	sxor.u32 $0x80000000, s0  }
0xef: {  	v20 =	vand.u32 v4, v20;
	v10 =	vmov s0;
	v13 =	vand.u32 v4, v13  }
0xf0: {  	vm6 =	veq.s32 v23, $0x0;
	s28 =	simm.s32 $0x20;
	vm5 =	vge.s32 v21, v10;
	vm0 =	veq.s32 v13, $0x0  }
0xf1: {  	v28 =	vor.u32 s28, v2;
	v19 =	vmpcnt.ones.xlane vm5;
	v13 =	vnsel vm0, $0x80000000, v14  }
0xf2: {  	vm0 =	veq.s32 v16, $0x0;
	v16 =	vnsel vm2, $0x80000000, v25;
	v14 =	vnsel vm3, $0x80000000, v11  }
0xf3: {  	vm3 =	veq.s32 v18, $0x0;
	v18 =	vsel vm5, $0x1, v0;
	vm2 =	vge.s32 v14, v10  }
0xf4: {  	v33 =	vadd.s32 v24, v19;
	v12 =	vnsel vm0, $0x80000000, v12;
	v15 =	vsel vm2, $0x1, v0  }
0xf5: {  	vm4 =	vge.s32 v16, v10;
	vm0 =	veq.s32 v20, $0x0;
	vm1 =	vge.s32 v12, v10;
	(xrf0) =	vadd.scan.msk.s32 $0xffff, v15  }
0xf6: {  	v20 =	vnsel vm3, $0x80000000, v17;
	v15 =	vnsel vm6, $0x80000000, v27;
	v17 =	vsel vm1, $0x1, v0;
	(xrf0) =	vadd.scan.msk.s32 $0xffff, v18  }
0xf7: {  	vm7 =	vge.s32 v13, v10;
	v18 =	vsel vm4, $0x1, v0;
	vm3 =	vge.s32 v15, v10;
	(xrf0) =	vadd.scan.msk.s32 $0xffff, v17  }
0xf8: {  	v11 =	vnsel vm0, $0x80000000, v22;
	vm6 =	vge.s32 v20, v10;
	v17 =	vsel vm3, $0x1, v0;
	(xrf0) =	vadd.scan.msk.s32 $0xffff, v18  }
0xf9: {  	v22 =	vmpcnt.ones.xlane vm4;
	vm0 =	vge.s32 v11, v10;
	v18 =	vsel vm6, $0x1, v0;
	(xrf0) =	vadd.scan.msk.s32 $0xffff, v17  }
0xfa: {  	v31 =	vmpcnt.ones.xlane vm2;
	v19 =	vsel vm0, $0x1, v0;
	v25 =	vmpcnt.ones.xlane vm6;
	(xrf0) =	vadd.scan.msk.s32 $0xffff, v18  }
0xfb: {  	v62 =	vsel vm7, $0x1, v0;
	v30 =	vadd.s32 v33, v22;
	v23 =	vmpcnt.ones.xlane vm3;
	v32, _, _ =	vpop (xrf0);
	(xrf0) =	vadd.scan.msk.s32 $0xffff, v19  }
0xfc: {  	s24 =	simm.s32 $0x70;
	s20 =	simm.s32 $0x40;
	v27 =	vmpcnt.ones.xlane vm1;
	v35 =	vmpcnt.ones.xlane vm0;
	v37 =	vadd.s32 v30, v25;
	v38, _, _ =	vpop (xrf0)  }
0xfd: {  	s23 =	simm.s32 $0x60;
	s30 =	simm.s32 $0x50;
	v22 =	vor.u32 s24, v2;
	v17 =	vor.u32 s20, v2;
	v25 =	vadd.s32 v37, v23;
	v26, _, _ =	vpop (xrf0)  }
0xfe: {  	s26 =	simm.s32 $0x30;
	v23 =	vor.u32 s30, v2;
	v18 =	vor.u32 s23, v2;
	v36 =	vadd.s32 v25, v35;
	v61, _, _ =	vpop (xrf0)  }
0xff: {  	v19 =	vor.u32 s26, v2;
	v24 =	vadd.s32 v24, v38;
	v38 =	vadd.s32 v33, v61;
	v63, _, _ =	vpop (xrf0)  }
0x100: {  	s7 =	simm.s32 $0x3C;
	s4 =	simm.s32 $0x0;
	s1 =	simm.s32 $0xC0;
	(xrf0) =	vadd.scan.msk.s32 $0xffff, v62;
	vm8 =	vlt.s32 v24, $0x2FF;
	vm9 =	vlt.s32 v38, $0x2FF;
	v33 =	vadd.s32 v37, v63;
	v39, _, _ =	vpop (xrf0)  }
0x101: {  	s0 =	simm.s32 $0x18680;
	s24 =	simm.s32 $0x61A0;
	s20 =	simm.s32 $0x80;
	v37 =	vnsel vm8, $0x2FF, v24;
	v24 =	vmpcnt.ones.xlane vm7;
	vm8 =	vlt.s32 v33, $0x2FF;
	v35, _, _ =	vpop (xrf0)  }
.LBB2_11:
0x102: {  	s2 =	sadd.s32 $0xFFFFFFE4, s7;
	s3 =	sadd.s32 $0xFFFFFFE8, s7;
	s5 =	sadd.s32 $0xFFFFFFEC, s7;
	v40 =	vld [tilespmem:s1+$0x10];
	v41 =	vor.u32 s7, v3;
	v38 =	vnsel vm9, $0x2FF, v38;
	v30 =	vadd.s32 v30, v39  }
0x103: {  	s6 =	sadd.s32 $0xFFFFFFF8, s7;
	v39 =	vor.u32 s2, v3;
	v42 =	vor.u32 s3, v3;
	v43 =	vld [tilespmem:s1+$0xFFFFFFF0];
	s2 =	sadd.s32 $0xFFFFFFF0, s7;
	s3 =	sadd.s32 $0xFFFFFFF4, s7;
	vm9 =	vlt.s32 v30, $0x2FF  }
0x104: {  	s4 =	sadd.s32 $0x8, s4;
	v31 =	vadd.s32 v36, v31;
	v44 =	vor.u32 s2, v3;
	v45 =	vor.u32 s3, v3;
	s2 =	sadd.s32 $0xFFFFFFFC, s7;
	v46 =	vld [tilespmem:s1+$0x30]  }
0x105: {  	v47 =	vor.u32 s6, v3;
	p0 =	slt.u32 s4, $0x1860;
	v30 =	vnsel vm9, $0x2FF, v30;
	v48 =	vld [tilespmem:s1+$0x20];
	v49 =	vor.u32 s2, v3  }
0x106: {  	v51 =	vor.u32 s5, v3;
	v27 =	vadd.s32 v31, v27;
	v50 =	vld [tilespmem:s1+$0xFFFFFFE0];
	[tilespmem:v37+s14+$0x0] =	vst.idx.msk vm5, v21;
	v21 =	vadd.s32 v36, v32;
	v32, _, _ =	vpop (xrf0)  }
0x107: {  	v36 =	vld [tilespmem:s1+$0xFFFFFFC0];
	vm9 =	vlt.s32 v40, $0x0;
	v52 =	vxor.u32 $0x7FFFFFFF, v40;
	[tilespmem:v37+s15+$0x0] =	vst.idx.msk vm5, v34;
	v32 =	vadd.s32 v27, v32  }
0x108: {  	v34 =	vld [tilespmem:s1+$0xFFFFFFD0];
	vm5 =	vlt.s32 v43, $0x0;
	v37 =	vsel vm9, v52, v40;
	[tilespmem:v38+s14+$0x0] =	vst.idx.msk vm4, v16;
	vm9 =	vlt.s32 v32, $0x2FF  }
0x109: {  	v16 =	vxor.u32 $0x7FFFFFFF, v43;
	v40 =	vld.idx.msk [tilespmem:v41+s10+$0x0], $0xffff;
	[tilespmem:v38+s15+$0x0] =	vst.idx.msk vm4, v29;
	vm4 =	vlt.s32 v21, $0x2FF;
	v29 =	vnsel vm9, $0x2FF, v32  }
0x10a: {  	v32 =	vsel vm5, v16, v43;
	v16 =	vld [tilespmem:s1+$0x0];
	vm5 =	vlt.s32 v48, $0x0;
	[tilespmem:v30+s14+$0x0] =	vst.idx.msk vm6, v20;
	v20 =	vnsel vm4, $0x2FF, v21  }
0x10b: {  	v25 =	vadd.s32 v25, v35;
	v21 =	vxor.u32 $0x7FFFFFFF, v48;
	vm4 =	vlt.s32 v46, $0x0;
	v38 =	vld.idx.msk [tilespmem:v51+s10+$0x0], $0xffff;
	[tilespmem:v30+s15+$0x0] =	vst.idx.msk vm6, v28  }
0x10c: {  	v33 =	vnsel vm8, $0x2FF, v33;
	v21 =	vsel vm5, v21, v48;
	v30 =	vxor.u32 $0x7FFFFFFF, v46;
	v28 =	vld.idx.msk [tilespmem:v47+s10+$0x0], $0xffff  }
0x10d: {  	v26 =	vadd.s32 v31, v26;
	v30 =	vsel vm4, v30, v46;
	vm5 =	vlt.s32 v34, $0x0;
	v35 =	vld.idx.msk [tilespmem:v42+s10+$0x0], $0xffff  }
0x10e: {  	v31 =	vxor.u32 $0x7FFFFFFF, v36;
	vm4 =	vlt.s32 v26, $0x2FF;
	v41 =	vxor.u32 $0x7FFFFFFF, v34;
	v42 =	vld.idx.msk [tilespmem:v49+s10+$0x0], $0xffff;
	[tilespmem:v29+s14+$0x0] =	vst.idx.msk vm7, v13  }
0x10f: {  	vm6 =	vlt.s32 v36, $0x0;
	v13 =	vxor.u32 $0x7FFFFFFF, v50;
	v39 =	vld.idx.msk [tilespmem:v39+s10+$0x0], $0xffff;
	[tilespmem:v20+s14+$0x0] =	vst.idx.msk vm2, v14;
	v14 =	vnsel vm4, $0x2FF, v26  }
0x110: {  	v26 =	vsel vm5, v41, v34;
	vm4 =	vlt.s32 v50, $0x0;
	vm5 =	vlt.s32 v25, $0x2FF;
	v34 =	vld.idx.msk [tilespmem:v44+s10+$0x0], $0xffff;
	[tilespmem:v20+s15+$0x0] =	vst.idx.msk vm2, v23  }
0x111: {  	v20 =	vsel vm6, v31, v36;
	vm2 =	vlt.s32 v16, $0x0;
	v25 =	vnsel vm5, $0x2FF, v25;
	v23 =	vld.idx.msk [tilespmem:v45+s10+$0x0], $0xffff;
	[tilespmem:v29+s15+$0x0] =	vst.idx.msk vm7, v22  }
0x112: {  	v22 =	vxor.u32 $0x7FFFFFFF, v16;
	v28 =	vand.u32 v4, v28;
	v29 =	vand.u32 v4, v40  }
0x113: {  	v31 =	vand.u32 v4, v35;
	v35 =	vsel vm4, v13, v50;
	vm4 =	veq.s32 v29, $0x0;
	[tilespmem:v33+s14+$0x0] =	vst.idx.msk vm3, v15  }
0x114: {  	v24 =	vadd.s32 v27, v24;
	vm6 =	veq.s32 v28, $0x0;
	vm5 =	veq.s32 v31, $0x0;
	[tilespmem:v14+s14+$0x0] =	vst.idx.msk vm1, v12  }
0x115: {  	v15 =	vsel vm2, v22, v16;
	v13 =	vnsel vm4, $0x80000000, v30;
	v12 =	vand.u32 v4, v42;
	[tilespmem:v14+s15+$0x0] =	vst.idx.msk vm1, v18  }
0x116: {  	v18 =	vand.u32 v4, v39;
	v22 =	vand.u32 v4, v34;
	vm1 =	veq.s32 v12, $0x0;
	[tilespmem:v33+s15+$0x0] =	vst.idx.msk vm3, v19  }
0x117: {  	v16 =	vnsel vm5, $0x80000000, v26;
	v14 =	vnsel vm6, $0x80000000, v37;
	v19 =	vand.u32 v4, v23;
	[tilespmem:v25+s14+$0x0] =	vst.idx.msk vm0, v11  }
0x118: {  	vm4 =	vge.s32 v16, v10;
	vm2 =	vge.s32 v14, v10;
	v12 =	vnsel vm1, $0x80000000, v21;
	[tilespmem:v25+s15+$0x0] =	vst.idx.msk vm0, v17  }
0x119: {  	vm1 =	veq.s32 v19, $0x0;
	vm0 =	veq.s32 v18, $0x0;
	v17 =	vsel vm2, $0x1, v0  }
0x11a: {  	v18 =	vand.u32 v4, v38;
	v21 =	vnsel vm0, $0x80000000, v20  }
0x11b: {  	v11 =	vnsel vm1, $0x80000000, v15;
	vm1 =	vge.s32 v12, v10;
	vm5 =	vge.s32 v21, v10  }
0x11c: {  	v19 =	vmpcnt.ones.xlane vm4;
	vm3 =	veq.s32 v18, $0x0;
	v15 =	vmpcnt.ones.xlane vm5;
	(xrf0) =	vadd.scan.msk.s32 $0xffff, v17  }
0x11d: {  	vm6 =	veq.s32 v22, $0x0;
	vm0 =	vge.s32 v11, v10;
	v17 =	vsel vm5, $0x1, v0  }
0x11e: {  	v20 =	vnsel vm3, $0x80000000, v35;
	v33 =	vadd.s32 v24, v15;
	v15 =	vnsel vm6, $0x80000000, v32  }
0x11f: {  	v18 =	vsel vm4, $0x1, v0;
	v30 =	vadd.s32 v33, v19;
	v19 =	vsel vm1, $0x1, v0;
	(xrf0) =	vadd.scan.msk.s32 $0xffff, v17  }
0x120: {  	v23 =	vsel vm0, $0x1, v0;
	vm6 =	vge.s32 v20, v10;
	vm3 =	vge.s32 v15, v10;
	(xrf0) =	vadd.scan.msk.s32 $0xffff, v19  }
0x121: {  	v31 =	vmpcnt.ones.xlane vm2;
	v17 =	vsel vm6, $0x1, v0;
	v19 =	vsel vm3, $0x1, v0;
	(xrf0) =	vadd.scan.msk.s32 $0xffff, v18  }
0x122: {  	v27 =	vmpcnt.ones.xlane vm1;
	v25 =	vmpcnt.ones.xlane vm3;
	(xrf0) =	vadd.scan.msk.s32 $0xffff, v19;
	v32, _, _ =	vpop (xrf0)  }
0x123: {  	s5 =	sadd.s32 $0x70, s20;
	s3 =	sadd.s32 $0x60, s20;
	s2 =	sadd.s32 $0x40, s20;
	v35 =	vmpcnt.ones.xlane vm0;
	v19 =	vmpcnt.ones.xlane vm6;
	(xrf0) =	vadd.scan.msk.s32 $0xffff, v17  }
0x124: {  	s8 =	sadd.s32 $0x30, s20;
	s6 =	sadd.s32 $0x10, s20;
	v22 =	vor.u32 s5, v2;
	v18 =	vor.u32 s3, v2;
	v17 =	vor.u32 s2, v2;
	(xrf0) =	vadd.scan.msk.s32 $0xffff, v23  }
0x125: {  	v29 =	vor.u32 s6, v2;
	s3 =	sadd.s32 $0x50, s20;
	s2 =	sadd.s32 $0x20, s20;
	v37 =	vadd.s32 v30, v19;
	v19 =	vor.u32 s8, v2;
	v38, _, _ =	vpop (xrf0)  }
.Ltmp8:
0x126: {  	v28 =	vor.u32 s2, v2;
	v23 =	vor.u32 s3, v2;
	v25 =	vadd.s32 v37, v25;
	v26, _, _ =	vpop (xrf0);
	(pc) =	sbr.rel @p0 .LBB2_11-.Ltmp8, $4  }
0x127: {  	vm7 =	vge.s32 v13, v10;
	v34 =	vor.u32 s20, v2;
	v36 =	vadd.s32 v25, v35;
	v35, _, _ =	vpop (xrf0)  }
0x128: {  	v40 =	vsel vm7, $0x1, v0;
	v24 =	vadd.s32 v24, v38;
	v38 =	vadd.s32 v33, v35;
	v33, _, _ =	vpop (xrf0)  }
0x129: {  	vm8 =	vlt.s32 v24, $0x2FF;
	vm9 =	vlt.s32 v38, $0x2FF;
	v33 =	vadd.s32 v37, v33;
	v39, _, _ =	vpop (xrf0);
	(xrf0) =	vadd.scan.msk.s32 $0xffff, v40  }
0x12a: {  	s7 =	sadd.s32 $0x20, s7;
	s1 =	sadd.s32 $0x80, s1;
	s20 =	sadd.s32 $0x80, s20;
	v37 =	vnsel vm8, $0x2FF, v24;
	v24 =	vmpcnt.ones.xlane vm7;
	vm8 =	vlt.s32 v33, $0x2FF;
	v35, _, _ =	vpop (xrf0)  }
0x12b: {  	_ =	sdelay $0x1  }
0x12c: {  	v38 =	vnsel vm9, $0x2FF, v38  }
0x12d: {  	v60 =	vnsel vm8, $0x2FF, v33  }
0x12e: {  	v30 =	vadd.s32 v30, v39  }
0x12f: {  	[tilespmem:v37+s14+$0x0] =	vst.idx.msk vm5, v21;
	v56 =	vadd.s32 v36, v32;
	vm15 =	vlt.s32 v30, $0x2FF  }
0x130: {  	[tilespmem:v37+s15+$0x0] =	vst.idx.msk vm5, v34;
	vm13 =	vlt.s32 v56, $0x2FF;
	v30 =	vnsel vm15, $0x2FF, v30  }
0x131: {  	v31 =	vadd.s32 v36, v31;
	v58 =	vnsel vm13, $0x2FF, v56;
	[tilespmem:v38+s14+$0x0] =	vst.idx.msk vm4, v16  }
0x132: {  	v59 =	vadd.s32 v31, v26;
	[tilespmem:v60+s14+$0x0] =	vst.idx.msk vm3, v15  }
0x133: {  	v62 =	vadd.s32 v25, v35;
	vm14 =	vlt.s32 v59, $0x2FF;
	[tilespmem:v38+s15+$0x0] =	vst.idx.msk vm4, v29  }
0x134: {  	vm15 =	vlt.s32 v62, $0x2FF;
	v61 =	vnsel vm14, $0x2FF, v59;
	[tilespmem:v60+s15+$0x0] =	vst.idx.msk vm3, v19  }
0x135: {  	v27 =	vadd.s32 v31, v27;
	v63 =	vnsel vm15, $0x2FF, v62;
	v55, _, _ =	vpop (xrf0);
	[tilespmem:v30+s14+$0x0] =	vst.idx.msk vm6, v20  }
0x136: {  	v39 =	vadd.s32 v27, v55;
	[tilespmem:v58+s14+$0x0] =	vst.idx.msk vm2, v14  }
0x137: {  	vm12 =	vlt.s32 v39, $0x2FF;
	[tilespmem:v30+s15+$0x0] =	vst.idx.msk vm6, v28  }
0x138: {  	v57 =	vnsel vm12, $0x2FF, v39;
	[tilespmem:v58+s15+$0x0] =	vst.idx.msk vm2, v23  }
0x139: {  	[tilespmem:v61+s14+$0x0] =	vst.idx.msk vm1, v12  }
0x13a: {  	[tilespmem:v63+s14+$0x0] =	vst.idx.msk vm0, v11  }
0x13b: {  	[tilespmem:v61+s15+$0x0] =	vst.idx.msk vm1, v18  }
0x13c: {  	[tilespmem:v63+s15+$0x0] =	vst.idx.msk vm0, v17  }
0x13d: {  	[tilespmem:v57+s14+$0x0] =	vst.idx.msk vm7, v13  }
0x13e: {  	s1 =	simm.s32 $0x18680;
	v11 =	vadd.s32 v27, v24;
	[tilespmem:v57+s15+$0x0] =	vst.idx.msk vm7, v22  }
.LBB2_13:
0x13f: {  	v12 =	vor.u32 s24, v3;
	_ =	sdelay $0x3  }
0x140: {  	v13 =	vld [tilespmem:s0+$0x0]  }
0x141: {  	v12 =	vld.idx.msk [tilespmem:v12+s10+$0x0], $0xffff;
	_ =	sdelay $0x4  }
0x142: {  	vm0 =	vlt.s32 v13, $0x0;
	v14 =	vxor.u32 $0x7FFFFFFF, v13;
	v12 =	vand.u32 v4, v12  }
0x143: {  	v13 =	vsel vm0, v14, v13;
	vm15 =	veq.s32 v12, $0x0  }
0x144: {  	v12 =	vnsel vm15, $0x80000000, v13  }
0x145: {  	vm0 =	vge.s32 v12, v10  }
0x146: {  	v61 =	vsel vm0, $0x1, v0  }
0x147: {  	(xrf0) =	vadd.scan.msk.s32 $0xffff, v61;
	_ =	sdelay $0x5  }
0x148: {  	v13, _, _ =	vpop (xrf0)  }
0x149: {  	v13 =	vadd.s32 v11, v13  }
0x14a: {  	vm1 =	vlt.s32 v13, $0x2FF  }
0x14b: {  	v13 =	vnsel vm1, $0x2FF, v13  }
0x14c: {  	p0 =	sne.s32 s1, $0x18690  }
.Ltmp9:
0x14d: {  	_ = 	snop;
	(pc) =	sbr.rel @p0 .LBB2_13-.Ltmp9, $4  }
0x14e: {  	_ = 	snop  }
0x14f: {  	v62 =	vmpcnt.ones.xlane vm0  }
0x150: {  	v63 =	vor.u32 s1, v2;
	[tilespmem:v13+s14+$0x0] =	vst.idx.msk vm0, v12  }
0x151: {  	s24 =	sadd.s32 $0x4, s24;
	s0 =	sadd.s32 $0x10, s0;
	s1 =	sadd.s32 $0x10, s1;
	v11 =	vadd.s32 v11, v62;
	[tilespmem:v13+s15+$0x0] =	vst.idx.msk vm0, v63  }
0x152: {  	v10 =	vxor.u32 $0x80000000, v11  }
0x153: {  	(xrf0) =	vmax.scan.msk.u32 $0xffff, v10;
	_ =	sdelay $0x5  }
0x154: {  	v10, _, _ =	vpop (xrf0)  }
0x155: {  	(v2sf) =	vpush v10, $0xF;
	_ =	sdelay $0xe  }
0x156: {  	s2 =	spop (v2sf)  }
0x157: {  	s0 =	sadd.s32 $0x7FFFFD10, s2  }
0x158: {  	p0 =	sgt.u32 s0, $0xFFFFFD72  }
.Ltmp10:
0x159: {  	_ = 	snop;
	(pc) =	sbr.rel @p0 .LBB2_28-.Ltmp10, $2  }
0x15a: {  	_ =	sdelay $0x2  }
0x15b: {  	s1 =	simm.s32 $0x1E940;
	s0 =	simm.s32 $0xFFFFFFF8  }
0x15c: {  	[tilespmem:s1+$0xFFFFFFC0] =	vst v0  }
0x15d: {  	[tilespmem:s1+$0x30] =	vst v0  }
0x15e: {  	[tilespmem:s1+$0x20] =	vst v0  }
0x15f: {  	[tilespmem:s1+$0x10] =	vst v0  }
0x160: {  	[tilespmem:s1+$0x0] =	vst v0  }
0x161: {  	[tilespmem:s1+$0xFFFFFFF0] =	vst v0  }
0x162: {  	s2 =	sadd.s32 $0x8, s0;
	[tilespmem:s1+$0xFFFFFFE0] =	vst v0  }
.LBB2_16:
0x163: {  	s2 =	sadd.s32 $0x8, s2;
	[tilespmem:s1+$0xFFFFFFD0] =	vst v0;
	s1 =	sadd.s32 $0x80, s1  }
0x164: {  	[tilespmem:s1+$0xFFFFFFC0] =	vst v0;
	p0 =	slt.u32 s2, $0x78  }
0x165: {  	[tilespmem:s1+$0x30] =	vst v0  }
.Ltmp11:
0x166: {  	[tilespmem:s1+$0x20] =	vst v0;
	(pc) =	sbr.rel @p0 .LBB2_16-.Ltmp11, $4  }
0x167: {  	[tilespmem:s1+$0x10] =	vst v0  }
0x168: {  	[tilespmem:s1+$0x0] =	vst v0  }
0x169: {  	[tilespmem:s1+$0xFFFFFFF0] =	vst v0  }
0x16a: {  	s0 =	simm.s32 $0x40;
	[tilespmem:s1+$0xFFFFFFE0] =	vst v0  }
0x16b: {  	[tilespmem:s1+$0xFFFFFFD0] =	vst v0  }
0x16c: {  	v11 =	vld [tilespmem:s0+$0xFFFFFFC0]  }
0x16d: {  	v10 =	vld [tilespmem:s0+$0x30]  }
0x16e: {  	v12 =	vld [tilespmem:s0+$0x10]  }
0x16f: {  	s24 =	simm.s32 $0x8;
	v14 =	vld [tilespmem:s0+$0xFFFFFFD0]  }
0x170: {  	s28 =	simm.s32 $0x14;
	v13 =	vor.u32 s24, v3;
	v16 =	vld [tilespmem:s0+$0xFFFFFFE0]  }
0x171: {  	s25 =	simm.s32 $0x0;
	s2 =	simm.s32 $0x4;
	s26 =	simm.s32 $0xC;
	v19 =	vld [tilespmem:s0+$0x0];
	v22 =	vor.u32 s28, v3  }
0x172: {  	s3 =	simm.s32 $0x10;
	s30 =	simm.s32 $0x18;
	s31 =	simm.s32 $0x1C;
	v15 =	vor.u32 s25, v3;
	v17 =	vor.u32 s2, v3;
	v18 =	vor.u32 s26, v3  }
0x173: {  	v20 =	vor.u32 s3, v3;
	v21 =	vor.u32 s30, v3;
	v23 =	vor.u32 s31, v3  }
0x174: {  	vm0 =	vlt.s32 v10, $0x0;
	v24 =	vshra.s32 v12, $0x15;
	v25 =	vshra.s32 v10, $0x15  }
0x175: {  	v13 =	vld.idx.msk [tilespmem:v13+s10+$0x0], $0xffff;
	v26 =	vshra.s32 v14, $0x15;
	vm1 =	vlt.s32 v12, $0x0;
	v12 =	vshra.s32 v16, $0x15  }
0x176: {  	v27 =	vshra.s32 v19, $0x15;
	v28 =	vshra.s32 v11, $0x15;
	v22 =	vld.idx.msk [tilespmem:v22+s10+$0x0], $0xffff;
	v10 =	vxor.u32 $0x3FF, v24  }
0x177: {  	v29 =	vld.idx.msk [tilespmem:v18+s10+$0x0], $0xffff;
	v24 =	vsel vm1, v10, v24;
	vm1 =	vlt.s32 v16, $0x0;
	v16 =	vxor.u32 $0x3FF, v12  }
0x178: {  	v15 =	vld.idx.msk [tilespmem:v15+s10+$0x0], $0xffff;
	v12 =	vsel vm1, v16, v12;
	vm1 =	vlt.s32 v11, $0x0;
	v11 =	vxor.u32 $0x3FF, v28  }
0x179: {  	vm2 =	vlt.s32 v19, $0x0;
	v10 =	vld [tilespmem:s0+$0x20];
	v16 =	vxor.u32 $0x3FF, v25;
	v11 =	vsel vm1, v11, v28  }
0x17a: {  	v23 =	vld.idx.msk [tilespmem:v23+s10+$0x0], $0xffff;
	v12 =	vadd.s32 $0x400, v12;
	v16 =	vsel vm0, v16, v25;
	v13 =	vand.u32 v4, v13  }
0x17b: {  	vm0 =	vlt.s32 v14, $0x0;
	v14 =	vld.idx.msk [tilespmem:v21+s10+$0x0], $0xffff;
	v21 =	vadd.s32 $0x400, v24;
	vm1 =	veq.s32 v13, $0x0  }
0x17c: {  	v30 =	vld.idx.msk [tilespmem:v17+s10+$0x0], $0xffff;
	v17 =	vand.u32 v4, v22;
	v19 =	vadd.s32 $0x400, v11;
	v63 =	vnsel vm1, $0x0, v12  }
0x17d: {  	v18 =	vadd.s32 $0x400, v16;
	v22 =	vand.u32 v4, v15;
	v13 =	vxor.u32 $0x3FF, v27  }
0x17e: {  	v27 =	vsel vm2, v13, v27;
	v12 =	vxor.u32 $0x3FF, v26;
	v13 =	vshra.s32 v10, $0x15  }
0x17f: {  	v16 =	vld [tilespmem:s0+$0xFFFFFFF0];
	v12 =	vsel vm0, v12, v26;
	v11 =	vadd.s32 $0x400, v27;
	vm0 =	veq.s32 v17, $0x0  }
0x180: {  	v17 =	vld.idx.msk [tilespmem:v20+s10+$0x0], $0xffff;
	v20 =	vand.u32 v4, v23;
	v12 =	vadd.s32 $0x400, v12;
	v15 =	vnsel vm0, $0x0, v21  }
0x181: {  	s1 =	simm.s32 $0x3C;
	s2 =	simm.s32 $0xC0;
	s0 =	simm.s32 $0x0;
	vm0 =	veq.s32 v22, $0x0;
	v22 =	vand.u32 v4, v30;
	v21 =	vand.u32 v4, v29;
	[tilespmem:v63+s13+$0x0] =	vst.idx.add.s32.msk $0xffff, v5  }
.LBB2_18:
0x182: {  	v23 =	vld [tilespmem:s2+$0xFFFFFFC0];
	s3 =	sadd.s32 $0xFFFFFFE4, s1;
	s4 =	sadd.s32 $0xFFFFFFE8, s1;
	s5 =	sadd.s32 $0xFFFFFFEC, s1;
	v19 =	vnsel vm0, $0x0, v19;
	vm1 =	veq.s32 v22, $0x0;
	vm0 =	veq.s32 v21, $0x0  }
0x183: {  	s6 =	sadd.s32 $0xFFFFFFF8, s1;
	vm4 =	vlt.s32 v10, $0x0;
	v21 =	vor.u32 s3, v3;
	v22 =	vor.u32 s4, v3;
	s3 =	sadd.s32 $0xFFFFFFF0, s1;
	s4 =	sadd.s32 $0xFFFFFFF4, s1;
	v24 =	vld [tilespmem:s2+$0x30]  }
0x184: {  	s0 =	sadd.s32 $0x8, s0;
	vm2 =	veq.s32 v20, $0x0;
	v25 =	vor.u32 s3, v3;
	v26 =	vor.u32 s4, v3;
	v27 =	vld [tilespmem:s2+$0x10];
	s3 =	sadd.s32 $0xFFFFFFFC, s1  }
0x185: {  	v28 =	vor.u32 s5, v3;
	p0 =	slt.u32 s0, $0x1860;
	v18 =	vnsel vm2, $0x0, v18;
	v20 =	vld [tilespmem:s2+$0xFFFFFFD0];
	v29 =	vor.u32 s3, v3  }
0x186: {  	v32 =	vshra.s32 v16, $0x15;
	v10 =	vand.u32 v4, v17;
	v31 =	vor.u32 s6, v3;
	v30 =	vld [tilespmem:s2+$0xFFFFFFE0]  }
0x187: {  	v14 =	vand.u32 v4, v14;
	v33 =	vxor.u32 $0x3FF, v13;
	vm3 =	veq.s32 v10, $0x0;
	v17 =	vld [tilespmem:s2+$0x0]  }
0x188: {  	v34 =	vor.u32 s1, v3;
	vm5 =	vlt.s32 v16, $0x0;
	vm2 =	vlt.s32 v24, $0x0;
	[tilespmem:v19+s13+$0x0] =	vst.idx.add.s32.msk $0xffff, v5  }
0x189: {  	v19 =	vshra.s32 v24, $0x15;
	v24 =	vxor.u32 $0x3FF, v32;
	v16 =	vshra.s32 v27, $0x15;
	v10 =	vld [tilespmem:s2+$0x20]  }
0x18a: {  	vm6 =	vlt.s32 v27, $0x0;
	v35 =	vshra.s32 v20, $0x15;
	v28 =	vld.idx.msk [tilespmem:v28+s10+$0x0], $0xffff;
	v27 =	vxor.u32 $0x3FF, v16  }
0x18b: {  	v36 =	vxor.u32 $0x3FF, v19;
	v31 =	vld.idx.msk [tilespmem:v31+s10+$0x0], $0xffff;
	v27 =	vsel vm6, v27, v16;
	vm6 =	veq.s32 v14, $0x0  }
0x18c: {  	v13 =	vsel vm4, v33, v13;
	vm7 =	vlt.s32 v30, $0x0;
	v14 =	vshra.s32 v30, $0x15;
	v25 =	vld.idx.msk [tilespmem:v25+s10+$0x0], $0xffff  }
0x18d: {  	v13 =	vadd.s32 $0x400, v13;
	v16 =	vxor.u32 $0x3FF, v14;
	v30 =	vshra.s32 v17, $0x15;
	[tilespmem:v15+s13+$0x0] =	vst.idx.add.s32.msk $0xffff, v5  }
0x18e: {  	vm4 =	vlt.s32 v17, $0x0;
	v16 =	vsel vm7, v16, v14;
	v15 =	vld.idx.msk [tilespmem:v21+s10+$0x0], $0xffff;
	v21 =	vshra.s32 v23, $0x15  }
0x18f: {  	v12 =	vnsel vm1, $0x0, v12;
	vm7 =	vlt.s32 v23, $0x0;
	v14 =	vxor.u32 $0x3FF, v21;
	v23 =	vld.idx.msk [tilespmem:v34+s10+$0x0], $0xffff  }
0x190: {  	v24 =	vsel vm5, v24, v32;
	v17 =	vand.u32 v4, v28;
	v21 =	vsel vm7, v14, v21;
	v14 =	vld.idx.msk [tilespmem:v29+s10+$0x0], $0xffff  }
0x191: {  	v16 =	vadd.s32 $0x400, v16;
	v28 =	vnsel vm6, $0x0, v13;
	vm1 =	veq.s32 v17, $0x0;
	v22 =	vld.idx.msk [tilespmem:v22+s10+$0x0], $0xffff  }
0x192: {  	v32 =	vnsel vm3, $0x0, v11;
	v13 =	vxor.u32 $0x3FF, v30;
	v29 =	vnsel vm1, $0x0, v16;
	[tilespmem:v18+s13+$0x0] =	vst.idx.add.s32.msk $0xffff, v5  }
0x193: {  	v11 =	vsel vm4, v13, v30;
	v13 =	vadd.s32 $0x400, v24;
	v18 =	vsel vm2, v36, v19;
	v16 =	vld [tilespmem:s2+$0xFFFFFFF0]  }
0x194: {  	v17 =	vxor.u32 $0x3FF, v35;
	vm1 =	vlt.s32 v20, $0x0;
	v24 =	vnsel vm0, $0x0, v13;
	[tilespmem:v12+s13+$0x0] =	vst.idx.add.s32.msk $0xffff, v5  }
.Ltmp12:
0x195: {  	v20 =	vand.u32 v4, v31;
	v13 =	vshra.s32 v10, $0x15;
	v12 =	vsel vm1, v17, v35;
	v17 =	vld.idx.msk [tilespmem:v26+s10+$0x0], $0xffff;
	(pc) =	sbr.rel @p0 .LBB2_18-.Ltmp12, $4  }
0x196: {  	v19 =	vadd.s32 $0x400, v21;
	v18 =	vadd.s32 $0x400, v18;
	v12 =	vadd.s32 $0x400, v12;
	[tilespmem:v28+s13+$0x0] =	vst.idx.add.s32.msk $0xffff, v5  }
0x197: {  	v11 =	vadd.s32 $0x400, v11;
	vm0 =	veq.s32 v20, $0x0;
	v20 =	vadd.s32 $0x400, v27;
	[tilespmem:v32+s13+$0x0] =	vst.idx.add.s32.msk $0xffff, v5  }
0x198: {  	s3 =	simm.s32 $0x18680;
	v21 =	vand.u32 v4, v15;
	v15 =	vnsel vm0, $0x0, v20;
	v20 =	vand.u32 v4, v23;
	[tilespmem:v29+s13+$0x0] =	vst.idx.add.s32.msk $0xffff, v5  }
0x199: {  	s1 =	sadd.s32 $0x20, s1;
	s4 =	simm.s32 $0x61A0;
	s2 =	sadd.s32 $0x80, s2;
	vm0 =	veq.s32 v21, $0x0;
	v21 =	vand.u32 v4, v25;
	v22 =	vand.u32 v4, v22;
	[tilespmem:v24+s13+$0x0] =	vst.idx.add.s32.msk $0xffff, v5  }
0x19a: {  	v19 =	vnsel vm0, $0x0, v19;
	vm11 =	veq.s32 v22, $0x0;
	vm1 =	veq.s32 v20, $0x0  }
0x19b: {  	vm2 =	vlt.s32 v10, $0x0;
	v60 =	vshra.s32 v16, $0x15;
	v17 =	vand.u32 v4, v17  }
0x19c: {  	v14 =	vand.u32 v4, v14;
	v61 =	vxor.u32 $0x3FF, v13;
	vm12 =	vlt.s32 v16, $0x0  }
0x19d: {  	v10 =	vnsel vm1, $0x0, v18;
	v13 =	vsel vm2, v61, v13;
	v62 =	vxor.u32 $0x3FF, v60  }
0x19e: {  	vm13 =	veq.s32 v14, $0x0;
	v12 =	vnsel vm11, $0x0, v12;
	vm14 =	veq.s32 v17, $0x0  }
0x19f: {  	v13 =	vadd.s32 $0x400, v13;
	v63 =	vsel vm12, v62, v60;
	v11 =	vnsel vm14, $0x0, v11  }
0x1a0: {  	vm15 =	veq.s32 v21, $0x0;
	[tilespmem:v15+s13+$0x0] =	vst.idx.add.s32.msk $0xffff, v5;
	v13 =	vnsel vm13, $0x0, v13;
	v14 =	vadd.s32 $0x400, v63  }
0x1a1: {  	v14 =	vnsel vm15, $0x0, v14;
	[tilespmem:v19+s13+$0x0] =	vst.idx.add.s32.msk $0xffff, v5  }
0x1a2: {  	[tilespmem:v10+s13+$0x0] =	vst.idx.add.s32.msk $0xffff, v5  }
0x1a3: {  	[tilespmem:v12+s13+$0x0] =	vst.idx.add.s32.msk $0xffff, v5  }
0x1a4: {  	[tilespmem:v11+s13+$0x0] =	vst.idx.add.s32.msk $0xffff, v5  }
0x1a5: {  	[tilespmem:v13+s13+$0x0] =	vst.idx.add.s32.msk $0xffff, v5  }
0x1a6: {  	[tilespmem:v14+s13+$0x0] =	vst.idx.add.s32.msk $0xffff, v5  }
.LBB2_20:
0x1a7: {  	v10 =	vor.u32 s4, v3;
	_ =	sdelay $0x2  }
0x1a8: {  	v11 =	vld [tilespmem:s3+$0x0];
	_ =	sdelay $0x1  }
0x1a9: {  	v10 =	vld.idx.msk [tilespmem:v10+s10+$0x0], $0xffff;
	_ =	sdelay $0x2  }
0x1aa: {  	v12 =	vshra.s32 v11, $0x15  }
0x1ab: {  	vm0 =	vlt.s32 v11, $0x0;
	v11 =	vxor.u32 $0x3FF, v12  }
0x1ac: {  	v11 =	vsel vm0, v11, v12;
	v10 =	vand.u32 v4, v10  }
0x1ad: {  	vm15 =	veq.s32 v10, $0x0;
	v10 =	vadd.s32 $0x400, v11  }
0x1ae: {  	p0 =	sne.s32 s4, $0x61A4;
	v10 =	vnsel vm15, $0x0, v10  }
.Ltmp13:
0x1af: {  	_ = 	snop;
	(pc) =	sbr.rel @p0 .LBB2_20-.Ltmp13, $2  }
0x1b0: {  	_ =	sdelay $0x2  }
0x1b1: {  	s3 =	sadd.s32 $0x10, s3;
	s4 =	sadd.s32 $0x4, s4;
	[tilespmem:v10+s13+$0x0] =	vst.idx.add.s32.msk $0xffff, v5  }
0x1b2: {  	s0 =	simm.s32 $0x1F0F0  }
0x1b3: {  	v10 =	vld [tilespmem:s0+$0x0]  }
0x1b4: {  	s20 =	simm.s32 $0x1F0E0  }
0x1b5: {  	v11 =	vld [tilespmem:s20+$0x0];
	_ =	sdelay $0x2  }
0x1b6: {  	(xrf0) =	vadd.scan.msk.s32 $0xffff, v10  }
0x1b7: {  	v10 =	vperm.xlane v10, v7  }
0x1b8: {  	(xrf0) =	vadd.scan.msk.s32 $0xffff, v11  }
0x1b9: {  	(xrf0) =	vadd.scan.msk.s32 $0xffff, v10;
	_ =	sdelay $0x2  }
0x1ba: {  	v12, _, _ =	vpop (xrf0)  }
0x1bb: {  	s23 =	simm.s32 $0x1F0D0;
	(v2sf) =	vpush v12, $0xF  }
0x1bc: {  	v10 =	vld [tilespmem:s23+$0x0];
	v54, _, _ =	vpop (xrf0)  }
0x1bd: {  	s0 =	simm.s32 $0x0;
	v55, _, _ =	vpop (xrf0)  }
0x1be: {  	v12 =	vadd.s32 s0, v55  }
0x1bf: {  	vm0 =	vgt.s32 v12, $0x63  }
0x1c0: {  	v11 =	vperm.xlane v11, v7;
	(v2sf) =	vpush v54, $0xF;
	v13 =	vmctz.xlane vm0  }
0x1c1: {  	s1 =	simm.s32 $0x1F0C0;
	(xrf0) =	vadd.scan.msk.s32 $0xffff, v10  }
0x1c2: {  	v56 =	vld [tilespmem:s1+$0x0];
	(xrf0) =	vadd.scan.msk.s32 $0xffff, v11;
	v11 =	vxor.u32 $0x80000000, v13  }
0x1c3: {  	(xrf0) =	vmax.scan.msk.u32 $0xffff, v11  }
0x1c4: {  	v10 =	vperm.xlane v10, v7;
	_ =	sdelay $0x2  }
0x1c5: {  	(xrf0) =	vadd.scan.msk.s32 $0xffff, v56;
	v11, _, _ =	vpop (xrf0)  }
0x1c6: {  	(xrf0) =	vadd.scan.msk.s32 $0xffff, v10;
	v10, _, _ =	vpop (xrf0)  }
0x1c7: {  	(v2sf) =	vpush v11, $0xF;
	v11, _, _ =	vpop (xrf0)  }
0x1c8: {  	s24 =	spop (v2sf);
	(v2sf) =	vpush v11, $0xF  }
0x1c9: {  	s9 =	sadd.s32 $0x0, s24  }
0x1ca: {  	s25 =	simm.s32 $0x1F0B0;
	v10 =	vadd.s32 s9, v10  }
0x1cb: {  	vm12 =	vgt.s32 v10, $0x63;
	v10 =	vld [tilespmem:s25+$0x0]  }
0x1cc: {  	v57 =	vmctz.xlane vm12  }
0x1cd: {  	v11, _, _ =	vpop (xrf0);
	s26 =	spop (v2sf)  }
0x1ce: {  	(v2sf) =	vpush v11, $0xF;
	v58, _, _ =	vpop (xrf0);
	s1 =	sadd.s32 s9, s26;
	v11 =	vxor.u32 $0x80000000, v57  }
0x1cf: {  	v59 =	vadd.s32 s1, v58;
	(xrf0) =	vmax.scan.msk.u32 $0xffff, v11;
	v11 =	vperm.xlane v56, v7  }
0x1d0: {  	vm13 =	vgt.s32 v59, $0x63;
	(xrf0) =	vadd.scan.msk.s32 $0xffff, v10  }
0x1d1: {  	s2 =	simm.s32 $0x1F0A0;
	(xrf0) =	vadd.scan.msk.s32 $0xffff, v11;
	v11 =	vmctz.xlane vm13  }
0x1d2: {  	v60 =	vld [tilespmem:s2+$0x0]  }
0x1d3: {  	v11 =	vxor.u32 $0x80000000, v11;
	_ =	sdelay $0x2  }
0x1d4: {  	v10 =	vperm.xlane v10, v7;
	s28 =	spop (v2sf);
	(xrf0) =	vmax.scan.msk.u32 $0xffff, v11;
	v11, _, _ =	vpop (xrf0)  }
0x1d5: {  	(xrf0) =	vadd.scan.msk.s32 $0xffff, v60;
	s31 =	spop (v2sf);
	(v2sf) =	vpush v11, $0xF;
	_ =	sdelay $0x1  }
0x1d6: {  	v61, _, _ =	vpop (xrf0)  }
0x1d7: {  	s4 =	sadd.s32 s1, s28;
	(xrf0) =	vadd.scan.msk.s32 $0xffff, v10;
	v10, _, _ =	vpop (xrf0);
	(v2sf) =	vpush v61, $0xF  }
0x1d8: {  	v10 =	vadd.s32 s4, v10  }
0x1d9: {  	vm14 =	vgt.s32 v10, $0x63;
	v15, _, _ =	vpop (xrf0)  }
0x1da: {  	s30 =	simm.s32 $0x1F090;
	v14 =	vmctz.xlane vm14;
	(v2sf) =	vpush v15, $0xF;
	v16, _, _ =	vpop (xrf0)  }
0x1db: {  	s3 =	spop (v2sf);
	v10 =	vld [tilespmem:s30+$0x0];
	(v2sf) =	vpush v16, $0xF  }
0x1dc: {  	v11 =	vxor.u32 $0x80000000, v14  }
0x1dd: {  	p0 =	por $0x0, $0x0;
	(xrf0) =	vmax.scan.msk.u32 $0xffff, v11  }
0x1de: {  	s7 =	simm.s32 $0x7F0;
	s8 =	simm.s32 $0x7E0;
	s6 =	simm.s32 $0x7D0  }
0x1df: {  	s5 =	simm.s32 $0x7C0;
	s12 =	sxor.u32 $0x7FFFFFFF, s31;
	s11 =	sadd.s32 s4, s3;
	v62, _, _ =	vpop (xrf0);
	v11 =	vperm.xlane v60, v7  }
0x1e0: {  	s19 =	simm.s32 $0x790;
	s2 =	simm.s32 $0x7B0;
	s12 =	sadd.s32 $0x800, s12;
	v63 =	vadd.s32 s11, v62;
	(xrf0) =	vadd.scan.msk.s32 $0xffff, v10  }
0x1e1: {  	p1 =	sgt.s32 s9, $0x63;
	s3 =	simm.s32 $0x7A0;
	s12 =	smov.u32 @p0 s0;
	vm15 =	vgt.s32 v63, $0x63;
	(xrf0) =	vadd.scan.msk.s32 $0xffff, v11  }
0x1e2: {  	s9 =	smov.u32 s11;
	s0 =	smov.u32 @p1 s12;
	s12 =	simm.s32 $0x1F080;
	v11 =	vmctz.xlane vm15  }
.LBB2_22:
0x1e3: {  	v12 =	vld [tilespmem:s12+$0x0];
	p2 =	sne.s32 s19, $0x10;
	v13, _, _ =	vpop (xrf0);
	s20 =	spop (v2sf)  }
0x1e4: {  	p0 =	por p0, p1;
	v14 =	vxor.u32 $0x80000000, v11;
	(v2sf) =	vpush v13, $0xF;
	s20 =	sxor.u32 $0x7FFFFFFF, s20  }
0x1e5: {  	p1 =	sgt.s32 s1, $0x63;
	(xrf0) =	vmax.scan.msk.u32 $0xffff, v14;
	s20 =	sadd.s32 s20, s7;
	s7 =	smov.u32 s8  }
.Ltmp14:
0x1e6: {  	v11, _, _ =	vpop (xrf0);
	s8 =	spop (v2sf);
	s20 =	smov.u32 @p0 s0;
	(pc) =	sbr.rel @p2 .LBB2_22-.Ltmp14, $4  }
0x1e7: {  	s1 =	smov.u32 s4;
	v13 =	vperm.xlane v10, v7;
	(v2sf) =	vpush v11, $0xF;
	v10, _, _ =	vpop (xrf0);
	s11 =	sadd.s32 s11, s8;
	s0 =	smov.u32 @p1 s20  }
0x1e8: {  	s4 =	smov.u32 s9;
	s8 =	smov.u32 s6;
	(xrf0) =	vadd.scan.msk.s32 $0xffff, v12;
	v11 =	vadd.s32 s11, v10;
	v10 =	vmov v12;
	s9 =	smov.u32 s11  }
0x1e9: {  	s6 =	smov.u32 s5;
	s5 =	smov.u32 s2;
	s2 =	smov.u32 s3;
	(xrf0) =	vadd.scan.msk.s32 $0xffff, v13;
	vm0 =	vgt.s32 v11, $0x63  }
0x1ea: {  	s12 =	sadd.s32 $0xFFFFFFF0, s12;
	s3 =	smov.u32 s19;
	s19 =	sadd.s32 $0xFFFFFFF0, s19;
	v11 =	vmctz.xlane vm0  }
0x1eb: {  	_ = 	snop  }
0x1ec: {  	v10 =	vperm.xlane v10, v7;
	_ =	sdelay $0x1  }
0x1ed: {  	v11 =	vxor.u32 $0x80000000, v11  }
0x1ee: {  	(xrf0) =	vmax.scan.msk.u32 $0xffff, v11  }
0x1ef: {  	s12 =	spop (v2sf);
	(xrf0) =	vadd.scan.msk.s32 $0xffff, v10;
	v10, _, _ =	vpop (xrf0)  }
0x1f0: {  	s19 =	spop (v2sf);
	v11, _, _ =	vpop (xrf0)  }
0x1f1: {  	s11 =	sadd.s32 s11, s19;
	v12, _, _ =	vpop (xrf0)  }
0x1f2: {  	v12 =	vadd.s32 s11, v12;
	_ =	sdelay $0x1  }
0x1f3: {  	s30 =	spop (v2sf);
	vm0 =	vgt.s32 v12, $0x63  }
0x1f4: {  	v13 =	vmctz.xlane vm0;
	v12, _, _ =	vpop (xrf0);
	s20 =	spop (v2sf)  }
0x1f5: {  	v14, _, _ =	vpop (xrf0);
	s20 =	sadd.s32 s11, s20  }
0x1f6: {  	v13 =	vxor.u32 $0x80000000, v13;
	v14 =	vadd.s32 s20, v14  }
0x1f7: {  	(xrf0) =	vmax.scan.msk.u32 $0xffff, v13;
	vm0 =	vgt.s32 v14, $0x63  }
0x1f8: {  	v13 =	vmctz.xlane vm0  }
0x1f9: {  	(v2sf) =	vpush v10, $0xF  }
0x1fa: {  	(v2sf) =	vpush v11, $0xF;
	v10 =	vxor.u32 $0x80000000, v13;
	_ =	sdelay $0x1  }
0x1fb: {  	(v2sf) =	vpush v12, $0xF  }
0x1fc: {  	s12 =	sxor.u32 $0x7FFFFFFF, s12;
	(xrf0) =	vmax.scan.msk.u32 $0xffff, v10;
	v10, _, _ =	vpop (xrf0)  }
0x1fd: {  	p0 =	por p0, p1;
	s7 =	sadd.s32 s12, s7;
	(v2sf) =	vpush v10, $0xF  }
0x1fe: {  	p1 =	sgt.s32 s1, $0x63;
	s7 =	smov.u32 @p0 s0  }
0x1ff: {  	s0 =	smov.u32 @p1 s7;
	s7 =	simm.s32 $0x0  }
0x200: {  	v18 =	vor.u32 s7, v3;
	_ =	sdelay $0x1  }
0x201: {  	v10, _, _ =	vpop (xrf0)  }
0x202: {  	(v2sf) =	vpush v10, $0xF  }
0x203: {  	p0 =	por p0, p1;
	s31 =	sxor.u32 $0x7FFFFFFF, s30  }
0x204: {  	p1 =	sgt.s32 s4, $0x63;
	s1 =	sadd.s32 s31, s8;
	s31 =	simm.s32 $0x40;
	v18 =	vld.idx.msk [tilespmem:v18+s10+$0x0], $0xffff  }
0x205: {  	s8 =	simm.s32 $0x4;
	s1 =	smov.u32 @p0 s0;
	p0 =	por p0, p1;
	v11 =	vld [tilespmem:s31+$0x10]  }
0x206: {  	v12 =	vld [tilespmem:s31+$0xFFFFFFF0];
	v19 =	vor.u32 s8, v3;
	s0 =	smov.u32 @p1 s1;
	p1 =	sgt.s32 s9, $0x63;
	s12 =	spop (v2sf)  }
0x207: {  	v15 =	vld [tilespmem:s31+$0x20];
	s9 =	simm.s32 $0xC;
	s19 =	sxor.u32 $0x7FFFFFFF, s12;
	s23 =	spop (v2sf)  }
0x208: {  	v17 =	vld [tilespmem:s31+$0xFFFFFFE0];
	s12 =	simm.s32 $0x18;
	s1 =	sadd.s32 s19, s6;
	s6 =	simm.s32 $0x14  }
0x209: {  	v20 =	vld [tilespmem:s31+$0xFFFFFFC0];
	v21 =	vor.u32 s9, v3;
	s19 =	simm.s32 $0x8;
	s1 =	smov.u32 @p0 s0;
	s24 =	spop (v2sf)  }
0x20a: {  	v24 =	vimm.s32 $0xFFFFFFFF;
	v14 =	vld [tilespmem:s31+$0x30];
	v18 =	vand.u32 v4, v18;
	v23 =	vor.u32 s12, v3;
	p0 =	por p0, p1;
	s0 =	smov.u32 @p1 s1;
	s25 =	sxor.u32 $0x7FFFFFFF, s24  }
0x20b: {  	vm0 =	vlt.s32 v11, $0x0;
	v27 =	vxor.u32 $0x7FFFFFFF, v11;
	v19 =	vld.idx.msk [tilespmem:v19+s10+$0x0], $0xffff;
	v16 =	vor.u32 s6, v3;
	p1 =	sgt.s32 s11, $0x63;
	s1 =	sadd.s32 s25, s5;
	s26 =	spop (v2sf)  }
0x20c: {  	v25 =	vld [tilespmem:s31+$0xFFFFFFD0];
	vm1 =	vlt.s32 v12, $0x0;
	v11 =	vsel vm0, v27, v11;
	v26 =	vor.u32 s19, v3;
	s11 =	simm.s32 $0x10;
	s1 =	smov.u32 @p0 s0;
	s5 =	sxor.u32 $0x7FFFFFFF, s26  }
0x20d: {  	v28 =	vld [tilespmem:s31+$0x0];
	v27 =	vxor.u32 $0x7FFFFFFF, v12;
	vm0 =	vlt.s32 v15, $0x0;
	v22 =	vor.u32 s11, v3;
	s0 =	smov.u32 @p1 s1;
	s1 =	sadd.s32 s5, s2;
	s5 =	simm.s32 $0x1C  }
0x20e: {  	v27 =	vsel vm1, v27, v12;
	v12 =	vxor.u32 $0x7FFFFFFF, v15;
	v21 =	vld.idx.msk [tilespmem:v21+s10+$0x0], $0xffff;
	v13 =	vor.u32 s5, v3  }
0x20f: {  	s31 =	simm.s32 $0x0;
	vm1 =	vlt.s32 v14, $0x0;
	v12 =	vsel vm0, v12, v15;
	v15 =	vxor.u32 $0x7FFFFFFF, v14;
	v23 =	vld.idx.msk [tilespmem:v23+s10+$0x0], $0xffff  }
0x210: {  	v34 =	vor.u32 s31, v2;
	v14 =	vsel vm1, v15, v14;
	v19 =	vand.u32 v4, v19;
	v16 =	vld.idx.msk [tilespmem:v16+s10+$0x0], $0xffff  }
0x211: {  	v15 =	vxor.u32 $0x7FFFFFFF, v20;
	vm1 =	vlt.s32 v20, $0x0;
	s4 =	sadd.s32 s20, s23;
	vm2 =	veq.s32 v19, $0x0;
	v19 =	vld.idx.msk [tilespmem:v26+s10+$0x0], $0xffff;
	p0 =	por p0, p1;
	s28 =	spop (v2sf)  }
0x212: {  	v29 =	vxor.u32 $0x7FFFFFFF, v25;
	vm0 =	vlt.s32 v25, $0x0;
	v15 =	vsel vm1, v15, v20;
	p1 =	sgt.s32 s20, $0x63;
	v20 =	vld.idx.msk [tilespmem:v22+s10+$0x0], $0xffff;
	s1 =	smov.u32 @p0 s0;
	s30 =	sxor.u32 $0x7FFFFFFF, s28  }
0x213: {  	v30 =	vxor.u32 $0x7FFFFFFF, v17;
	v25 =	vsel vm0, v29, v25;
	vm0 =	vlt.s32 v17, $0x0;
	p0 =	por p0, p1;
	s0 =	smov.u32 @p1 s1;
	s1 =	sadd.s32 s30, s3;
	v13 =	vld.idx.msk [tilespmem:v13+s10+$0x0], $0xffff  }
0x214: {  	vm1 =	vlt.s32 v28, $0x0;
	v17 =	vsel vm0, v30, v17;
	s25 =	simm.s32 $0x10;
	v22 =	vxor.u32 $0x7FFFFFFF, v28;
	p1 =	sgt.s32 s4, $0x63;
	s1 =	smov.u32 @p0 s0  }
0x215: {  	v29 =	vor.u32 s25, v2;
	v22 =	vsel vm1, v22, v28;
	v16 =	vand.u32 v4, v16;
	s0 =	smov.u32 @p1 s1  }
0x216: {  	vm1 =	veq.s32 v18, $0x0;
	v18 =	vand.u32 v4, v19;
	vm3 =	veq.s32 v16, $0x0;
	s0 =	sshll.u32 s0, $0x15  }
0x217: {  	v16 =	vand.u32 v4, v23;
	v23 =	vand.u32 v4, v21;
	v21 =	vnsel vm1, $0x80000000, v15;
	s0 =	sxor.u32 $0x80000000, s0  }
0x218: {  	v20 =	vand.u32 v4, v20;
	v10 =	vmov s0;
	v13 =	vand.u32 v4, v13  }
0x219: {  	vm6 =	veq.s32 v23, $0x0;
	s28 =	simm.s32 $0x20;
	vm5 =	vge.s32 v21, v10;
	vm0 =	veq.s32 v13, $0x0  }
0x21a: {  	v28 =	vor.u32 s28, v2;
	v19 =	vmpcnt.ones.xlane vm5;
	v13 =	vnsel vm0, $0x80000000, v14  }
0x21b: {  	vm0 =	veq.s32 v16, $0x0;
	v16 =	vnsel vm2, $0x80000000, v25;
	v14 =	vnsel vm3, $0x80000000, v11  }
0x21c: {  	vm3 =	veq.s32 v18, $0x0;
	v18 =	vsel vm5, $0x1, v0;
	vm2 =	vge.s32 v14, v10  }
0x21d: {  	v33 =	vadd.s32 v24, v19;
	v12 =	vnsel vm0, $0x80000000, v12;
	v15 =	vsel vm2, $0x1, v0  }
0x21e: {  	vm4 =	vge.s32 v16, v10;
	vm0 =	veq.s32 v20, $0x0;
	vm1 =	vge.s32 v12, v10;
	(xrf0) =	vadd.scan.msk.s32 $0xffff, v15  }
0x21f: {  	v20 =	vnsel vm3, $0x80000000, v17;
	v15 =	vnsel vm6, $0x80000000, v27;
	v17 =	vsel vm1, $0x1, v0;
	(xrf0) =	vadd.scan.msk.s32 $0xffff, v18  }
0x220: {  	vm7 =	vge.s32 v13, v10;
	v18 =	vsel vm4, $0x1, v0;
	vm3 =	vge.s32 v15, v10;
	(xrf0) =	vadd.scan.msk.s32 $0xffff, v17  }
0x221: {  	v11 =	vnsel vm0, $0x80000000, v22;
	vm6 =	vge.s32 v20, v10;
	v17 =	vsel vm3, $0x1, v0;
	(xrf0) =	vadd.scan.msk.s32 $0xffff, v18  }
0x222: {  	v22 =	vmpcnt.ones.xlane vm4;
	vm0 =	vge.s32 v11, v10;
	v18 =	vsel vm6, $0x1, v0;
	(xrf0) =	vadd.scan.msk.s32 $0xffff, v17  }
0x223: {  	v31 =	vmpcnt.ones.xlane vm2;
	v19 =	vsel vm0, $0x1, v0;
	v25 =	vmpcnt.ones.xlane vm6;
	(xrf0) =	vadd.scan.msk.s32 $0xffff, v18  }
0x224: {  	v62 =	vsel vm7, $0x1, v0;
	v30 =	vadd.s32 v33, v22;
	v23 =	vmpcnt.ones.xlane vm3;
	v32, _, _ =	vpop (xrf0);
	(xrf0) =	vadd.scan.msk.s32 $0xffff, v19  }
0x225: {  	s24 =	simm.s32 $0x70;
	s20 =	simm.s32 $0x40;
	v27 =	vmpcnt.ones.xlane vm1;
	v35 =	vmpcnt.ones.xlane vm0;
	v37 =	vadd.s32 v30, v25;
	v38, _, _ =	vpop (xrf0)  }
0x226: {  	s23 =	simm.s32 $0x60;
	s30 =	simm.s32 $0x50;
	v22 =	vor.u32 s24, v2;
	v17 =	vor.u32 s20, v2;
	v25 =	vadd.s32 v37, v23;
	v26, _, _ =	vpop (xrf0)  }
0x227: {  	s26 =	simm.s32 $0x30;
	v23 =	vor.u32 s30, v2;
	v18 =	vor.u32 s23, v2;
	v36 =	vadd.s32 v25, v35;
	v61, _, _ =	vpop (xrf0)  }
0x228: {  	v19 =	vor.u32 s26, v2;
	v24 =	vadd.s32 v24, v38;
	v38 =	vadd.s32 v33, v61;
	v63, _, _ =	vpop (xrf0)  }
0x229: {  	s7 =	simm.s32 $0x80;
	(xrf0) =	vadd.scan.msk.s32 $0xffff, v62;
	vm8 =	vlt.s32 v24, $0x2FF;
	vm9 =	vlt.s32 v38, $0x2FF;
	v33 =	vadd.s32 v37, v63;
	v39, _, _ =	vpop (xrf0)  }
0x22a: {  	s4 =	simm.s32 $0x3C;
	s0 =	simm.s32 $0x0;
	s20 =	simm.s32 $0xC0;
	v37 =	vnsel vm8, $0x2FF, v24;
	v24 =	vmpcnt.ones.xlane vm7;
	vm8 =	vlt.s32 v33, $0x2FF;
	v35, _, _ =	vpop (xrf0)  }
.LBB2_24:
0x22b: {  	s1 =	sadd.s32 $0xFFFFFFE4, s4;
	s2 =	sadd.s32 $0xFFFFFFE8, s4;
	s3 =	sadd.s32 $0xFFFFFFEC, s4;
	v40 =	vld [tilespmem:s20+$0x10];
	v41 =	vor.u32 s4, v3;
	v38 =	vnsel vm9, $0x2FF, v38;
	v30 =	vadd.s32 v30, v39  }
0x22c: {  	s5 =	sadd.s32 $0xFFFFFFF8, s4;
	v39 =	vor.u32 s1, v3;
	v42 =	vor.u32 s2, v3;
	v43 =	vld [tilespmem:s20+$0xFFFFFFF0];
	s1 =	sadd.s32 $0xFFFFFFF0, s4;
	s2 =	sadd.s32 $0xFFFFFFF4, s4;
	vm9 =	vlt.s32 v30, $0x2FF  }
0x22d: {  	s0 =	sadd.s32 $0x8, s0;
	v31 =	vadd.s32 v36, v31;
	v44 =	vor.u32 s1, v3;
	v45 =	vor.u32 s2, v3;
	s1 =	sadd.s32 $0xFFFFFFFC, s4;
	v46 =	vld [tilespmem:s20+$0x30]  }
0x22e: {  	v47 =	vor.u32 s5, v3;
	p0 =	slt.u32 s0, $0x1860;
	v30 =	vnsel vm9, $0x2FF, v30;
	v48 =	vld [tilespmem:s20+$0x20];
	v49 =	vor.u32 s1, v3  }
0x22f: {  	v51 =	vor.u32 s3, v3;
	v27 =	vadd.s32 v31, v27;
	v50 =	vld [tilespmem:s20+$0xFFFFFFE0];
	[tilespmem:v37+s14+$0x0] =	vst.idx.msk vm5, v21;
	v21 =	vadd.s32 v36, v32;
	v32, _, _ =	vpop (xrf0)  }
0x230: {  	v36 =	vld [tilespmem:s20+$0xFFFFFFC0];
	vm9 =	vlt.s32 v40, $0x0;
	v52 =	vxor.u32 $0x7FFFFFFF, v40;
	[tilespmem:v37+s15+$0x0] =	vst.idx.msk vm5, v34;
	v32 =	vadd.s32 v27, v32  }
0x231: {  	v34 =	vld [tilespmem:s20+$0xFFFFFFD0];
	vm5 =	vlt.s32 v43, $0x0;
	v37 =	vsel vm9, v52, v40;
	[tilespmem:v38+s14+$0x0] =	vst.idx.msk vm4, v16;
	vm9 =	vlt.s32 v32, $0x2FF  }
0x232: {  	v16 =	vxor.u32 $0x7FFFFFFF, v43;
	v40 =	vld.idx.msk [tilespmem:v41+s10+$0x0], $0xffff;
	[tilespmem:v38+s15+$0x0] =	vst.idx.msk vm4, v29;
	vm4 =	vlt.s32 v21, $0x2FF;
	v29 =	vnsel vm9, $0x2FF, v32  }
0x233: {  	v32 =	vsel vm5, v16, v43;
	v16 =	vld [tilespmem:s20+$0x0];
	vm5 =	vlt.s32 v48, $0x0;
	[tilespmem:v30+s14+$0x0] =	vst.idx.msk vm6, v20;
	v20 =	vnsel vm4, $0x2FF, v21  }
0x234: {  	v25 =	vadd.s32 v25, v35;
	v21 =	vxor.u32 $0x7FFFFFFF, v48;
	vm4 =	vlt.s32 v46, $0x0;
	v38 =	vld.idx.msk [tilespmem:v51+s10+$0x0], $0xffff;
	[tilespmem:v30+s15+$0x0] =	vst.idx.msk vm6, v28  }
0x235: {  	v33 =	vnsel vm8, $0x2FF, v33;
	v21 =	vsel vm5, v21, v48;
	v30 =	vxor.u32 $0x7FFFFFFF, v46;
	v28 =	vld.idx.msk [tilespmem:v47+s10+$0x0], $0xffff  }
0x236: {  	v26 =	vadd.s32 v31, v26;
	v30 =	vsel vm4, v30, v46;
	vm5 =	vlt.s32 v34, $0x0;
	v35 =	vld.idx.msk [tilespmem:v42+s10+$0x0], $0xffff  }
0x237: {  	v31 =	vxor.u32 $0x7FFFFFFF, v36;
	vm4 =	vlt.s32 v26, $0x2FF;
	v41 =	vxor.u32 $0x7FFFFFFF, v34;
	v42 =	vld.idx.msk [tilespmem:v49+s10+$0x0], $0xffff;
	[tilespmem:v29+s14+$0x0] =	vst.idx.msk vm7, v13  }
0x238: {  	vm6 =	vlt.s32 v36, $0x0;
	v13 =	vxor.u32 $0x7FFFFFFF, v50;
	v39 =	vld.idx.msk [tilespmem:v39+s10+$0x0], $0xffff;
	[tilespmem:v20+s14+$0x0] =	vst.idx.msk vm2, v14;
	v14 =	vnsel vm4, $0x2FF, v26  }
0x239: {  	v26 =	vsel vm5, v41, v34;
	vm4 =	vlt.s32 v50, $0x0;
	vm5 =	vlt.s32 v25, $0x2FF;
	v34 =	vld.idx.msk [tilespmem:v44+s10+$0x0], $0xffff;
	[tilespmem:v20+s15+$0x0] =	vst.idx.msk vm2, v23  }
0x23a: {  	v20 =	vsel vm6, v31, v36;
	vm2 =	vlt.s32 v16, $0x0;
	v25 =	vnsel vm5, $0x2FF, v25;
	v23 =	vld.idx.msk [tilespmem:v45+s10+$0x0], $0xffff;
	[tilespmem:v29+s15+$0x0] =	vst.idx.msk vm7, v22  }
0x23b: {  	v22 =	vxor.u32 $0x7FFFFFFF, v16;
	v28 =	vand.u32 v4, v28;
	v29 =	vand.u32 v4, v40  }
0x23c: {  	v31 =	vand.u32 v4, v35;
	v35 =	vsel vm4, v13, v50;
	vm4 =	veq.s32 v29, $0x0;
	[tilespmem:v33+s14+$0x0] =	vst.idx.msk vm3, v15  }
0x23d: {  	v24 =	vadd.s32 v27, v24;
	vm6 =	veq.s32 v28, $0x0;
	vm5 =	veq.s32 v31, $0x0;
	[tilespmem:v14+s14+$0x0] =	vst.idx.msk vm1, v12  }
0x23e: {  	v15 =	vsel vm2, v22, v16;
	v13 =	vnsel vm4, $0x80000000, v30;
	v12 =	vand.u32 v4, v42;
	[tilespmem:v14+s15+$0x0] =	vst.idx.msk vm1, v18  }
0x23f: {  	v18 =	vand.u32 v4, v39;
	v22 =	vand.u32 v4, v34;
	vm1 =	veq.s32 v12, $0x0;
	[tilespmem:v33+s15+$0x0] =	vst.idx.msk vm3, v19  }
0x240: {  	v16 =	vnsel vm5, $0x80000000, v26;
	v14 =	vnsel vm6, $0x80000000, v37;
	v19 =	vand.u32 v4, v23;
	[tilespmem:v25+s14+$0x0] =	vst.idx.msk vm0, v11  }
0x241: {  	vm4 =	vge.s32 v16, v10;
	vm2 =	vge.s32 v14, v10;
	v12 =	vnsel vm1, $0x80000000, v21;
	[tilespmem:v25+s15+$0x0] =	vst.idx.msk vm0, v17  }
0x242: {  	vm1 =	veq.s32 v19, $0x0;
	vm0 =	veq.s32 v18, $0x0;
	v17 =	vsel vm2, $0x1, v0  }
0x243: {  	v18 =	vand.u32 v4, v38;
	v21 =	vnsel vm0, $0x80000000, v20  }
0x244: {  	v11 =	vnsel vm1, $0x80000000, v15;
	vm1 =	vge.s32 v12, v10;
	vm5 =	vge.s32 v21, v10  }
0x245: {  	v19 =	vmpcnt.ones.xlane vm4;
	vm3 =	veq.s32 v18, $0x0;
	v15 =	vmpcnt.ones.xlane vm5;
	(xrf0) =	vadd.scan.msk.s32 $0xffff, v17  }
0x246: {  	vm6 =	veq.s32 v22, $0x0;
	vm0 =	vge.s32 v11, v10;
	v17 =	vsel vm5, $0x1, v0  }
0x247: {  	v20 =	vnsel vm3, $0x80000000, v35;
	v33 =	vadd.s32 v24, v15;
	v15 =	vnsel vm6, $0x80000000, v32  }
0x248: {  	v18 =	vsel vm4, $0x1, v0;
	v30 =	vadd.s32 v33, v19;
	v19 =	vsel vm1, $0x1, v0;
	(xrf0) =	vadd.scan.msk.s32 $0xffff, v17  }
0x249: {  	v23 =	vsel vm0, $0x1, v0;
	vm6 =	vge.s32 v20, v10;
	vm3 =	vge.s32 v15, v10;
	(xrf0) =	vadd.scan.msk.s32 $0xffff, v19  }
0x24a: {  	v31 =	vmpcnt.ones.xlane vm2;
	v17 =	vsel vm6, $0x1, v0;
	v19 =	vsel vm3, $0x1, v0;
	(xrf0) =	vadd.scan.msk.s32 $0xffff, v18  }
0x24b: {  	v27 =	vmpcnt.ones.xlane vm1;
	v25 =	vmpcnt.ones.xlane vm3;
	(xrf0) =	vadd.scan.msk.s32 $0xffff, v19;
	v32, _, _ =	vpop (xrf0)  }
0x24c: {  	s3 =	sadd.s32 $0x70, s7;
	s2 =	sadd.s32 $0x60, s7;
	s1 =	sadd.s32 $0x40, s7;
	v35 =	vmpcnt.ones.xlane vm0;
	v19 =	vmpcnt.ones.xlane vm6;
	(xrf0) =	vadd.scan.msk.s32 $0xffff, v17  }
0x24d: {  	s6 =	sadd.s32 $0x30, s7;
	s5 =	sadd.s32 $0x10, s7;
	v22 =	vor.u32 s3, v2;
	v18 =	vor.u32 s2, v2;
	v17 =	vor.u32 s1, v2;
	(xrf0) =	vadd.scan.msk.s32 $0xffff, v23  }
0x24e: {  	v29 =	vor.u32 s5, v2;
	s2 =	sadd.s32 $0x50, s7;
	s1 =	sadd.s32 $0x20, s7;
	v37 =	vadd.s32 v30, v19;
	v19 =	vor.u32 s6, v2;
	v38, _, _ =	vpop (xrf0)  }
.Ltmp15:
0x24f: {  	v28 =	vor.u32 s1, v2;
	v23 =	vor.u32 s2, v2;
	v25 =	vadd.s32 v37, v25;
	v26, _, _ =	vpop (xrf0);
	(pc) =	sbr.rel @p0 .LBB2_24-.Ltmp15, $4  }
0x250: {  	vm7 =	vge.s32 v13, v10;
	v34 =	vor.u32 s7, v2;
	v36 =	vadd.s32 v25, v35;
	v35, _, _ =	vpop (xrf0)  }
0x251: {  	v40 =	vsel vm7, $0x1, v0;
	v24 =	vadd.s32 v24, v38;
	v38 =	vadd.s32 v33, v35;
	v33, _, _ =	vpop (xrf0)  }
0x252: {  	s1 =	simm.s32 $0x18680;
	s2 =	simm.s32 $0x61A0;
	vm8 =	vlt.s32 v24, $0x2FF;
	vm9 =	vlt.s32 v38, $0x2FF;
	v33 =	vadd.s32 v37, v33;
	v39, _, _ =	vpop (xrf0);
	(xrf0) =	vadd.scan.msk.s32 $0xffff, v40  }
0x253: {  	s4 =	sadd.s32 $0x20, s4;
	s20 =	sadd.s32 $0x80, s20;
	s7 =	sadd.s32 $0x80, s7;
	v37 =	vnsel vm8, $0x2FF, v24;
	v24 =	vmpcnt.ones.xlane vm7;
	vm8 =	vlt.s32 v33, $0x2FF;
	v35, _, _ =	vpop (xrf0)  }
0x254: {  	_ =	sdelay $0x1  }
0x255: {  	v38 =	vnsel vm9, $0x2FF, v38  }
0x256: {  	v60 =	vnsel vm8, $0x2FF, v33  }
0x257: {  	v30 =	vadd.s32 v30, v39  }
0x258: {  	[tilespmem:v37+s14+$0x0] =	vst.idx.msk vm5, v21;
	v56 =	vadd.s32 v36, v32;
	vm15 =	vlt.s32 v30, $0x2FF  }
0x259: {  	[tilespmem:v37+s15+$0x0] =	vst.idx.msk vm5, v34;
	vm13 =	vlt.s32 v56, $0x2FF;
	v30 =	vnsel vm15, $0x2FF, v30  }
0x25a: {  	v31 =	vadd.s32 v36, v31;
	v58 =	vnsel vm13, $0x2FF, v56;
	[tilespmem:v38+s14+$0x0] =	vst.idx.msk vm4, v16  }
0x25b: {  	v59 =	vadd.s32 v31, v26;
	[tilespmem:v60+s14+$0x0] =	vst.idx.msk vm3, v15  }
0x25c: {  	v62 =	vadd.s32 v25, v35;
	vm14 =	vlt.s32 v59, $0x2FF;
	[tilespmem:v38+s15+$0x0] =	vst.idx.msk vm4, v29  }
0x25d: {  	vm15 =	vlt.s32 v62, $0x2FF;
	v61 =	vnsel vm14, $0x2FF, v59;
	[tilespmem:v60+s15+$0x0] =	vst.idx.msk vm3, v19  }
0x25e: {  	v27 =	vadd.s32 v31, v27;
	v63 =	vnsel vm15, $0x2FF, v62;
	v55, _, _ =	vpop (xrf0);
	[tilespmem:v30+s14+$0x0] =	vst.idx.msk vm6, v20  }
0x25f: {  	v39 =	vadd.s32 v27, v55;
	[tilespmem:v58+s14+$0x0] =	vst.idx.msk vm2, v14  }
0x260: {  	vm12 =	vlt.s32 v39, $0x2FF;
	[tilespmem:v30+s15+$0x0] =	vst.idx.msk vm6, v28  }
0x261: {  	v57 =	vnsel vm12, $0x2FF, v39;
	[tilespmem:v58+s15+$0x0] =	vst.idx.msk vm2, v23  }
0x262: {  	[tilespmem:v61+s14+$0x0] =	vst.idx.msk vm1, v12  }
0x263: {  	[tilespmem:v63+s14+$0x0] =	vst.idx.msk vm0, v11  }
0x264: {  	[tilespmem:v61+s15+$0x0] =	vst.idx.msk vm1, v18  }
0x265: {  	[tilespmem:v63+s15+$0x0] =	vst.idx.msk vm0, v17  }
0x266: {  	[tilespmem:v57+s14+$0x0] =	vst.idx.msk vm7, v13  }
0x267: {  	s0 =	simm.s32 $0x18680;
	v11 =	vadd.s32 v27, v24;
	[tilespmem:v57+s15+$0x0] =	vst.idx.msk vm7, v22  }
.LBB2_26:
0x268: {  	v12 =	vor.u32 s2, v3;
	_ =	sdelay $0x3  }
0x269: {  	v13 =	vld [tilespmem:s1+$0x0]  }
0x26a: {  	v12 =	vld.idx.msk [tilespmem:v12+s10+$0x0], $0xffff;
	_ =	sdelay $0x4  }
0x26b: {  	vm0 =	vlt.s32 v13, $0x0;
	v14 =	vxor.u32 $0x7FFFFFFF, v13;
	v12 =	vand.u32 v4, v12  }
0x26c: {  	v13 =	vsel vm0, v14, v13;
	vm15 =	veq.s32 v12, $0x0  }
0x26d: {  	v12 =	vnsel vm15, $0x80000000, v13  }
0x26e: {  	vm0 =	vge.s32 v12, v10  }
0x26f: {  	v61 =	vsel vm0, $0x1, v0  }
0x270: {  	(xrf0) =	vadd.scan.msk.s32 $0xffff, v61;
	_ =	sdelay $0x5  }
0x271: {  	v13, _, _ =	vpop (xrf0)  }
0x272: {  	v13 =	vadd.s32 v11, v13  }
0x273: {  	vm1 =	vlt.s32 v13, $0x2FF  }
0x274: {  	v13 =	vnsel vm1, $0x2FF, v13  }
0x275: {  	p0 =	sne.s32 s0, $0x18690  }
.Ltmp16:
0x276: {  	_ = 	snop;
	(pc) =	sbr.rel @p0 .LBB2_26-.Ltmp16, $4  }
0x277: {  	_ = 	snop  }
0x278: {  	v62 =	vmpcnt.ones.xlane vm0  }
0x279: {  	v63 =	vor.u32 s0, v2;
	[tilespmem:v13+s14+$0x0] =	vst.idx.msk vm0, v12  }
0x27a: {  	s2 =	sadd.s32 $0x4, s2;
	s1 =	sadd.s32 $0x10, s1;
	s0 =	sadd.s32 $0x10, s0;
	v11 =	vadd.s32 v11, v62;
	[tilespmem:v13+s15+$0x0] =	vst.idx.msk vm0, v63  }
0x27b: {  	v10 =	vxor.u32 $0x80000000, v11  }
0x27c: {  	(xrf0) =	vmax.scan.msk.u32 $0xffff, v10;
	_ =	sdelay $0x5  }
0x27d: {  	v10, _, _ =	vpop (xrf0)  }
0x27e: {  	(v2sf) =	vpush v10, $0xF;
	_ =	sdelay $0xe  }
0x27f: {  	s2 =	spop (v2sf)  }
.LBB2_28:
0x280: {  	s0 =	sadd.s32 $0x80000001, s2  }
0x281: {  	p0 =	slt.s32 s0, $0x2F0  }
0x282: {  	s0 =	simm.s32 @!p0 $0x2F0  }
0x283: {  	[tilespmem:s0+$0x1F100] =	vst v8  }
0x284: {  	s1 =	simm.s32 $0x1E940;
	[tilespmem:s0+$0x1F400] =	vst v9  }
0x285: {  	[tilespmem:s1+$0xFFFFFFC0] =	vst v0  }
0x286: {  	[tilespmem:s1+$0x30] =	vst v0  }
0x287: {  	[tilespmem:s1+$0x20] =	vst v0  }
0x288: {  	[tilespmem:s1+$0x10] =	vst v0  }
0x289: {  	[tilespmem:s1+$0x0] =	vst v0  }
0x28a: {  	[tilespmem:s1+$0xFFFFFFF0] =	vst v0  }
0x28b: {  	s2 =	simm.s32 $0x0;
	[tilespmem:s1+$0xFFFFFFE0] =	vst v0  }
.LBB2_29:
0x28c: {  	s2 =	sadd.s32 $0x8, s2;
	[tilespmem:s1+$0xFFFFFFD0] =	vst v0;
	s1 =	sadd.s32 $0x80, s1  }
0x28d: {  	[tilespmem:s1+$0xFFFFFFC0] =	vst v0;
	p0 =	slt.u32 s2, $0x78  }
0x28e: {  	[tilespmem:s1+$0x30] =	vst v0  }
.Ltmp17:
0x28f: {  	[tilespmem:s1+$0x20] =	vst v0;
	(pc) =	sbr.rel @p0 .LBB2_29-.Ltmp17, $4  }
0x290: {  	[tilespmem:s1+$0x10] =	vst v0  }
0x291: {  	[tilespmem:s1+$0x0] =	vst v0  }
0x292: {  	[tilespmem:s1+$0xFFFFFFF0] =	vst v0  }
0x293: {  	[tilespmem:s1+$0xFFFFFFE0] =	vst v0  }
0x294: {  	s0 =	sadd.s32 $0xF, s0  }
0x295: {  	s24 =	sshra.s32 s0, $0x4  }
0x296: {  	p0 =	sgt.s32 s24, $0x0  }
.Ltmp18:
0x297: {  	_ = 	snop;
	(pc) =	sbr.rel @!p0 .LBB2_34-.Ltmp18, $2  }
0x298: {  	_ =	sdelay $0x2  }
0x299: {  	[tilespmem:s1+$0xFFFFFFD0] =	vst v0;
	s0 =	simm.s32 $0x1F100  }
0x29a: {  	p0 =	sne.s32 s24, $0x1  }
.Ltmp19:
0x29b: {  	_ = 	snop;
	(pc) =	sbr.rel @!p0 .LBB2_33-.Ltmp19, $2  }
0x29c: {  	_ =	sdelay $0x2  }
0x29d: {  	v10 =	vld [tilespmem:s0+$0x0];
	s1 =	sadd.s32 $0xFFFFFFFF, s24  }
.LBB2_32:
0x29e: {  	p0 =	sne.s32 s1, $0x1;
	_ =	sdelay $0x3  }
0x29f: {  	v10 =	vshra.s32 v10, $0x15  }
0x2a0: {  	v10 =	vadd.s32 $0x400, v10;
	_ =	sdelay $0x1  }
.Ltmp20:
0x2a1: {  	(pc) =	sbr.rel @p0 .LBB2_32-.Ltmp20, $3  }
0x2a2: {  	_ =	sdelay $0x1  }
0x2a3: {  	s0 =	sadd.s32 $0x10, s0;
	[tilespmem:v10+s13+$0x0] =	vst.idx.add.s32.msk $0xffff, v5  }
0x2a4: {  	s1 =	sadd.s32 $0xFFFFFFFF, s1;
	v10 =	vld [tilespmem:s0+$0x0]  }
.LBB2_33:
0x2a5: {  	_ =	sdelay $0x3  }
0x2a6: {  	v10 =	vshra.s32 v10, $0x15  }
0x2a7: {  	v10 =	vadd.s32 $0x400, v10;
	_ =	sdelay $0x4  }
0x2a8: {  	[tilespmem:v10+s13+$0x0] =	vst.idx.add.s32.msk $0xffff, v5  }
.LBB2_34:
0x2a9: {  	s0 =	simm.s32 $0x1F0F0  }
0x2aa: {  	p0 =	por $0x0, $0x0;
	v10 =	vld [tilespmem:s0+$0x0]  }
.Ltmp21:
0x2ab: {  	_ = 	snop;
	(pc) =	sbr.rel @p0 .LBB2_35-.Ltmp21, $4  }
0x2ac: {  	_ = 	snop  }
0x2ad: {  	s25 =	simm.s32 $0x0  }
0x2ae: {  	p5 =	por $0x0, $0x0;
	s26 =	simm.s32 $0x800;
	s28 =	simm.s32 $0x7F0  }
0x2af: {  	p2 =	por $0x0, $0x0;
	[dreg:$0x8] =	wrdreg s21;
	s0 =	simm.s32 $0x1F0E0;
	(xrf0) =	vadd.scan.msk.s32 $0xffff, v10  }
0x2b0: {  	v13 =	vld [tilespmem:s0+$0x0]  }
0x2b1: {  	p0 =	por $0x0, $0x0  }
.Ltmp22:
0x2b2: {  	_ = 	snop;
	(pc) =	sbr.rel @p0 .LBB2_37-.Ltmp22, $4  }
0x2b3: {  	_ = 	snop  }
0x2b4: {  	v10 =	vperm.xlane v10, v7  }
0x2b5: {  	v11, _, _ =	vpop (xrf0);
	(xrf0) =	vadd.scan.msk.s32 $0xffff, v13  }
0x2b6: {  	s0 =	simm.s32 $0x1F0D0;
	s31 =	simm.s32 $0x7E0;
	(v2sf) =	vpush v11, $0xF;
	(xrf0) =	vadd.scan.msk.s32 $0xffff, v10  }
0x2b7: {  	_ =	sdelay $0x1  }
0x2b8: {  	v11 =	vld [tilespmem:s0+$0x0]  }
0x2b9: {  	p0 =	por $0x0, $0x0  }
.Ltmp23:
0x2ba: {  	v10, _, _ =	vpop (xrf0);
	(pc) =	sbr.rel @p0 .LBB2_39-.Ltmp23, $4  }
0x2bb: {  	v12, _, _ =	vpop (xrf0)  }
0x2bc: {  	v13 =	vperm.xlane v13, v7;
	v12 =	vadd.s32 s25, v12  }
0x2bd: {  	(xrf0) =	vadd.scan.msk.s32 $0xffff, v11;
	vm0 =	vgt.s32 v12, $0x63  }
0x2be: {  	s0 =	simm.s32 $0x1F0C0;
	s4 =	simm.s32 $0x7D0;
	(v2sf) =	vpush v10, $0xF;
	(xrf0) =	vadd.scan.msk.s32 $0xffff, v13;
	v12 =	vmctz.xlane vm0  }
0x2bf: {  	_ =	sdelay $0x2  }
0x2c0: {  	v10 =	vld [tilespmem:s0+$0x0]  }
0x2c1: {  	p0 =	por $0x0, $0x0  }
.Ltmp24:
0x2c2: {  	v13, _, _ =	vpop (xrf0);
	s30 =	spop (v2sf);
	(pc) =	sbr.rel @p0 .LBB2_41-.Ltmp24, $4  }
0x2c3: {  	v12 =	vxor.u32 $0x80000000, v12;
	v14, _, _ =	vpop (xrf0);
	s5 =	sadd.s32 $0x0, s30  }
0x2c4: {  	v11 =	vperm.xlane v11, v7;
	(xrf0) =	vmax.scan.msk.u32 $0xffff, v12;
	v12 =	vadd.s32 s5, v14  }
0x2c5: {  	(xrf0) =	vadd.scan.msk.s32 $0xffff, v10;
	vm0 =	vgt.s32 v12, $0x63  }
0x2c6: {  	s0 =	simm.s32 $0x1F0B0;
	s12 =	simm.s32 $0x7C0;
	(v2sf) =	vpush v13, $0xF;
	(xrf0) =	vadd.scan.msk.s32 $0xffff, v11;
	v12 =	vmctz.xlane vm0  }
0x2c7: {  	_ = 	snop  }
0x2c8: {  	p0 =	por $0x1, $0x1  }
0x2c9: {  	v11 =	vld [tilespmem:s0+$0x0];
	s1 =	simm.s32 @!p0 $0x0  }
0x2ca: {  	s1 =	simm.s32 @p0 $0x1;
	p0 =	por $0x0, $0x0;
	v13, _, _ =	vpop (xrf0)  }
.Ltmp25:
0x2cb: {  	v14, _, _ =	vpop (xrf0);
	s30 =	spop (v2sf);
	(pc) =	sbr.rel @p0 .LBB2_43-.Ltmp25, $4  }
0x2cc: {  	p3 =	por $0x1, $0x1;
	v12 =	vxor.u32 $0x80000000, v12;
	v15, _, _ =	vpop (xrf0);
	s11 =	sadd.s32 s5, s30  }
0x2cd: {  	v10 =	vperm.xlane v10, v7;
	[smem:$0x7FB] =	sst s1;
	(xrf0) =	vmax.scan.msk.u32 $0xffff, v12;
	s1 =	simm.s32 @!p3 $0x0;
	v12 =	vadd.s32 s11, v15  }
0x2ce: {  	(v2sf) =	vpush v13, $0xF;
	s1 =	simm.s32 @p3 $0x1;
	(xrf0) =	vadd.scan.msk.s32 $0xffff, v11;
	vm0 =	vgt.s32 v12, $0x63  }
0x2cf: {  	s0 =	simm.s32 $0x1F0A0;
	s7 =	simm.s32 $0x7B0;
	(v2sf) =	vpush v14, $0xF;
	[smem:$0x7FC] =	sst s1;
	(xrf0) =	vadd.scan.msk.s32 $0xffff, v10;
	v12 =	vmctz.xlane vm0  }
0x2d0: {  	_ =	sdelay $0x2  }
0x2d1: {  	v13, _, _ =	vpop (xrf0)  }
0x2d2: {  	(v2sf) =	vpush v13, $0xF;
	_ =	sdelay $0x1  }
0x2d3: {  	v14, _, _ =	vpop (xrf0)  }
0x2d4: {  	s30 =	spop (v2sf);
	(v2sf) =	vpush v14, $0xF;
	_ =	sdelay $0x4  }
0x2d5: {  	v10 =	vld [tilespmem:s0+$0x0]  }
0x2d6: {  	p0 =	por $0x0, $0x0  }
.Ltmp26:
0x2d7: {  	_ = 	snop;
	(pc) =	sbr.rel @p0 .LBB2_45-.Ltmp26, $4  }
0x2d8: {  	p4 =	por $0x1, $0x1;
	v12 =	vxor.u32 $0x80000000, v12;
	v15, _, _ =	vpop (xrf0);
	s8 =	sadd.s32 s11, s30  }
0x2d9: {  	v11 =	vperm.xlane v11, v7;
	s1 =	simm.s32 @!p4 $0x0;
	(xrf0) =	vmax.scan.msk.u32 $0xffff, v12;
	v63 =	vadd.s32 s8, v15  }
0x2da: {  	s21 =	smov.u32 s22;
	s1 =	simm.s32 @p4 $0x1;
	(xrf0) =	vadd.scan.msk.s32 $0xffff, v10;
	vm0 =	vgt.s32 v63, $0x63  }
0x2db: {  	s0 =	simm.s32 $0x1F090;
	s29 =	simm.s32 $0x7A0;
	[smem:$0x7FD] =	sst s1;
	(xrf0) =	vadd.scan.msk.s32 $0xffff, v11;
	v11 =	vmctz.xlane vm0  }
0x2dc: {  	_ =	sdelay $0x2  }
0x2dd: {  	v12, _, _ =	vpop (xrf0)  }
0x2de: {  	s23 =	spop (v2sf);
	v14, _, _ =	vpop (xrf0);
	(v2sf) =	vpush v12, $0xF  }
0x2df: {  	v13 =	vld [tilespmem:s0+$0x0];
	s0 =	sxor.u32 $0x7FFFFFFF, s23;
	(v2sf) =	vpush v14, $0xF  }
0x2e0: {  	v15 =	vxor.u32 $0x80000000, v11;
	s0 =	sadd.s32 $0x800, s0  }
0x2e1: {  	p6 =	sgt.s32 s5, $0x63;
	s0 =	smov.u32 @p5 s25;
	(xrf0) =	vmax.scan.msk.u32 $0xffff, v15;
	p5 =	por $0x0, $0x0  }
.Ltmp27:
0x2e2: {  	s19 =	simm.s32 $0x1F080;
	s1 =	spop (v2sf);
	(pc) =	sbr.rel @p5 .LBB2_47-.Ltmp27, $4  }
0x2e3: {  	v10 =	vperm.xlane v10, v7;
	s22 =	simm.s32 $0x790;
	p2 =	por $0x1, $0x1;
	s30 =	sadd.s32 s8, s1;
	v16, _, _ =	vpop (xrf0)  }
0x2e4: {  	s3 =	simm.s32 $0x7F0;
	p0 =	por $0x0, $0x0;
	s6 =	simm.s32 $0x7E0;
	(xrf0) =	vadd.scan.msk.s32 $0xffff, v13;
	v15 =	vadd.s32 s30, v16  }
0x2e5: {  	s20 =	smov.u32 s8;
	s9 =	simm.s32 $0x7D0;
	s1 =	simm.s32 $0x0;
	(xrf0) =	vadd.scan.msk.s32 $0xffff, v10;
	vm0 =	vgt.s32 v15, $0x63  }
0x2e6: {  	s2 =	smov.u32 s30;
	s1 =	smov.u32 @p6 s0;
	s0 =	smov.u32 s11;
	v12 =	vmctz.xlane vm0  }
.LBB2_48:
0x2e7: {  	v10 =	vld [tilespmem:s19+$0x0];
	p5 =	seq.s32 s22, $0x10;
	v14, _, _ =	vpop (xrf0);
	s23 =	spop (v2sf)  }
0x2e8: {  	p0 =	por p0, p6;
	v15 =	vxor.u32 $0x80000000, v12;
	(v2sf) =	vpush v14, $0xF;
	s23 =	sxor.u32 $0x7FFFFFFF, s23  }
0x2e9: {  	p6 =	sgt.s32 s0, $0x63;
	(xrf0) =	vmax.scan.msk.u32 $0xffff, v15;
	s23 =	sadd.s32 s23, s3;
	s3 =	smov.u32 s6  }
.Ltmp28:
0x2ea: {  	v12, _, _ =	vpop (xrf0);
	s6 =	spop (v2sf);
	s23 =	smov.u32 @p0 s1;
	(pc) =	sbr.rel @!p5 .LBB2_48-.Ltmp28, $4  }
0x2eb: {  	s0 =	smov.u32 s20;
	v14 =	vperm.xlane v13, v7;
	(v2sf) =	vpush v12, $0xF;
	v12, _, _ =	vpop (xrf0);
	s30 =	sadd.s32 s30, s6;
	s1 =	smov.u32 @p6 s23  }
0x2ec: {  	s20 =	smov.u32 s2;
	s6 =	smov.u32 s9;
	(xrf0) =	vadd.scan.msk.s32 $0xffff, v10;
	v12 =	vadd.s32 s30, v12;
	v13 =	vmov v10;
	s2 =	smov.u32 s30  }
0x2ed: {  	s9 =	smov.u32 s12;
	s12 =	smov.u32 s7;
	s7 =	smov.u32 s29;
	(xrf0) =	vadd.scan.msk.s32 $0xffff, v14;
	vm0 =	vgt.s32 v12, $0x63  }
0x2ee: {  	s19 =	sadd.s32 $0xFFFFFFF0, s19;
	s29 =	smov.u32 s22;
	s22 =	sadd.s32 $0xFFFFFFF0, s22;
	v12 =	vmctz.xlane vm0  }
0x2ef: {  	p1 =	por $0x1, $0x1  }
0x2f0: {  	s19 =	simm.s32 @!p1 $0x0  }
0x2f1: {  	s19 =	simm.s32 @p1 $0x1  }
0x2f2: {  	p3 =	por $0x1, $0x1;
	p5 =	por $0x0, $0x0;
	[smem:$0x7FA] =	sst s19  }
0x2f3: {  	v10 =	vmov v13;
	s19 =	smov.u32 s12;
	s12 =	smov.u32 s29;
	s29 =	simm.s32 $0x0  }
.LBB2_50:
0x2f4: {  	s22 =	sld [smem:$0x7FD]  }
0x2f5: {  	s23 =	sld [smem:$0x7FB]  }
0x2f6: {  	p0 =	por @p2 p0, p6  }
0x2f7: {  	p0 =	por @!p2 p5, p5;
	p4 =	seq.s32 s22, $0x1  }
0x2f8: {  	p2 =	seq.s32 s23, $0x1;
	s23 =	sld [smem:$0x7FC];
	s22 =	spop @p4 (v2sf)  }
0x2f9: {  	p5 =	sgt.s32 @p4 s0, $0x63;
	p6 =	por !p0, !p4;
	s22 =	sxor.u32 @p4 $0x7FFFFFFF, s22  }
0x2fa: {  	s0 =	spop @p3 (v2sf);
	s3 =	sadd.s32 @p4 s22, s3;
	s22 =	smov.u32 s1  }
0x2fb: {  	v10 =	vperm.xlane v10, v7;
	v13, _, _ =	vpop @p2 (xrf0);
	p1 =	seq.s32 s23, $0x1;
	s22 =	smov.u32 @p6 s3;
	p6 =	por !p5, !p4  }
0x2fc: {  	(v2sf) =	vpush @p2 v13, $0xF;
	s22 =	smov.u32 @p6 s1;
	s1 =	sadd.s32 @p3 s30, s0;
	s30 =	sld [smem:$0x7FA]  }
0x2fd: {  	v12 =	vxor.u32 @p3 $0x80000000, v12;
	s23 =	smov.u32 s28;
	p5 =	por @!p4 p0, p0;
	s3 =	smov.u32 @p1 s6  }
0x2fe: {  	(xrf0) =	vmax.scan.msk.u32 @p3 $0xffff, v12;
	s6 =	smov.u32 @p2 s9;
	s9 =	smov.u32 s26;
	p6 =	por @p4 p0, p5  }
0x2ff: {  	(xrf0) =	vadd.scan.msk.s32 $0xffff, v10;
	v10, _, _ =	vpop (xrf0);
	s0 =	simm.s32 $0x0;
	s9 =	smov.u32 @p1 s3;
	p0 =	seq.s32 s30, $0x1  }
0x300: {  	s23 =	smov.u32 @p2 s6;
	s3 =	smov.u32 s5;
	s0 =	smov.u32 @p3 s1;
	v12, _, _ =	vpop @p0 (xrf0)  }
0x301: {  	s6 =	simm.s32 $0x0;
	p5 =	por $0x0, $0x0;
	s3 =	smov.u32 @p1 s20;
	v12 =	vadd.s32 @p0 s0, v12  }
0x302: {  	s20 =	spop @p1 (v2sf);
	s6 =	smov.u32 @p4 s22;
	p6 =	por @!p4 p5, p5;
	(v2sf) =	vpush v10, $0xF;
	vm0 =	vgt.s32 @p0 v12, $0x63  }
0x303: {  	s8 =	smov.u32 @p3 s1;
	s20 =	sxor.u32 @p1 $0x7FFFFFFF, s20;
	s22 =	spop @p0 (v2sf);
	v12 =	vmctz.xlane @p0 vm0  }
0x304: {  	p5 =	por !p6, !p1;
	v13, _, _ =	vpop @p3 (xrf0);
	s22 =	sadd.s32 @p0 s0, s22;
	s0 =	simm.s32 $0x0  }
0x305: {  	s9 =	sadd.s32 @p1 s20, s9;
	s20 =	smov.u32 s6;
	v10, _, _ =	vpop (xrf0);
	s0 =	smov.u32 @p0 s22;
	v11 =	vpsel p0, v12, v11  }
0x306: {  	p4 =	por p6, p6;
	s20 =	smov.u32 @p5 s9;
	s9 =	smov.u32 s11;
	v10 =	vadd.s32 s0, v10;
	v11 =	vxor.u32 @p0 $0x80000000, v11  }
0x307: {  	s1 =	smov.u32 @p3 s8;
	p5 =	sgt.s32 @p1 s3, $0x63;
	s9 =	smov.u32 @p2 s2;
	vm15 =	vgt.s32 v10, $0x63;
	(xrf0) =	vmax.scan.msk.u32 @p0 $0xffff, v11  }
0x308: {  	s2 =	smov.u32 @p2 s23;
	p6 =	por !p5, !p1;
	p5 =	por @!p1 p0, p0;
	(v2sf) =	vpush @p3 v13, $0xF;
	v10 =	vmctz.xlane vm15  }
0x309: {  	s20 =	smov.u32 @p6 s6;
	s3 =	smov.u32 @p2 s9;
	s2 =	smov.u32 @p2 s2  }
0x30a: {  	s6 =	simm.s32 $0x0;
	p6 =	por @p1 p4, p5;
	p4 =	por $0x0, $0x0;
	v10 =	vxor.u32 $0x80000000, v10  }
0x30b: {  	s3 =	smov.u32 @p2 s3;
	s6 =	smov.u32 @p1 s20;
	s9 =	spop @p2 (v2sf)  }
0x30c: {  	p6 =	por @!p1 p4, p4;
	p4 =	sgt.s32 @p2 s3, $0x63;
	s9 =	sxor.u32 @p2 $0x7FFFFFFF, s9  }
0x30d: {  	p5 =	por !p6, !p2;
	s3 =	smov.u32 s6;
	(xrf0) =	vmax.scan.msk.u32 $0xffff, v10;
	s2 =	sadd.s32 @p2 s9, s2;
	v10, _, _ =	vpop @p0 (xrf0)  }
0x30e: {  	s5 =	smov.u32 @p3 s1;
	s3 =	smov.u32 @p5 s2;
	(v2sf) =	vpush @p0 v10, $0xF  }
0x30f: {  	p5 =	por !p4, !p2;
	s2 =	smov.u32 @p3 s19;
	p4 =	por @!p2 p0, p0  }
0x310: {  	s3 =	smov.u32 @p5 s6;
	s6 =	smov.u32 @p0 s7;
	s31 =	smov.u32 @p3 s2  }
0x311: {  	s2 =	smov.u32 @p0 s22;
	s30 =	spop (v2sf);
	s7 =	simm.s32 $0x0  }
0x312: {  	p5 =	por @p2 p6, p4;
	p6 =	por $0x0, $0x0;
	s4 =	smov.u32 @p0 s6  }
0x313: {  	s6 =	smov.u32 @p3 s31;
	s11 =	smov.u32 @p0 s2;
	s7 =	smov.u32 @p2 s3  }
0x314: {  	p5 =	por @!p2 p6, p6;
	s26 =	smov.u32 @p3 s6;
	s28 =	smov.u32 @p0 s4  }
0x315: {  	v10, _, _ =	vpop (xrf0);
	s4 =	smov.u32 @p3 s5;
	s6 =	smov.u32 @p0 s11;
	p4 =	por !p5, !p3  }
0x316: {  	(v2sf) =	vpush v10, $0xF;
	s1 =	smov.u32 @p3 s26;
	s5 =	smov.u32 @p0 s28;
	s4 =	smov.u32 @p3 s4  }
0x317: {  	s1 =	smov.u32 @p3 s1;
	s5 =	smov.u32 @p0 s5;
	s8 =	spop @p3 (v2sf)  }
0x318: {  	p1 =	sgt.s32 @p3 s4, $0x63;
	s4 =	smov.u32 @p0 s6;
	s3 =	sxor.u32 @p3 $0x7FFFFFFF, s8  }
0x319: {  	s4 =	smov.u32 @p0 s4;
	s1 =	sadd.s32 @p3 s3, s1;
	s3 =	smov.u32 s7  }
0x31a: {  	s3 =	smov.u32 @p4 s1;
	p4 =	por !p1, !p3;
	s1 =	smov.u32 @p0 s5  }
0x31b: {  	p1 =	por @!p3 p0, p0;
	s5 =	simm.s32 $0x0;
	s3 =	smov.u32 @p4 s7  }
0x31c: {  	s1 =	smov.u32 @p0 s1;
	p5 =	por @p3 p5, p1;
	p1 =	sgt.s32 @p0 s4, $0x63  }
0x31d: {  	s5 =	smov.u32 @p3 s3;
	p5 =	por @!p3 p6, p6;
	s3 =	spop @p0 (v2sf)  }
0x31e: {  	p2 =	por !p1, !p0;
	p1 =	por @!p0 p0, p0;
	s3 =	sxor.u32 @p0 $0x7FFFFFFF, s3  }
0x31f: {  	p4 =	por !p5, !p0;
	s1 =	sadd.s32 @p0 s3, s1;
	s3 =	smov.u32 s5  }
0x320: {  	p3 =	por $0x0, $0x0;
	p1 =	por @p0 p5, p1;
	s3 =	smov.u32 @p4 s1  }
0x321: {  	s0 =	sadd.s32 s0, s30;
	p1 =	por @!p0 p3, p3;
	s3 =	smov.u32 @p2 s5  }
0x322: {  	s25 =	smov.u32 @p0 s3;
	p0 =	sgt.s32 s0, $0x63;
	s0 =	simm.s32 $0x1E940  }
0x323: {  	[tilespmem:s0+$0xFFFFFFC0] =	vst v0  }
0x324: {  	[tilespmem:s0+$0x30] =	vst v0  }
0x325: {  	s31 =	spop (v2sf);
	[tilespmem:s0+$0x20] =	vst v0  }
0x326: {  	s1 =	sxor.u32 $0x7FFFFFFF, s31;
	[tilespmem:s0+$0x10] =	vst v0  }
0x327: {  	s1 =	sadd.s32 s1, s12;
	[tilespmem:s0+$0x0] =	vst v0  }
0x328: {  	s23 =	smov.u32 s21;
	s1 =	smov.u32 @p1 s25;
	[tilespmem:s0+$0xFFFFFFF0] =	vst v0  }
0x329: {  	s26 =	simm.s32 $0x1F900;
	[tilespmem:s0+$0xFFFFFFE0] =	vst v0;
	s25 =	smov.u32 @p0 s1;
	s1 =	simm.s32 $0x0  }
.LBB2_51:
0x32a: {  	s1 =	sadd.s32 $0x8, s1;
	[tilespmem:s0+$0xFFFFFFD0] =	vst v0;
	s0 =	sadd.s32 $0x80, s0  }
0x32b: {  	[tilespmem:s0+$0xFFFFFFC0] =	vst v0;
	p0 =	slt.u32 s1, $0x78  }
0x32c: {  	[tilespmem:s0+$0x30] =	vst v0  }
.Ltmp29:
0x32d: {  	[tilespmem:s0+$0x20] =	vst v0;
	(pc) =	sbr.rel @p0 .LBB2_51-.Ltmp29, $4  }
0x32e: {  	[tilespmem:s0+$0x10] =	vst v0  }
0x32f: {  	[tilespmem:s0+$0x0] =	vst v0  }
0x330: {  	[tilespmem:s0+$0xFFFFFFF0] =	vst v0  }
0x331: {  	[tilespmem:s0+$0xFFFFFFE0] =	vst v0  }
0x332: {  	p0 =	slt.s32 s24, $0x1  }
.Ltmp30:
0x333: {  	_ = 	snop;
	(pc) =	sbr.rel @p0 .LBB2_53-.Ltmp30, $4  }
0x334: {  	_ = 	snop  }
0x335: {  	s31 =	sshll.u32 s25, $0x15  }
0x336: {  	[tilespmem:s0+$0xFFFFFFD0] =	vst v0;
	s1 =	sxor.u32 $0x80000000, s31;
	s0 =	sadd.s32 $0x80200000, s31  }
0x337: {  	s21 =	rddreg [dreg:$0x8];
	v10 =	vmov s0;
	v11 =	vmov s1  }
0x338: {  	p5 =	sne.s32 s24, $0x1  }
.Ltmp31:
0x339: {  	_ = 	snop;
	(pc) =	sbr.rel @!p5 .LBB2_55-.Ltmp31, $4  }
0x33a: {  	_ = 	snop  }
0x33b: {  	s0 =	simm.s32 $0x0  }
0x33c: {  	s1 =	simm.s32 $0x1F100;
	s2 =	sadd.s32 $0xFFFFFFFF, s24;
	p1 =	por $0x0, $0x0  }
0x33d: {  	p2 =	por $0x0, $0x0;
	p3 =	por $0x0, $0x0;
	p4 =	por $0x0, $0x0  }
0x33e: {  	p5 =	sne.s32 s2, $0x1  }
.Ltmp32:
0x33f: {  	_ = 	snop;
	(pc) =	sbr.rel @!p5 .LBB2_57-.Ltmp32, $2  }
0x340: {  	_ =	sdelay $0x2  }
0x341: {  	s2 =	sadd.s32 $0xFFFFFFFF, s2;
	p1 =	por $0x1, $0x1  }
0x342: {  	v13 =	vld [tilespmem:s1+$0x0];
	p5 =	sne.s32 s2, $0x1  }
.Ltmp33:
0x343: {  	_ = 	snop;
	(pc) =	sbr.rel @!p5 .LBB2_59-.Ltmp33, $2  }
0x344: {  	_ =	sdelay $0x2  }
0x345: {  	s2 =	sadd.s32 $0xFFFFFFFF, s2;
	p2 =	por $0x1, $0x1;
	vm3 =	vge.s32 v13, v10;
	vm4 =	vge.s32 v13, v11;
	vm5 =	vlt.s32 v13, v10  }
0x346: {  	v12 =	vshrl.u32 v13, $0xA;
	vm0 =	vmand vm4, vm5  }
0x347: {  	v13 =	vmpcnt.ones.xlane vm3;
	v12 =	vand.u32 $0x7FF, v12;
	_ =	sdelay $0x1  }
0x348: {  	v13 =	vxor.u32 $0x80000000, v13  }
0x349: {  	(xrf0) =	vmax.scan.msk.u32 $0xffff, v13;
	_ =	sdelay $0x1  }
0x34a: {  	s3 =	simm.s32 $0x1F110;
	[tilespmem:v12+s13+$0x0] =	vst.idx.add.s32.msk vm0, v5  }
0x34b: {  	p5 =	sne.s32 s2, $0x1;
	v12 =	vld [tilespmem:s3+$0x0]  }
.Ltmp34:
0x34c: {  	_ = 	snop;
	(pc) =	sbr.rel @!p5 .LBB2_61-.Ltmp34, $4  }
0x34d: {  	_ = 	snop  }
0x34e: {  	v13, _, _ =	vpop (xrf0)  }
0x34f: {  	(v2sf) =	vpush v13, $0xF  }
0x350: {  	s2 =	sadd.s32 $0xFFFFFFFF, s2;
	p3 =	por $0x1, $0x1;
	vm0 =	vge.s32 v12, v10;
	vm1 =	vge.s32 v12, v11;
	vm2 =	vlt.s32 v12, v10  }
0x351: {  	_ = 	snop  }
0x352: {  	v13 =	vshrl.u32 v12, $0xA;
	vm3 =	vmand vm1, vm2;
	v14 =	vmpcnt.ones.xlane vm0  }
0x353: {  	v13 =	vand.u32 $0x7FF, v13  }
0x354: {  	v14 =	vxor.u32 $0x80000000, v14  }
0x355: {  	(xrf0) =	vmax.scan.msk.u32 $0xffff, v14;
	_ =	sdelay $0x2  }
0x356: {  	s3 =	simm.s32 $0x1F120;
	[tilespmem:v13+s13+$0x0] =	vst.idx.add.s32.msk vm3, v5  }
0x357: {  	p5 =	sne.s32 s2, $0x1;
	v13 =	vld [tilespmem:s3+$0x0]  }
.Ltmp35:
0x358: {  	_ = 	snop;
	(pc) =	sbr.rel @!p5 .LBB2_63-.Ltmp35, $4  }
0x359: {  	v14, _, _ =	vpop (xrf0)  }
0x35a: {  	(v2sf) =	vpush v14, $0xF  }
0x35b: {  	s5 =	sadd.s32 $0xFFFFFFFF, s2  }
0x35c: {  	p4 =	por $0x1, $0x1;
	s2 =	simm.s32 $0x0;
	vm3 =	vge.s32 v13, v10;
	vm4 =	vge.s32 v13, v11;
	vm5 =	vlt.s32 v13, v10;
	s4 =	spop (v2sf)  }
.LBB2_64:
0x35d: {  	p5 =	sne.s32 s5, $0x1;
	v14 =	vmpcnt.ones.xlane vm3;
	v13 =	vshrl.u32 v13, $0xA;
	vm3 =	vmand vm4, vm5;
	s2 =	sadd.s32 s4, s2  }
0x35e: {  	v13 =	vand.u32 $0x7FF, v13;
	s2 =	sadd.s32 $0x80000000, s2  }
0x35f: {  	v14 =	vxor.u32 $0x80000000, v14  }
0x360: {  	(xrf0) =	vmax.scan.msk.u32 $0xffff, v14;
	_ =	sdelay $0x2  }
0x361: {  	s3 =	sadd.s32 $0x10, s3;
	[tilespmem:v13+s13+$0x0] =	vst.idx.add.s32.msk vm3, v5  }
0x362: {  	v13 =	vld [tilespmem:s3+$0x0]  }
.Ltmp36:
0x363: {  	(pc) =	sbr.rel @p5 .LBB2_64-.Ltmp36, $3  }
0x364: {  	v14, _, _ =	vpop (xrf0)  }
0x365: {  	(v2sf) =	vpush v14, $0xF;
	_ =	sdelay $0x1  }
0x366: {  	s5 =	sadd.s32 $0xFFFFFFFF, s5;
	vm3 =	vge.s32 v13, v10;
	vm4 =	vge.s32 v13, v11;
	vm5 =	vlt.s32 v13, v10;
	s4 =	spop (v2sf)  }
0x367: {  	_ = 	snop  }
.LBB2_66:
0x368: {  	v13 =	vshrl.u32 @p2 v13, $0xA;
	vm4 =	vmand @p2 vm4, vm5  }
0x369: {  	v13 =	vand.u32 @p2 $0x7FF, v13;
	_ =	sdelay $0x3  }
0x36a: {  	s3 =	sadd.s32 @p2 $0x10, s3;
	s5 =	simm.s32 $0x1F100  }
0x36b: {  	s5 =	smov.u32 @p2 s3;
	[tilespmem:v13+s13+$0x0] =	vst.idx.add.s32.msk @p2 vm4, v5  }
0x36c: {  	v13 =	vld @p1 [tilespmem:s5+$0x0];
	_ =	sdelay $0x4  }
0x36d: {  	vm4 =	vge.s32 @p1 v13, v11;
	vm5 =	vlt.s32 @p1 v13, v10  }
0x36e: {  	v12 =	vpsel p1, v13, v12;
	vm1 =	vmmov @p1 vm4;
	vm2 =	vmmov @p1 vm5  }
0x36f: {  	v12 =	vshrl.u32 @p1 v12, $0xA;
	vm1 =	vmand @p1 vm1, vm2  }
0x370: {  	v12 =	vand.u32 @p1 $0x7FF, v12;
	_ =	sdelay $0x3  }
0x371: {  	s3 =	sadd.s32 @p1 $0x10, s5  }
0x372: {  	v14 =	vmpcnt.ones.xlane @p2 vm3;
	s1 =	smov.u32 @p1 s3;
	[tilespmem:v12+s13+$0x0] =	vst.idx.add.s32.msk @p1 vm1, v5  }
0x373: {  	vm1 =	vge.s32 @p1 v13, v10;
	v12 =	vld [tilespmem:s1+$0x0]  }
0x374: {  	v13 =	vxor.u32 @p2 $0x80000000, v14;
	vm0 =	vmmov @p1 vm1  }
0x375: {  	(xrf0) =	vmax.scan.msk.u32 @p2 $0xffff, v13;
	v13 =	vmpcnt.ones.xlane @p1 vm0;
	_ =	sdelay $0x1  }
0x376: {  	v13 =	vxor.u32 @p1 $0x80000000, v13  }
0x377: {  	(xrf0) =	vmax.scan.msk.u32 @p1 $0xffff, v13;
	vm13 =	vge.s32 v12, v10  }
0x378: {  	v62 =	vmpcnt.ones.xlane vm13;
	_ =	sdelay $0x1  }
0x379: {  	v14, _, _ =	vpop @p2 (xrf0);
	v13 =	vxor.u32 $0x80000000, v62  }
0x37a: {  	(v2sf) =	vpush @p2 v14, $0xF;
	(xrf0) =	vmax.scan.msk.u32 $0xffff, v13;
	_ =	sdelay $0x1  }
0x37b: {  	v13, _, _ =	vpop @p1 (xrf0)  }
0x37c: {  	(v2sf) =	vpush @p1 v13, $0xF;
	_ =	sdelay $0x2  }
0x37d: {  	v63, _, _ =	vpop (xrf0)  }
0x37e: {  	(v2sf) =	vpush v63, $0xF;
	_ =	sdelay $0x3  }
0x37f: {  	s1 =	sadd.s32 @p4 s4, s2  }
0x380: {  	s3 =	simm.s32 $0x0;
	s2 =	spop @p3 (v2sf);
	s1 =	sadd.s32 @p4 $0x80000000, s1  }
0x381: {  	s3 =	smov.u32 @p4 s1;
	s1 =	smov.u32 @p3 s2  }
0x382: {  	s1 =	sadd.s32 @p3 s1, s3  }
0x383: {  	s3 =	simm.s32 $0x0;
	s1 =	sadd.s32 @p3 $0x80000000, s1;
	s2 =	spop @p2 (v2sf)  }
0x384: {  	s3 =	smov.u32 @p3 s1;
	s1 =	smov.u32 @p2 s2  }
0x385: {  	s1 =	sadd.s32 @p2 s1, s3  }
0x386: {  	vm14 =	vge.s32 v12, v11;
	vm15 =	vlt.s32 v12, v10;
	s3 =	simm.s32 $0x0;
	s1 =	sadd.s32 @p2 $0x80000000, s1;
	s2 =	spop @p1 (v2sf)  }
0x387: {  	v12 =	vshrl.u32 v12, $0xA;
	vm0 =	vmand vm14, vm15;
	s3 =	smov.u32 @p2 s1;
	s1 =	smov.u32 @p1 s2  }
0x388: {  	v12 =	vand.u32 $0x7FF, v12;
	s1 =	sadd.s32 @p1 s1, s3  }
.Ltmp37:
0x389: {  	s1 =	sadd.s32 @p1 $0x80000000, s1;
	(pc) =	sbr.rel .LBB2_67-.Ltmp37, $4  }
0x38a: {  	s31 =	spop (v2sf);
	s0 =	smov.u32 @p1 s1  }
0x38b: {  	s0 =	sadd.s32 s31, s0  }
0x38c: {  	s0 =	sadd.s32 $0x80000000, s0  }
0x38d: {  	[tilespmem:v12+s13+$0x0] =	vst.idx.add.s32.msk vm0, v5;
	s4 =	ssub.s32 $0x64, s0  }
.LBB2_53:
0x38e: {  	s4 =	simm.s32 $0x64  }
.LBB2_67:
0x38f: {  	s1 =	simm.s32 $0x1F0F0  }
0x390: {  	v13 =	vld [tilespmem:s1+$0x0]  }
0x391: {  	s11 =	simm.s32 $0x1F0E0  }
0x392: {  	v14 =	vld [tilespmem:s11+$0x0];
	_ =	sdelay $0x2  }
0x393: {  	(xrf0) =	vadd.scan.msk.s32 $0xffff, v13  }
0x394: {  	v13 =	vperm.xlane v13, v7  }
0x395: {  	(xrf0) =	vadd.scan.msk.s32 $0xffff, v14  }
0x396: {  	(xrf0) =	vadd.scan.msk.s32 $0xffff, v13;
	_ =	sdelay $0x2  }
0x397: {  	v15, _, _ =	vpop (xrf0)  }
0x398: {  	s12 =	simm.s32 $0x1F0D0;
	(v2sf) =	vpush v15, $0xF  }
0x399: {  	v13 =	vld [tilespmem:s12+$0x0];
	v15, _, _ =	vpop (xrf0)  }
0x39a: {  	s0 =	simm.s32 $0x0;
	(v2sf) =	vpush v15, $0xF;
	v15, _, _ =	vpop (xrf0)  }
0x39b: {  	v12 =	vmov s4;
	v15 =	vadd.s32 s0, v15  }
0x39c: {  	vm0 =	vge.s32 v15, v12  }
0x39d: {  	v14 =	vperm.xlane v14, v7;
	v16 =	vmctz.xlane vm0  }
0x39e: {  	s19 =	simm.s32 $0x1F0C0;
	(xrf0) =	vadd.scan.msk.s32 $0xffff, v13  }
0x39f: {  	(xrf0) =	vadd.scan.msk.s32 $0xffff, v14;
	v15 =	vld [tilespmem:s19+$0x0];
	v14 =	vxor.u32 $0x80000000, v16  }
0x3a0: {  	(xrf0) =	vmax.scan.msk.u32 $0xffff, v14  }
0x3a1: {  	v13 =	vperm.xlane v13, v7;
	_ =	sdelay $0x2  }
0x3a2: {  	(xrf0) =	vadd.scan.msk.s32 $0xffff, v15;
	v14, _, _ =	vpop (xrf0)  }
0x3a3: {  	(xrf0) =	vadd.scan.msk.s32 $0xffff, v13;
	v13, _, _ =	vpop (xrf0)  }
0x3a4: {  	(v2sf) =	vpush v14, $0xF;
	v14, _, _ =	vpop (xrf0)  }
0x3a5: {  	s20 =	spop (v2sf);
	(v2sf) =	vpush v14, $0xF  }
0x3a6: {  	s9 =	sadd.s32 $0x0, s20  }
0x3a7: {  	s22 =	simm.s32 $0x1F0B0;
	v13 =	vadd.s32 s9, v13  }
0x3a8: {  	vm12 =	vge.s32 v13, v12;
	v13 =	vld [tilespmem:s22+$0x0]  }
0x3a9: {  	v60 =	vmctz.xlane vm12  }
0x3aa: {  	v14, _, _ =	vpop (xrf0);
	s25 =	spop (v2sf)  }
0x3ab: {  	(v2sf) =	vpush v14, $0xF;
	v61, _, _ =	vpop (xrf0);
	s1 =	sadd.s32 s9, s25;
	v14 =	vxor.u32 $0x80000000, v60  }
0x3ac: {  	(xrf0) =	vmax.scan.msk.u32 $0xffff, v14;
	v14 =	vperm.xlane v15, v7;
	v15 =	vadd.s32 s1, v61  }
0x3ad: {  	(xrf0) =	vadd.scan.msk.s32 $0xffff, v13;
	vm13 =	vge.s32 v15, v12  }
0x3ae: {  	s2 =	simm.s32 $0x1F0A0;
	(xrf0) =	vadd.scan.msk.s32 $0xffff, v14;
	v14 =	vmctz.xlane vm13  }
0x3af: {  	v15 =	vld [tilespmem:s2+$0x0]  }
0x3b0: {  	v14 =	vxor.u32 $0x80000000, v14;
	_ =	sdelay $0x2  }
0x3b1: {  	v13 =	vperm.xlane v13, v7;
	s28 =	spop (v2sf);
	(xrf0) =	vmax.scan.msk.u32 $0xffff, v14;
	v14, _, _ =	vpop (xrf0)  }
0x3b2: {  	(xrf0) =	vadd.scan.msk.s32 $0xffff, v15;
	s31 =	spop (v2sf);
	(v2sf) =	vpush v14, $0xF;
	_ =	sdelay $0x1  }
0x3b3: {  	v62, _, _ =	vpop (xrf0)  }
0x3b4: {  	s5 =	sadd.s32 s1, s28;
	(xrf0) =	vadd.scan.msk.s32 $0xffff, v13;
	v13, _, _ =	vpop (xrf0);
	(v2sf) =	vpush v62, $0xF  }
0x3b5: {  	v13 =	vadd.s32 s5, v13  }
0x3b6: {  	vm14 =	vge.s32 v13, v12;
	v18, _, _ =	vpop (xrf0)  }
0x3b7: {  	s30 =	simm.s32 $0x1F090;
	v17 =	vmctz.xlane vm14;
	(v2sf) =	vpush v18, $0xF;
	v19, _, _ =	vpop (xrf0)  }
0x3b8: {  	s3 =	spop (v2sf);
	v13 =	vld [tilespmem:s30+$0x0];
	(v2sf) =	vpush v19, $0xF  }
0x3b9: {  	v14 =	vxor.u32 $0x80000000, v17  }
0x3ba: {  	p1 =	por $0x0, $0x0;
	(xrf0) =	vmax.scan.msk.u32 $0xffff, v14  }
0x3bb: {  	s8 =	simm.s32 $0x7F0;
	s7 =	simm.s32 $0x7D0;
	s6 =	simm.s32 $0x7C0  }
0x3bc: {  	s11 =	simm.s32 $0x7E0;
	s19 =	sxor.u32 $0x7FFFFFFF, s31;
	s12 =	sadd.s32 s5, s3;
	v63, _, _ =	vpop (xrf0);
	v14 =	vperm.xlane v15, v7  }
0x3bd: {  	s20 =	simm.s32 $0x790;
	p2 =	sge.s32 s9, s4;
	s19 =	sadd.s32 $0x800, s19;
	v15 =	vadd.s32 s12, v63;
	(xrf0) =	vadd.scan.msk.s32 $0xffff, v13  }
0x3be: {  	s2 =	simm.s32 $0x7B0;
	s3 =	simm.s32 $0x7A0;
	s19 =	smov.u32 @p1 s0;
	vm15 =	vge.s32 v15, v12;
	(xrf0) =	vadd.scan.msk.s32 $0xffff, v14  }
0x3bf: {  	s9 =	smov.u32 s12;
	s0 =	smov.u32 @p2 s19;
	s19 =	simm.s32 $0x1F080;
	v14 =	vmctz.xlane vm15  }
.LBB2_68:
0x3c0: {  	v15 =	vld [tilespmem:s19+$0x0];
	p3 =	seq.s32 s20, $0x10;
	v16, _, _ =	vpop (xrf0);
	s22 =	spop (v2sf)  }
0x3c1: {  	p1 =	por p1, p2;
	v17 =	vxor.u32 $0x80000000, v14;
	(v2sf) =	vpush v16, $0xF;
	s22 =	sxor.u32 $0x7FFFFFFF, s22  }
0x3c2: {  	p2 =	sge.s32 s1, s4;
	(xrf0) =	vmax.scan.msk.u32 $0xffff, v17;
	s22 =	sadd.s32 s22, s8;
	s8 =	smov.u32 s11  }
.Ltmp38:
0x3c3: {  	v14, _, _ =	vpop (xrf0);
	s11 =	spop (v2sf);
	s22 =	smov.u32 @p1 s0;
	(pc) =	sbr.rel @!p3 .LBB2_68-.Ltmp38, $4  }
0x3c4: {  	s1 =	smov.u32 s5;
	v16 =	vperm.xlane v13, v7;
	(v2sf) =	vpush v14, $0xF;
	v13, _, _ =	vpop (xrf0);
	s12 =	sadd.s32 s12, s11;
	s0 =	smov.u32 @p2 s22  }
0x3c5: {  	s5 =	smov.u32 s9;
	s11 =	smov.u32 s7;
	(xrf0) =	vadd.scan.msk.s32 $0xffff, v15;
	v14 =	vadd.s32 s12, v13;
	v13 =	vmov v15;
	s9 =	smov.u32 s12  }
0x3c6: {  	s7 =	smov.u32 s6;
	s6 =	smov.u32 s2;
	s2 =	smov.u32 s3;
	(xrf0) =	vadd.scan.msk.s32 $0xffff, v16;
	vm0 =	vge.s32 v14, v12  }
0x3c7: {  	s19 =	sadd.s32 $0xFFFFFFF0, s19;
	s3 =	smov.u32 s20;
	s20 =	sadd.s32 $0xFFFFFFF0, s20;
	v14 =	vmctz.xlane vm0  }
0x3c8: {  	_ =	sdelay $0x3  }
0x3c9: {  	v13 =	vperm.xlane v13, v7;
	v14 =	vxor.u32 $0x80000000, v14  }
0x3ca: {  	(xrf0) =	vmax.scan.msk.u32 $0xffff, v14  }
0x3cb: {  	(xrf0) =	vadd.scan.msk.s32 $0xffff, v13;
	_ =	sdelay $0x1  }
0x3cc: {  	v57, _, _ =	vpop (xrf0);
	s19 =	spop (v2sf)  }
0x3cd: {  	s20 =	spop (v2sf);
	v58, _, _ =	vpop (xrf0)  }
0x3ce: {  	s12 =	sadd.s32 s12, s20;
	v15, _, _ =	vpop (xrf0);
	s30 =	spop (v2sf)  }
0x3cf: {  	v15 =	vadd.s32 s12, v15;
	v16, _, _ =	vpop (xrf0);
	s22 =	spop (v2sf)  }
0x3d0: {  	vm0 =	vge.s32 v15, v12;
	v59, _, _ =	vpop (xrf0);
	s22 =	sadd.s32 s12, s22  }
0x3d1: {  	v17 =	vmctz.xlane vm0;
	v15 =	vadd.s32 s22, v59  }
0x3d2: {  	vm15 =	vge.s32 v15, v12  }
0x3d3: {  	v60 =	vxor.u32 $0x80000000, v17;
	v15 =	vmctz.xlane vm15  }
0x3d4: {  	(xrf0) =	vmax.scan.msk.u32 $0xffff, v60  }
0x3d5: {  	v61 =	vxor.u32 $0x80000000, v15  }
0x3d6: {  	(v2sf) =	vpush v57, $0xF;
	(xrf0) =	vmax.scan.msk.u32 $0xffff, v61  }
0x3d7: {  	(v2sf) =	vpush v58, $0xF  }
0x3d8: {  	(v2sf) =	vpush v16, $0xF;
	_ =	sdelay $0x1  }
0x3d9: {  	v62, _, _ =	vpop (xrf0)  }
0x3da: {  	(v2sf) =	vpush v62, $0xF  }
0x3db: {  	v63, _, _ =	vpop (xrf0)  }
0x3dc: {  	(v2sf) =	vpush v63, $0xF;
	_ =	sdelay $0x3  }
0x3dd: {  	s19 =	sxor.u32 $0x7FFFFFFF, s19  }
0x3de: {  	p1 =	por p1, p2;
	p2 =	sge.s32 s1, s4;
	s8 =	sadd.s32 s19, s8  }
0x3df: {  	s8 =	smov.u32 @p1 s0;
	p1 =	por p1, p2;
	s31 =	sxor.u32 $0x7FFFFFFF, s30  }
0x3e0: {  	s0 =	smov.u32 @p2 s8;
	p2 =	sge.s32 s5, s4;
	s1 =	sadd.s32 s31, s11  }
0x3e1: {  	s1 =	smov.u32 @p1 s0;
	p1 =	por p1, p2;
	s11 =	spop (v2sf)  }
0x3e2: {  	s0 =	smov.u32 @p2 s1;
	s19 =	sxor.u32 $0x7FFFFFFF, s11;
	s20 =	spop (v2sf)  }
0x3e3: {  	p2 =	sge.s32 s9, s4;
	s1 =	sadd.s32 s19, s7;
	s25 =	spop (v2sf)  }
0x3e4: {  	s1 =	smov.u32 @p1 s0;
	p1 =	por p1, p2;
	s7 =	sxor.u32 $0x7FFFFFFF, s25  }
0x3e5: {  	s0 =	smov.u32 @p2 s1;
	p2 =	sge.s32 s12, s4;
	s1 =	sadd.s32 s7, s6  }
0x3e6: {  	s5 =	sadd.s32 s22, s20;
	s1 =	smov.u32 @p1 s0;
	s28 =	spop (v2sf)  }
0x3e7: {  	p1 =	por p1, p2;
	s0 =	smov.u32 @p2 s1;
	s30 =	sxor.u32 $0x7FFFFFFF, s28  }
.Ltmp39:
0x3e8: {  	s1 =	sadd.s32 s30, s2;
	s31 =	spop (v2sf);
	(pc) =	sbr.rel @p0 .LBB2_70-.Ltmp39, $4  }
0x3e9: {  	p2 =	sge.s32 s22, s4;
	s1 =	smov.u32 @p1 s0;
	s2 =	sxor.u32 $0x7FFFFFFF, s31  }
0x3ea: {  	p1 =	por p1, p2;
	s0 =	smov.u32 @p2 s1;
	s1 =	sadd.s32 s2, s3  }
0x3eb: {  	p2 =	sge.s32 s5, s4;
	s1 =	smov.u32 @p1 s0  }
0x3ec: {  	s0 =	smov.u32 @p2 s1  }
0x3ed: {  	p1 =	sne.s32 s24, $0x1  }
.Ltmp40:
0x3ee: {  	_ = 	snop;
	(pc) =	sbr.rel @!p1 .LBB2_72-.Ltmp40, $3  }
0x3ef: {  	_ =	sdelay $0x1  }
0x3f0: {  	s1 =	simm.s32 $0x0;
	s2 =	simm.s32 $0x1F100  }
0x3f1: {  	v13 =	vmov s0;
	s0 =	simm.s32 $0x1F400;
	p0 =	por $0x0, $0x0;
	v12 =	vld [tilespmem:s2+$0x0];
	s2 =	sadd.s32 $0xFFFFFFFF, s24  }
0x3f2: {  	_ =	sdelay $0x3  }
0x3f3: {  	v14 =	vshrl.u32 v12, $0xA  }
0x3f4: {  	v14 =	vand.u32 $0x7FF, v14  }
0x3f5: {  	vm0 =	vge.s32 v12, v11;
	vm1 =	vge.s32 v14, v13  }
0x3f6: {  	vm2 =	vlt.s32 v12, v10;
	vm0 =	vmand vm0, vm1  }
0x3f7: {  	vm15 =	vge.s32 v12, v10;
	vm0 =	vmand vm0, vm2  }
0x3f8: {  	vm0 =	vmor vm15, vm0  }
0x3f9: {  	v14 =	vmpcnt.ones.xlane vm0;
	_ =	sdelay $0x1  }
0x3fa: {  	v14 =	vxor.u32 $0x80000000, v14  }
0x3fb: {  	(xrf0) =	vmax.scan.msk.u32 $0xffff, v14;
	_ =	sdelay $0x1  }
0x3fc: {  	v14 =	vld [tilespmem:s0+$0x0]  }
0x3fd: {  	p1 =	sne.s32 s2, $0x1  }
.Ltmp41:
0x3fe: {  	_ = 	snop;
	(pc) =	sbr.rel @!p1 .LBB2_74-.Ltmp41, $4  }
0x3ff: {  	_ = 	snop  }
0x400: {  	[tilespmem:s1+$0x1F700] =	vst.msk vm0, v12;
	v12, _, _ =	vpop (xrf0)  }
0x401: {  	s4 =	simm.s32 $0x1F110;
	s5 =	sadd.s32 $0xFFFFFFFF, s2;
	[tilespmem:s1+$0x1F800] =	vst.msk vm0, v14;
	(v2sf) =	vpush v12, $0xF  }
0x402: {  	p0 =	por $0x1, $0x1;
	s2 =	simm.s32 $0x1F400;
	s3 =	simm.s32 $0x0;
	v12 =	vld [tilespmem:s4+$0x0]  }
.LBB2_75:
0x403: {  	p1 =	sne.s32 s5, $0x1;
	_ =	sdelay $0x3  }
0x404: {  	v14 =	vshrl.u32 v12, $0xA  }
0x405: {  	v14 =	vand.u32 $0x7FF, v14  }
0x406: {  	vm0 =	vge.s32 v12, v11;
	vm1 =	vge.s32 v14, v13  }
0x407: {  	vm2 =	vlt.s32 v12, v10;
	vm0 =	vmand vm0, vm1  }
0x408: {  	vm1 =	vge.s32 v12, v10;
	vm0 =	vmand vm0, vm2  }
0x409: {  	vm0 =	vmor vm1, vm0  }
0x40a: {  	v14 =	vmpcnt.ones.xlane vm0;
	_ =	sdelay $0x1  }
0x40b: {  	v14 =	vxor.u32 $0x80000000, v14  }
0x40c: {  	s2 =	sadd.s32 $0x10, s2;
	(xrf0) =	vmax.scan.msk.u32 $0xffff, v14;
	s6 =	spop (v2sf)  }
0x40d: {  	v14 =	vld [tilespmem:s2+$0x0];
	s3 =	sadd.s32 s6, s3  }
0x40e: {  	s3 =	sadd.s32 $0x80000000, s3  }
0x40f: {  	p2 =	slt.s32 s3, $0xF0  }
.Ltmp42:
0x410: {  	s3 =	simm.s32 @!p2 $0xF0;
	(pc) =	sbr.rel @p1 .LBB2_75-.Ltmp42, $4  }
0x411: {  	[tilespmem:s3+$0x1F700] =	vst.msk vm0, v12  }
0x412: {  	[tilespmem:s3+$0x1F800] =	vst.msk vm0, v14;
	v12, _, _ =	vpop (xrf0)  }
0x413: {  	s4 =	sadd.s32 $0x10, s4;
	(v2sf) =	vpush v12, $0xF  }
0x414: {  	s5 =	sadd.s32 $0xFFFFFFFF, s5;
	v12 =	vld [tilespmem:s4+$0x0]  }
.LBB2_76:
0x415: {  	_ =	sdelay $0x3  }
0x416: {  	v14 =	vshrl.u32 v12, $0xA  }
0x417: {  	v14 =	vand.u32 $0x7FF, v14  }
0x418: {  	vm0 =	vge.s32 v12, v11;
	vm1 =	vge.s32 v14, v13  }
0x419: {  	vm2 =	vlt.s32 v12, v10;
	vm0 =	vmand vm0, vm1  }
0x41a: {  	vm15 =	vge.s32 v12, v10;
	vm0 =	vmand vm0, vm2  }
0x41b: {  	vm0 =	vmor vm15, vm0  }
0x41c: {  	v10 =	vmpcnt.ones.xlane vm0;
	_ =	sdelay $0x1  }
0x41d: {  	v10 =	vxor.u32 $0x80000000, v10  }
0x41e: {  	(xrf0) =	vmax.scan.msk.u32 $0xffff, v10;
	_ =	sdelay $0x5  }
0x41f: {  	v10, _, _ =	vpop (xrf0)  }
0x420: {  	(v2sf) =	vpush v10, $0xF;
	_ =	sdelay $0x8  }
0x421: {  	s4 =	spop @p0 (v2sf)  }
0x422: {  	s3 =	sadd.s32 @p0 s4, s3  }
0x423: {  	s3 =	sadd.s32 @p0 $0x80000000, s3  }
0x424: {  	s2 =	sadd.s32 @p0 $0x10, s2;
	p1 =	slt.s32 @p0 s3, $0xF0  }
0x425: {  	s0 =	smov.u32 @p0 s2;
	p1 =	por !p1, !p0  }
0x426: {  	s3 =	simm.s32 @p1 $0xF0;
	v10 =	vld [tilespmem:s0+$0x0]  }
.Ltmp43:
0x427: {  	s1 =	smov.u32 @p0 s3;
	s31 =	spop (v2sf);
	(pc) =	sbr.rel .LBB2_77-.Ltmp43, $4  }
0x428: {  	s0 =	sadd.s32 s31, s1  }
0x429: {  	s0 =	sadd.s32 $0x80000000, s0  }
0x42a: {  	[tilespmem:s1+$0x1F700] =	vst.msk vm0, v12;
	p0 =	slt.s32 s0, $0xF0  }
0x42b: {  	[tilespmem:s1+$0x1F800] =	vst.msk vm0, v10;
	s0 =	simm.s32 @!p0 $0xF0  }
.LBB2_70:
0x42c: {  	s0 =	simm.s32 $0x0  }
.LBB2_77:
0x42d: {  	s1 =	sadd.s32 $0xF, s0  }
0x42e: {  	s4 =	sshra.s32 s1, $0x4  }
0x42f: {  	p0 =	slt.s32 s4, $0x1  }
.Ltmp44:
0x430: {  	_ = 	snop;
	(pc) =	sbr.rel @p0 .LBB2_84-.Ltmp44, $3  }
0x431: {  	_ =	sdelay $0x1  }
0x432: {  	[tilespmem:s0+$0x1F700] =	vst v8  }
0x433: {  	[tilespmem:s0+$0x1F800] =	vst v9  }
.Ltmp45:
0x434: {  	s1 =	sshra.s32 s0, $0x1F;
	(pc) =	sbr.rel .LBB2_79-.Ltmp45, $4  }
0x435: {  	s1 =	sshrl.u32 s1, $0x1E  }
0x436: {  	s1 =	sadd.s32 s1, s0  }
0x437: {  	s20 =	simm.s32 $0x0;
	s1 =	sand.u32 $0xFFFFFFFC, s1  }
0x438: {  	s7 =	ssub.s32 s1, s0;
	p0 =	slt.s32 s1, $0x1;
	p1 =	sge.s32 s1, s0  }
.LBB2_83:
0x439: {  	vm0 =	vlt.s32 v12, $0x64;
	s20 =	sadd.s32 $0x1, s20  }
0x43a: {  	p2 =	sne.s32 s20, s4  }
.Ltmp46:
0x43b: {  	_ = 	snop;
	(pc) =	sbr.rel @!p2 .LBB2_84-.Ltmp46, $2  }
0x43c: {  	_ =	sdelay $0x2  }
0x43d: {  	[tilespmem:v12+s26+$0x0] =	vst.idx.msk vm0, v10  }
.LBB2_79:
.Ltmp47:
0x43e: {  	(pc) =	sbr.rel @p0 .LBB2_80-.Ltmp47, $4  }
0x43f: {  	_ = 	snop  }
0x440: {  	s2 =	sshll.u32 s20, $0x4  }
0x441: {  	v11 =	vld [tilespmem:s2+$0x1F700]  }
0x442: {  	v10 =	vld [tilespmem:s2+$0x1F800]  }
0x443: {  	s2 =	simm.s32 $0x0  }
0x444: {  	s3 =	simm.s32 $0x3;
	v13 =	vmov s2  }
0x445: {  	v15 =	vmov s3;
	v13 =	vand.u32 $0xFFFFFFFC, v13  }
0x446: {  	v18 =	vbroadcast v13, $0x0;
	_ =	sdelay $0x1  }
0x447: {  	p3 =	sgt.s32 s1, $0x4  }
.Ltmp48:
0x448: {  	_ = 	snop;
	(pc) =	sbr.rel @!p3 .LBB2_88-.Ltmp48, $4  }
0x449: {  	s30 =	simm.s32 $0x1;
	s31 =	simm.s32 $0x2;
	v14 =	vld.idx.msk [tilespmem:v15+s16+$0x0], $0xffff  }
0x44a: {  	v16 =	vmov s31;
	v13 =	vmov s30;
	v17 =	vld.idx.msk [tilespmem:v15+s17+$0x0], $0xffff  }
0x44b: {  	v15 =	vand.u32 $0xFFFFFFFD, v13;
	v13 =	vand.u32 $0xFFFFFFFE, v16;
	v16 =	vld.idx.msk [tilespmem:v18+s16+$0x0], $0xffff  }
0x44c: {  	v12 =	vimm.s32 $0x0;
	p2 =	por $0x0, $0x0;
	s2 =	simm.s32 $0x4;
	v13 =	vbroadcast v13, $0x0;
	v15 =	vbroadcast v15, $0x0;
	v18 =	vld.idx.msk [tilespmem:v18+s17+$0x0], $0xffff  }
0x44d: {  	_ =	sdelay $0x3  }
0x44e: {  	s3 =	simm.s32 $0x7  }
0x44f: {  	v20 =	vmov s2;
	s31 =	simm.s32 $0x5;
	s5 =	simm.s32 $0x6;
	v19 =	vld.idx.msk [tilespmem:v13+s16+$0x0], $0xffff;
	v21 =	vmov s3  }
0x450: {  	v22 =	vld.idx.msk [tilespmem:v15+s16+$0x0], $0xffff;
	v20 =	vand.u32 $0xFFFFFFFC, v20;
	v23 =	vmov s31;
	v24 =	vmov s5  }
0x451: {  	v25 =	vld.idx.msk [tilespmem:v15+s17+$0x0], $0xffff;
	vm0 =	veq.s32 v14, v11;
	vm2 =	vgt.s32 v14, v11;
	v20 =	vbroadcast v20, $0x0  }
0x452: {  	v63 =	vld.idx.msk [tilespmem:v13+s17+$0x0], $0xffff;
	v15 =	vand.u32 $0xFFFFFFFD, v23;
	v23 =	vand.u32 $0xFFFFFFFE, v24;
	vm1 =	vlt.s32 v17, v10  }
0x453: {  	v13 =	vbroadcast v23, $0x0;
	v15 =	vbroadcast v15, $0x0;
	vm0 =	vmand vm0, vm1  }
0x454: {  	vm1 =	vgt.s32 v16, v11;
	vm3 =	veq.s32 v16, v11;
	vm4 =	vlt.s32 v18, v10  }
0x455: {  	p3 =	sgt.s32 s1, $0x8;
	vm3 =	vmand vm3, vm4;
	vm5 =	vgt.s32 v22, v11;
	vm6 =	vgt.s32 v19, v11  }
.Ltmp49:
0x456: {  	vm7 =	veq.s32 v19, v11;
	vm14 =	veq.s32 v22, v11;
	vm8 =	vlt.s32 v25, v10;
	(pc) =	sbr.rel @!p3 .LBB2_91-.Ltmp49, $4  }
0x457: {  	v14 =	vld.idx.msk [tilespmem:v21+s16+$0x0], $0xffff;
	vm1 =	vmor vm1, vm3;
	vm15 =	vlt.s32 v63, v10;
	vm3 =	vmand vm14, vm8  }
0x458: {  	v17 =	vld.idx.msk [tilespmem:v21+s17+$0x0], $0xffff;
	v18 =	vsel vm1, $0x1, v0;
	vm1 =	vmor vm5, vm3;
	vm3 =	vmand vm7, vm15  }
0x459: {  	v16 =	vld.idx.msk [tilespmem:v20+s16+$0x0], $0xffff;
	v19 =	vadd.s32 v18, v12;
	v21 =	vsel vm1, $0x1, v0;
	vm1 =	vmor vm6, vm3  }
0x45a: {  	s2 =	simm.s32 $0x8;
	p2 =	por $0x1, $0x1;
	vm0 =	vmor vm2, vm0;
	v18 =	vld.idx.msk [tilespmem:v20+s17+$0x0], $0xffff;
	v19 =	vadd.s32 v21, v19;
	v20 =	vsel vm1, $0x1, v0  }
.LBB2_90:
0x45b: {  	s3 =	sadd.s32 $0x3, s2;
	v21 =	vld.idx.msk [tilespmem:v13+s16+$0x0], $0xffff;
	v19 =	vadd.s32 v20, v19;
	v20 =	vsel vm0, $0x1, v0  }
0x45c: {  	v22 =	vmov s2;
	s5 =	sadd.s32 $0x1, s2;
	s6 =	sadd.s32 $0x2, s2;
	v23 =	vmov s3;
	v24 =	vld.idx.msk [tilespmem:v15+s16+$0x0], $0xffff;
	v19 =	vadd.s32 v20, v19  }
0x45d: {  	v20 =	vand.u32 $0xFFFFFFFC, v22;
	v22 =	vmov s5;
	v25 =	vmov s6;
	v26 =	vld.idx.msk [tilespmem:v15+s17+$0x0], $0xffff  }
0x45e: {  	v20 =	vbroadcast v20, $0x0;
	v15 =	vand.u32 $0xFFFFFFFD, v22;
	v22 =	vand.u32 $0xFFFFFFFE, v25;
	v25 =	vld.idx.msk [tilespmem:v13+s17+$0x0], $0xffff  }
0x45f: {  	vm1 =	veq.s32 v14, v11;
	vm2 =	vlt.s32 v17, v10;
	v13 =	vbroadcast v22, $0x0  }
0x460: {  	vm0 =	vgt.s32 v14, v11;
	v15 =	vbroadcast v15, $0x0;
	vm1 =	vmand vm1, vm2  }
0x461: {  	s2 =	sadd.s32 $0x4, s2;
	vm2 =	vgt.s32 v16, v11;
	vm3 =	veq.s32 v16, v11;
	vm4 =	vlt.s32 v18, v10  }
0x462: {  	p3 =	slt.s32 s2, s1;
	vm6 =	vgt.s32 v21, v11;
	vm7 =	veq.s32 v21, v11;
	vm5 =	vgt.s32 v24, v11  }
.Ltmp50:
0x463: {  	vm3 =	vmand vm3, vm4;
	vm4 =	veq.s32 v24, v11;
	vm8 =	vlt.s32 v26, v10;
	(pc) =	sbr.rel @p3 .LBB2_90-.Ltmp50, $4  }
0x464: {  	vm2 =	vmor vm2, vm3;
	vm3 =	vmand vm4, vm8;
	vm4 =	vlt.s32 v25, v10;
	v14 =	vld.idx.msk [tilespmem:v23+s16+$0x0], $0xffff  }
0x465: {  	v18 =	vsel vm2, $0x1, v0;
	vm2 =	vmor vm5, vm3;
	vm3 =	vmand vm7, vm4;
	v17 =	vld.idx.msk [tilespmem:v23+s17+$0x0], $0xffff  }
0x466: {  	v19 =	vadd.s32 v18, v19;
	v21 =	vsel vm2, $0x1, v0;
	vm2 =	vmor vm6, vm3;
	v16 =	vld.idx.msk [tilespmem:v20+s16+$0x0], $0xffff  }
0x467: {  	vm0 =	vmor vm0, vm1;
	v19 =	vadd.s32 v21, v19;
	v18 =	vld.idx.msk [tilespmem:v20+s17+$0x0], $0xffff;
	v20 =	vsel vm2, $0x1, v0  }
.LBB2_91:
0x468: {  	_ =	sdelay $0x3  }
0x469: {  	v21 =	vld.idx.msk [tilespmem:v15+s16+$0x0], $0xffff  }
0x46a: {  	v22 =	vld.idx.msk [tilespmem:v13+s16+$0x0], $0xffff  }
0x46b: {  	v19 =	vadd.s32 @p2 v20, v19;
	v20 =	vsel @p2 vm0, $0x1, v0;
	v15 =	vld.idx.msk [tilespmem:v15+s17+$0x0], $0xffff  }
0x46c: {  	v13 =	vld.idx.msk [tilespmem:v13+s17+$0x0], $0xffff;
	v19 =	vadd.s32 @p2 v20, v19;
	vm13 =	veq.s32 v14, v11;
	vm1 =	vlt.s32 v17, v10  }
0x46d: {  	vm2 =	vgt.s32 v14, v11;
	v12 =	vpsel p2, v19, v12;
	vm0 =	vmand vm13, vm1  }
0x46e: {  	vm14 =	vgt.s32 v16, v11;
	vm3 =	veq.s32 v16, v11;
	vm4 =	vlt.s32 v18, v10  }
0x46f: {  	vm5 =	vgt.s32 v21, v11;
	vm6 =	vgt.s32 v22, v11;
	vm7 =	veq.s32 v22, v11  }
0x470: {  	vm3 =	vmand vm3, vm4;
	vm15 =	veq.s32 v21, v11;
	vm8 =	vlt.s32 v15, v10  }
0x471: {  	vm12 =	vlt.s32 v13, v10;
	vm1 =	vmor vm14, vm3;
	vm11 =	vmand vm15, vm8  }
.Ltmp51:
0x472: {  	vm14 =	vmand vm7, vm12;
	v13 =	vsel vm1, $0x1, v0;
	vm13 =	vmor vm5, vm11;
	(pc) =	sbr.rel .LBB2_81-.Ltmp51, $4  }
0x473: {  	vm15 =	vmor vm6, vm14;
	v12 =	vadd.s32 v13, v12;
	v13 =	vsel vm13, $0x1, v0  }
0x474: {  	vm0 =	vmor vm2, vm0;
	v12 =	vadd.s32 v13, v12;
	v13 =	vsel vm15, $0x1, v0  }
0x475: {  	v12 =	vadd.s32 v13, v12;
	v13 =	vsel vm0, $0x1, v0  }
0x476: {  	v12 =	vadd.s32 v13, v12  }
.LBB2_80:
0x477: {  	v12 =	vimm.s32 $0x0  }
.LBB2_81:
.Ltmp52:
0x478: {  	(pc) =	sbr.rel @p1 .LBB2_83-.Ltmp52, $2  }
0x479: {  	_ =	sdelay $0x2  }
0x47a: {  	s2 =	smov.u32 s7  }
.LBB2_82:
0x47b: {  	s3 =	sadd.s32 s2, s0  }
0x47c: {  	v13 =	vmov s3;
	_ =	sdelay $0x4  }
0x47d: {  	v14 =	vld.idx.msk [tilespmem:v13+s16+$0x0], $0xffff  }
0x47e: {  	v13 =	vld.idx.msk [tilespmem:v13+s17+$0x0], $0xffff;
	_ =	sdelay $0x2  }
0x47f: {  	s2 =	sadd.s32 $0x1, s2  }
0x480: {  	p2 =	seq.s32 s2, $0x0  }
.Ltmp53:
0x481: {  	vm0 =	veq.s32 v14, v11;
	vm1 =	vlt.s32 v13, v10;
	(pc) =	sbr.rel @!p2 .LBB2_82-.Ltmp53, $4  }
0x482: {  	vm2 =	vgt.s32 v14, v11;
	vm0 =	vmand vm0, vm1  }
0x483: {  	vm0 =	vmor vm2, vm0  }
0x484: {  	v13 =	vsel vm0, $0x1, v0  }
0x485: {  	v12 =	vadd.s32 v13, v12  }
.Ltmp54:
0x486: {  	_ = 	snop;
	(pc) =	sbr.rel .LBB2_83-.Ltmp54, $1  }
0x487: {  	_ =	sdelay $0x3  }
.LBB2_88:
.Ltmp55:
0x488: {  	(pc) =	sbr.rel .LBB2_91-.Ltmp55, $2  }
0x489: {  	_ =	sdelay $0x2  }
0x48a: {  	_ = 	snop  }
.LBB2_35:
0x48b: {  	p0 =	por $0x0, $0x0  }
0x48c: {  	s0 =	simm.s32 @!p0 $0x0  }
0x48d: {  	s0 =	simm.s32 @p0 $0x1;
	p0 =	por $0x0, $0x0  }
0x48e: {  	[smem:$0x7FA] =	sst s0;
	s0 =	simm.s32 @!p0 $0x0  }
0x48f: {  	s0 =	simm.s32 @p0 $0x1;
	p0 =	por $0x0, $0x0  }
.Ltmp56:
0x490: {  	[smem:$0x7FB] =	sst s0;
	s0 =	simm.s32 @!p0 $0x0;
	(pc) =	sbr.rel .LBB2_50-.Ltmp56, $4  }
0x491: {  	p3 =	por $0x0, $0x0;
	s0 =	simm.s32 @p0 $0x1;
	p0 =	por $0x0, $0x0  }
0x492: {  	s21 =	smov.u32 s22;
	[smem:$0x7FC] =	sst s0;
	s0 =	simm.s32 @!p0 $0x0  }
0x493: {  	s1 =	simm.s32 $0x0;
	s30 =	simm.s32 $0x0;
	s0 =	simm.s32 @p0 $0x1  }
0x494: {  	s12 =	simm.s32 $0x800;
	p0 =	por $0x0, $0x0;
	[smem:$0x7FD] =	sst s0  }
.LBB2_37:
0x495: {  	p0 =	por $0x1, $0x1  }
0x496: {  	s0 =	simm.s32 @!p0 $0x0  }
0x497: {  	s0 =	simm.s32 @p0 $0x1;
	p0 =	por $0x0, $0x0  }
0x498: {  	[smem:$0x7FA] =	sst s0;
	s0 =	simm.s32 @!p0 $0x0  }
0x499: {  	p3 =	por $0x0, $0x0;
	s0 =	simm.s32 @p0 $0x1;
	p0 =	por $0x0, $0x0  }
.Ltmp57:
0x49a: {  	[smem:$0x7FB] =	sst s0;
	s0 =	simm.s32 @!p0 $0x0;
	(pc) =	sbr.rel .LBB2_50-.Ltmp57, $4  }
0x49b: {  	s21 =	smov.u32 s22;
	s0 =	simm.s32 @p0 $0x1;
	p0 =	por $0x0, $0x0  }
0x49c: {  	s1 =	simm.s32 $0x0;
	[smem:$0x7FC] =	sst s0;
	s0 =	simm.s32 @!p0 $0x0  }
0x49d: {  	s30 =	simm.s32 $0x0;
	s7 =	simm.s32 $0x800;
	s0 =	simm.s32 @p0 $0x1  }
0x49e: {  	v10 =	vmov v13;
	s12 =	simm.s32 $0x7F0;
	p0 =	por $0x0, $0x0;
	[smem:$0x7FD] =	sst s0  }
.LBB2_39:
0x49f: {  	p0 =	por $0x1, $0x1  }
0x4a0: {  	s0 =	simm.s32 @!p0 $0x0  }
0x4a1: {  	s0 =	simm.s32 @p0 $0x1;
	p0 =	por $0x0, $0x0  }
0x4a2: {  	p3 =	por $0x1, $0x1;
	[smem:$0x7FA] =	sst s0;
	s0 =	simm.s32 @!p0 $0x0  }
0x4a3: {  	s21 =	smov.u32 s22;
	s0 =	simm.s32 @p0 $0x1;
	p0 =	por $0x0, $0x0  }
.Ltmp58:
0x4a4: {  	[smem:$0x7FB] =	sst s0;
	s0 =	simm.s32 @!p0 $0x0;
	(pc) =	sbr.rel .LBB2_50-.Ltmp58, $4  }
0x4a5: {  	s1 =	simm.s32 $0x0;
	s0 =	simm.s32 @p0 $0x1;
	p0 =	por $0x0, $0x0  }
0x4a6: {  	s30 =	simm.s32 $0x0;
	[smem:$0x7FC] =	sst s0;
	s0 =	simm.s32 @!p0 $0x0  }
0x4a7: {  	s19 =	simm.s32 $0x800;
	s7 =	simm.s32 $0x7F0;
	s0 =	simm.s32 @p0 $0x1  }
0x4a8: {  	v10 =	vmov v11;
	s12 =	simm.s32 $0x7E0;
	p0 =	por $0x0, $0x0;
	[smem:$0x7FD] =	sst s0  }
0x4a9: {  	_ = 	snop  }
.LBB2_41:
0x4aa: {  	p0 =	por $0x1, $0x1  }
0x4ab: {  	p3 =	por $0x1, $0x1;
	s0 =	simm.s32 @!p0 $0x0  }
0x4ac: {  	s21 =	smov.u32 s22;
	s0 =	simm.s32 @p0 $0x1;
	p0 =	por $0x1, $0x1  }
0x4ad: {  	s1 =	simm.s32 $0x0;
	[smem:$0x7FA] =	sst s0;
	s0 =	simm.s32 @!p0 $0x0  }
0x4ae: {  	s30 =	smov.u32 s5;
	s0 =	simm.s32 @p0 $0x1;
	p0 =	por $0x0, $0x0  }
.Ltmp59:
0x4af: {  	[smem:$0x7FB] =	sst s0;
	s0 =	simm.s32 @!p0 $0x0;
	(pc) =	sbr.rel .LBB2_50-.Ltmp59, $4  }
0x4b0: {  	s2 =	smov.u32 s5;
	s0 =	simm.s32 @p0 $0x1;
	p0 =	por $0x0, $0x0  }
0x4b1: {  	s9 =	simm.s32 $0x800;
	[smem:$0x7FC] =	sst s0;
	s0 =	simm.s32 @!p0 $0x0  }
0x4b2: {  	s19 =	simm.s32 $0x7F0;
	s7 =	simm.s32 $0x7E0;
	s0 =	simm.s32 @p0 $0x1  }
0x4b3: {  	s12 =	simm.s32 $0x7D0;
	p0 =	por $0x0, $0x0;
	[smem:$0x7FD] =	sst s0  }
.LBB2_43:
0x4b4: {  	p0 =	por $0x1, $0x1;
	p3 =	por $0x1, $0x1  }
0x4b5: {  	s21 =	smov.u32 s22;
	s6 =	simm.s32 $0x800;
	s1 =	simm.s32 $0x0  }
.Ltmp60:
0x4b6: {  	s30 =	smov.u32 s11;
	s0 =	simm.s32 @!p0 $0x0;
	(pc) =	sbr.rel .LBB2_50-.Ltmp60, $4  }
0x4b7: {  	s20 =	smov.u32 s5;
	s0 =	simm.s32 @p0 $0x1;
	p0 =	por $0x0, $0x0  }
0x4b8: {  	s2 =	smov.u32 s11;
	[smem:$0x7FA] =	sst s0;
	s0 =	simm.s32 @!p0 $0x0  }
0x4b9: {  	s9 =	simm.s32 $0x7F0;
	s19 =	simm.s32 $0x7E0;
	s0 =	simm.s32 @p0 $0x1  }
0x4ba: {  	v10 =	vmov v11;
	s7 =	simm.s32 $0x7D0;
	p0 =	por $0x0, $0x0;
	[smem:$0x7FD] =	sst s0  }
0x4bb: {  	_ = 	snop  }
.LBB2_45:
0x4bc: {  	p0 =	por $0x1, $0x1  }
0x4bd: {  	p3 =	por $0x1, $0x1;
	s3 =	simm.s32 $0x800;
	s6 =	simm.s32 $0x7F0  }
.Ltmp61:
0x4be: {  	s1 =	simm.s32 $0x0;
	s9 =	simm.s32 $0x7E0;
	(pc) =	sbr.rel .LBB2_50-.Ltmp61, $4  }
0x4bf: {  	s30 =	smov.u32 s8;
	s20 =	smov.u32 s11;
	s2 =	smov.u32 s8  }
0x4c0: {  	s19 =	simm.s32 $0x7D0;
	s7 =	simm.s32 $0x7C0;
	s0 =	simm.s32 @!p0 $0x0  }
0x4c1: {  	s12 =	simm.s32 $0x7B0;
	s29 =	simm.s32 $0x0;
	s0 =	simm.s32 @p0 $0x1  }
0x4c2: {  	v12 =	vmov v11;
	p0 =	por $0x0, $0x0;
	[smem:$0x7FA] =	sst s0;
	s0 =	smov.u32 s5  }
.LBB2_47:
0x4c3: {  	p0 =	por $0x1, $0x1;
	p3 =	por $0x1, $0x1  }
.Ltmp62:
0x4c4: {  	s3 =	simm.s32 $0x7F0;
	s6 =	simm.s32 $0x7E0;
	(pc) =	sbr.rel .LBB2_50-.Ltmp62, $4  }
0x4c5: {  	s20 =	smov.u32 s8;
	s2 =	smov.u32 s30;
	s9 =	simm.s32 $0x7D0  }
0x4c6: {  	s19 =	simm.s32 $0x7C0;
	s12 =	simm.s32 $0x7A0;
	s0 =	simm.s32 @!p0 $0x0  }
0x4c7: {  	s29 =	simm.s32 $0x0;
	p5 =	por $0x0, $0x0;
	s0 =	simm.s32 @p0 $0x1  }
0x4c8: {  	v10 =	vmov v13;
	p0 =	por $0x0, $0x0;
	[smem:$0x7FA] =	sst s0;
	s0 =	smov.u32 s11  }
.LBB2_55:
.Ltmp63:
0x4c9: {  	(pc) =	sbr.rel .LBB2_66-.Ltmp63, $2  }
0x4ca: {  	_ =	sdelay $0x2  }
0x4cb: {  	s2 =	simm.s32 $0x0;
	s3 =	simm.s32 $0x1F100  }
.LBB2_72:
.Ltmp64:
0x4cc: {  	(pc) =	sbr.rel .LBB2_76-.Ltmp64, $2  }
0x4cd: {  	_ =	sdelay $0x2  }
0x4ce: {  	s2 =	simm.s32 $0x1F400;
	s3 =	simm.s32 $0x0  }
.LBB2_57:
.Ltmp65:
0x4cf: {  	(pc) =	sbr.rel .LBB2_66-.Ltmp65, $2  }
0x4d0: {  	_ =	sdelay $0x2  }
0x4d1: {  	s2 =	simm.s32 $0x0;
	s3 =	simm.s32 $0x1F100  }
.LBB2_74:
.Ltmp66:
0x4d2: {  	(pc) =	sbr.rel .LBB2_76-.Ltmp66, $2  }
0x4d3: {  	_ =	sdelay $0x2  }
0x4d4: {  	s2 =	simm.s32 $0x1F400;
	s3 =	simm.s32 $0x0  }
.LBB2_59:
.Ltmp67:
0x4d5: {  	(pc) =	sbr.rel .LBB2_66-.Ltmp67, $2  }
0x4d6: {  	_ =	sdelay $0x2  }
0x4d7: {  	s2 =	simm.s32 $0x0;
	s3 =	simm.s32 $0x1F100  }
.LBB2_61:
.Ltmp68:
0x4d8: {  	(pc) =	sbr.rel .LBB2_66-.Ltmp68, $2  }
0x4d9: {  	_ =	sdelay $0x2  }
0x4da: {  	vm3 =	vmmov vm0;
	v13 =	vmovc v12;
	vm4 =	vmmov vm1;
	vm5 =	vmmov vm2;
	s2 =	simm.s32 $0x0  }
.LBB2_63:
.Ltmp69:
0x4db: {  	(pc) =	sbr.rel .LBB2_66-.Ltmp69, $2  }
0x4dc: {  	_ =	sdelay $0x2  }
0x4dd: {  	s2 =	simm.s32 $0x0  }
.LBB2_86:
0x4de: {  	_ =	sfence.sel $0x180000  }
0x4df: {  	[bflag:$0x0] =	sbarrier.arrive $0xFFFF  }
0x4e0: {  	_ =	strace $0x90000047  }
0x4e1: {  	s0 =	stileid.u32;
	[bflag:$0x2] =	sbarrier.arrive $0xFFFF  }
0x4e2: {  	p0 =	sne.s32 s0, $0x0;
	s0 =	rddreg [dreg:$0x2]  }
0x4e3: {  	s0 =	sadd.s32 @!p0 $0x100000, s0  }
0x4e4: {  	[sflag:s0] =	ssyncadd.tile.s32 @!p0 $0x1;
	_ =	shalt  }
.Lfunc_end2:
_tile_overlayer_lowered:
.L_overlay_start_2:
0x4e5: {  	(tag) =	ssettag $0x2  }
0x4e6: {  	s0 =	rddreg [dreg:$0x0];
	s2 =	stileid.u32  }
0x4e7: {  	s1 =	rddreg [dreg:$0x1];
	p0 =	sne.s32 s2, $0x0  }
0x4e8: {  	s3 =	rddreg [dreg:$0x2];
	[bflag:$0x3] =	sbarrier.arrive $0xFFFF;
	s2 =	simm.s32 @!p0 $0x1C03  }
0x4e9: {  	[timem:s3], [sflag:s2] =	dma.local @!p0 [hbm:s0], s1  }
0x4ea: {  	s0 =	simm.s32 @!p0 $0x3  }
0x4eb: {  	_ =	swait.ge @!p0 [sflag:s0], s1  }
0x4ec: {  	s1 =	ssub.s32 @!p0 $0x0, s1;
	[sflag:s0] =	ssyncset.done @!p0 $0x0  }
0x4ed: {  	[sflag:s0] =	ssyncadd.s32 @!p0 s1  }
0x4ee: {  	[bflag:$0x3] =	sbarrier.arrive $0xFFFF  }
0x4ef: {  	_ =	shalt  }

</sc_bundles>
